<compile_context>
chip_gen: v7x
topology: tpu7x:2x2x1
jax: 0.10.2.dev20260603
libtpu: 0.0.44.dev20260713+nightly
codegen_flags: <defaults>
</compile_context>

<pallas_src>
import functools
import math

import numpy as np
import jax
import jax.numpy as jnp
from jax.experimental import pallas as pl
from jax.experimental.pallas import tpu as pltpu

_N_CHROMA = 12
_HIDDEN = 512
_LATENT = 256
_LAYERS = 4
_HEADS = 8
_DEPTH = 8
_WINDOW = 16
_DH = _HIDDEN // _HEADS

_QB = 128
_PAIR = 2
_XB = 1024
_NEG = -1e30


def _cantor_coordinates(T):
    coords = np.zeros((T,), dtype=np.float64)
    for pos in range(T):
        x = pos / max(1, T - 1)
        x = max(1e-06, min(x, 1.0 - 1e-06))
        val = 0.0
        factor = 0.5
        for _ in range(_DEPTH):
            x *= 3.0
            digit = int(x)
            x -= digit
            if digit == 2:
                val += factor
            factor *= 0.5
        coords[pos] = val
    return coords


@functools.lru_cache(maxsize=None)
def _routing(T):
    coords = _cantor_coordinates(T)
    w = min(_WINDOW, T)
    routes = np.zeros((T, _WINDOW), dtype=np.int64)
    for i in range(T):
        d = np.abs(coords - coords[i])
        idx = np.argsort(d, kind='stable')[:w]
        routes[i, :w] = idx
    perm = np.argsort(coords, kind='stable')
    rank = np.empty((T,), dtype=np.int64)
    rank[perm] = np.arange(T)
    r_ranks = rank[routes]

    nblk = T // _QB
    offs = np.zeros((nblk,), dtype=np.int32)
    width = 0
    for q in range(nblk):
        toks = perm[q * _QB:(q + 1) * _QB]
        lo = int(r_ranks[toks].min())
        hi = int(r_ranks[toks].max())
        lo = (lo // 8) * 8
        offs[q] = lo
        width = max(width, hi - lo + 1)
    KW = min(T, max(128, ((width + 127) // 128) * 128))
    offs = np.minimum(offs, T - KW).astype(np.int32)

    mask = np.full((nblk, _QB, KW), _NEG, dtype=np.float32)
    for q in range(nblk):
        toks = perm[q * _QB:(q + 1) * _QB]
        for r in range(_QB):
            cols = r_ranks[toks[r]] - offs[q]
            mask[q, r, cols] = 0.0
    return perm, rank, offs, mask, KW


@functools.lru_cache(maxsize=None)
def _circular_enc():
    enc = np.zeros((_N_CHROMA, _HIDDEN), dtype=np.float32)
    for i in range(_N_CHROMA):
        for j in range(_HIDDEN // 2):
            freq = (j + 1) / (_HIDDEN / 2)
            angle = 2 * math.pi * i * freq / _N_CHROMA
            enc[i, 2 * j] = math.cos(angle)
            enc[i, 2 * j + 1] = math.sin(angle)
    return enc


def _ln(y, g, b):
    m = jnp.mean(y, axis=-1, keepdims=True)
    d = y - m
    v = jnp.mean(d * d, axis=-1, keepdims=True)
    return d * jax.lax.rsqrt(v + 1e-05) * g + b


def _dot(a, b, trans_b=False):
    dn = (((1,), (1 if trans_b else 0,)), ((), ()))
    return jax.lax.dot_general(a, b, dn, preferred_element_type=jnp.float32)


def _gelu(x):
    return 0.5 * x * (1.0 + jax.lax.erf(x * (1.0 / math.sqrt(2.0))))


def _bf(ref):
    return ref[0].astype(jnp.bfloat16)


def _write_qkv(z16, t_ref, l, wq_ref, wk_ref, wv_ref,
               bq_ref, bk_ref, bv_ref, qkv_ref):
    scale = 1.0 / (math.sqrt(_DH) * jnp.abs(t_ref[l]))
    qv = (_dot(z16, _bf(wq_ref)) + bq_ref[0]) * scale
    qkv_ref[0, :, 0:_HIDDEN] = qv.astype(jnp.bfloat16)
    kv = _dot(z16, _bf(wk_ref)) + bk_ref[0]
    qkv_ref[0, :, _HIDDEN:2 * _HIDDEN] = kv.astype(jnp.bfloat16)
    vv = _dot(z16, _bf(wv_ref)) + bv_ref[0]
    qkv_ref[0, :, 2 * _HIDDEN:3 * _HIDDEN] = vv.astype(jnp.bfloat16)


def _embed_qkv_body(t_ref, c_ref, we_ref, enc_ref, be_ref,
                    wq_ref, wk_ref, wv_ref, bq_ref, bk_ref, bv_ref,
                    x_ref, qkv_ref):
    w = we_ref[...] + enc_ref[...]
    x = _dot(c_ref[0], w) + be_ref[...]
    x_ref[0] = x
    _write_qkv(x.astype(jnp.bfloat16), t_ref, 0,
               wq_ref, wk_ref, wv_ref, bq_ref, bk_ref, bv_ref, qkv_ref)


def _attn_body(offs_ref, qkv_ref, m_ref, a_ref, *, KW, shift):
    qq = pl.program_id(1)
    for j in range(_PAIR):
        off = pl.multiple_of(offs_ref[qq * _PAIR + j], 8)
        row0 = (qq * _PAIR + j) * _QB
        Qb = qkv_ref[0, pl.ds(row0, _QB), 0:_HIDDEN]
        K = qkv_ref[0, pl.ds(off, KW), _HIDDEN:2 * _HIDDEN]
        V = qkv_ref[0, pl.ds(off, KW), 2 * _HIDDEN:3 * _HIDDEN]
        mask = m_ref[0, j * _QB:(j + 1) * _QB, :]

        outs = []
        for h in range(_HEADS):
            sl = slice(h * _DH, (h + 1) * _DH)
            s = _dot(Qb[:, sl], K[:, sl], trans_b=True) + mask
            if shift:
                s = s - jnp.max(s, axis=-1, keepdims=True)
            e = jnp.exp(s)
            o = _dot(e.astype(jnp.bfloat16), V[:, sl])
            outs.append(o / jnp.sum(e, axis=-1, keepdims=True))
        a_ref[0, j * _QB:(j + 1) * _QB, :] = (
            jnp.concatenate(outs, axis=-1).astype(jnp.bfloat16))


def _post_attn(a_ref, x_ref, wo_ref, bo_ref, g_ref, be_ref,
               w1_ref, b1_ref, w2_ref, b2_ref):
    y = _dot(a_ref[0], _bf(wo_ref)) + bo_ref[0] + x_ref[0]
    y = _ln(y, g_ref[0], be_ref[0])
    h = _gelu(_dot(y.astype(jnp.bfloat16), _bf(w1_ref)) + b1_ref[0])
    z = _dot(h.astype(jnp.bfloat16), _bf(w2_ref)) + b2_ref[0] + y
    return _ln(z, g_ref[0], be_ref[0])


def _ffn_qkv_body(t_ref, a_ref, x_ref, wo_ref, bo_ref, g_ref, be_ref,
                  w1_ref, b1_ref, w2_ref, b2_ref,
                  wq_ref, wk_ref, wv_ref, bq_ref, bk_ref, bv_ref,
                  x_out_ref, qkv_ref, *, l):
    z = _post_attn(a_ref, x_ref, wo_ref, bo_ref, g_ref, be_ref,
                   w1_ref, b1_ref, w2_ref, b2_ref)
    x_out_ref[0] = z
    _write_qkv(z.astype(jnp.bfloat16), t_ref, l,
               wq_ref, wk_ref, wv_ref, bq_ref, bk_ref, bv_ref, qkv_ref)


def _ffn_final_body(a_ref, x_ref, wo_ref, bo_ref, g_ref, be_ref,
                    w1_ref, b1_ref, w2_ref, b2_ref,
                    wmu_ref, bmu_ref, wlv_ref, blv_ref, mu_ref, lv_ref):
    z = _post_attn(a_ref, x_ref, wo_ref, bo_ref, g_ref, be_ref,
                   w1_ref, b1_ref, w2_ref, b2_ref)
    z16 = z.astype(jnp.bfloat16)
    mu_ref[0] = _dot(z16, wmu_ref[...].astype(jnp.bfloat16)) + bmu_ref[...]
    lv_ref[0] = _dot(z16, wlv_ref[...].astype(jnp.bfloat16)) + blv_ref[...]


def _vspec(block, index_map):
    return pl.BlockSpec(block, index_map)


def _const_spec(shape):
    return pl.BlockSpec(shape, lambda *_: (0,) * len(shape))


def _layer_spec(shape, l):
    return pl.BlockSpec(shape, lambda *_, _l=l: (_l,) + (0,) * (len(shape) - 1))


def kernel(chroma, params):
    B, T, C = chroma.shape
    assert C == _N_CHROMA and T % _XB == 0 and T % (_QB * _PAIR) == 0
    perm, rank, offs_np, mask_np, KW = _routing(T)
    nblk = T // _QB
    f32, bf16 = jnp.float32, jnp.bfloat16
    H, FF = _HIDDEN, 4 * _HIDDEN
    smem = pl.BlockSpec(memory_space=pltpu.SMEM)

    xp = jnp.take(chroma, jnp.asarray(perm), axis=1)
    enc = jnp.asarray(_circular_enc())

    def qkv_weight_args(l):
        L = _LAYERS
        specs = [_layer_spec((1, H, H), l), _layer_spec((1, H, H), l),
                 _layer_spec((1, H, H), l), _layer_spec((1, 1, H), l),
                 _layer_spec((1, 1, H), l), _layer_spec((1, 1, H), l)]
        vals = (params['Wq'], params['Wk'], params['Wv'],
                params['bq'].reshape(L, 1, H), params['bk'].reshape(L, 1, H),
                params['bv'].reshape(L, 1, H))
        return specs, vals

    qspecs0, qvals0 = qkv_weight_args(0)
    x, qkv = pl.pallas_call(
        _embed_qkv_body,
        grid=(B,),
        in_specs=[smem,
                  _vspec((1, T, C), lambda b: (b, 0, 0)),
                  _const_spec((C, H)),
                  _const_spec((C, H)),
                  _const_spec((1, H))] + qspecs0,
        out_specs=(_vspec((1, T, H), lambda b: (b, 0, 0)),
                   _vspec((1, T, 3 * H), lambda b: (b, 0, 0))),
        out_shape=(jax.ShapeDtypeStruct((B, T, H), f32),
                   jax.ShapeDtypeStruct((B, T, 3 * H), bf16)),
    )(params['temp'], xp, params['emb_W'], enc,
      params['emb_b'].reshape(1, H), *qvals0)

    offs = jnp.asarray(offs_np)
    mask = jnp.asarray(mask_np.reshape(nblk // _PAIR, _PAIR * _QB, KW))

    def attn_call_for(shift):
        return pl.pallas_call(
            functools.partial(_attn_body, KW=KW, shift=shift),
            grid=(B, nblk // _PAIR),
            in_specs=[smem,
                      _vspec((1, T, 3 * H), lambda b, q: (b, 0, 0)),
                      _vspec((1, _PAIR * _QB, KW), lambda b, q: (q, 0, 0))],
            out_specs=_vspec((1, _PAIR * _QB, H), lambda b, q: (b, q, 0)),
            out_shape=jax.ShapeDtypeStruct((B, T, H), bf16),
        )
    attn_calls = [attn_call_for(True), attn_call_for(False)]

    def layer_common(l):
        specs = [_vspec((1, _XB, H), lambda b, i: (b, i, 0)),
                 _vspec((1, _XB, H), lambda b, i: (b, i, 0)),
                 _layer_spec((1, H, H), l), _layer_spec((1, 1, H), l),
                 _layer_spec((1, 1, H), l), _layer_spec((1, 1, H), l),
                 _layer_spec((1, H, FF), l), _layer_spec((1, 1, FF), l),
                 _layer_spec((1, FF, H), l), _layer_spec((1, 1, H), l)]
        L = _LAYERS
        vals = (params['Wo'], params['bo'].reshape(L, 1, H),
                params['ln_g'].reshape(L, 1, H), params['ln_b'].reshape(L, 1, H),
                params['W1'], params['b1'].reshape(L, 1, FF),
                params['W2'], params['b2'].reshape(L, 1, H))
        return specs, vals

    for l in range(_LAYERS):
        attn = attn_calls[min(l, 1)](offs, qkv, mask)
        cspecs, cvals = layer_common(l)
        if l < _LAYERS - 1:
            qspecs, qvals = qkv_weight_args(l + 1)
            x, qkv = pl.pallas_call(
                functools.partial(_ffn_qkv_body, l=l + 1),
                grid=(B, T // _XB),
                in_specs=[smem] + cspecs + qspecs,
                out_specs=(_vspec((1, _XB, H), lambda b, i: (b, i, 0)),
                           _vspec((1, _XB, 3 * H), lambda b, i: (b, i, 0))),
                out_shape=(jax.ShapeDtypeStruct((B, T, H), f32),
                           jax.ShapeDtypeStruct((B, T, 3 * H), bf16)),
            )(params['temp'], attn, x, *cvals, *qvals)
        else:
            mu_p, lv_p = pl.pallas_call(
                _ffn_final_body,
                grid=(B, T // _XB),
                in_specs=cspecs + [_const_spec((H, _LATENT)),
                                   _const_spec((1, _LATENT)),
                                   _const_spec((H, _LATENT)),
                                   _const_spec((1, _LATENT))],
                out_specs=(_vspec((1, _XB, _LATENT), lambda b, i: (b, i, 0)),
                           _vspec((1, _XB, _LATENT), lambda b, i: (b, i, 0))),
                out_shape=(jax.ShapeDtypeStruct((B, T, _LATENT), f32),
                           jax.ShapeDtypeStruct((B, T, _LATENT), f32)),
            )(attn, x, *cvals, params['Wmu'],
              params['bmu'].reshape(1, _LATENT), params['Wlv'],
              params['blv'].reshape(1, _LATENT))

    r = jnp.asarray(rank)
    return (jnp.take(mu_p, r, axis=1), jnp.take(lv_p, r, axis=1))

# --- scband reference (transcript-rebuilt; emitter-appended) ---
"""Pipeline reference for scband-chroma-encoder-53566832116024 (READ-ONLY COPY).

The authoritative reference and input builder live on the scoring server;
editing this copy changes nothing except your own understanding.
"""

import jax, jax.numpy as jnp
import numpy as np
import math

N_CHROMA = 12
HIDDEN = 512
LATENT = 256
LAYERS = 4
HEADS = 8
DEPTH = 8
WINDOW = 16

def _cantor_coord(pos, max_len, depth):
    x = pos / max(1, max_len - 1)
    x = max(1e-06, min(x, 1.0 - 1e-06))
    val = 0.0
    factor = 0.5
    for _ in range(depth):
        x *= 3.0
        digit = int(x)
        x -= digit
        if digit == 2:
            val += factor
        factor *= 0.5
    return val

def _build_routes(T):
    coords = np.array([_cantor_coord(i, T, DEPTH) for i in range(T)], dtype=np.float64)
    w = min(WINDOW, T)
    routes = np.zeros((T, WINDOW), dtype=np.int32)
    for i in range(T):
        d = np.abs(coords - coords[i])
        idx = np.argsort(d, kind='stable')[:w]
        routes[i, :w] = idx
    return routes

def _circular_encoding():
    enc = np.zeros((N_CHROMA, HIDDEN), dtype=np.float32)
    for i in range(N_CHROMA):
        for j in range(HIDDEN // 2):
            freq = (j + 1) / (HIDDEN / 2)
            angle = 2 * math.pi * i * freq / N_CHROMA
            enc[i, 2 * j] = math.cos(angle)
            enc[i, 2 * j + 1] = math.sin(angle)
    return enc

def _layernorm(x, g, b):
    mu = jnp.mean(x, axis=-1, keepdims=True)
    var = jnp.var(x, axis=-1, keepdims=True)
    return (x - mu) / jnp.sqrt(var + 1e-05) * g + b

def _forward(chroma, params):
    B, T, C = chroma.shape
    enc = jnp.asarray(_circular_encoding())
    x = chroma @ params['emb_W'] + params['emb_b']
    x = x + jnp.einsum('btc,cd->btd', chroma, enc)
    routes = jnp.asarray(_build_routes(T))
    dh = HIDDEN // HEADS
    for l in range(LAYERS):
        Q = (x @ params['Wq'][l] + params['bq'][l]).reshape(B, T, HEADS, dh).transpose(0, 2, 1, 3)
        K = (x @ params['Wk'][l] + params['bk'][l]).reshape(B, T, HEADS, dh).transpose(0, 2, 1, 3)
        V = (x @ params['Wv'][l] + params['bv'][l]).reshape(B, T, HEADS, dh).transpose(0, 2, 1, 3)
        kn = K[:, :, routes, :]
        vn = V[:, :, routes, :]
        scores = jnp.einsum('bhtd,bhtwd->bhtw', Q, kn) / math.sqrt(dh)
        scores = scores / jnp.abs(params['temp'][l])
        a = jax.nn.softmax(scores, axis=-1)
        attn = jnp.einsum('bhtw,bhtwd->bhtd', a, vn)
        attn = attn.transpose(0, 2, 1, 3).reshape(B, T, HIDDEN)
        attn = attn @ params['Wo'][l] + params['bo'][l]
        x = _layernorm(x + attn, params['ln_g'][l], params['ln_b'][l])
        h = jax.nn.gelu(x @ params['W1'][l] + params['b1'][l], approximate=False)
        h = h @ params['W2'][l] + params['b2'][l]
        x = _layernorm(x + h, params['ln_g'][l], params['ln_b'][l])
    mu = x @ params['Wmu'] + params['bmu']
    logvar = x @ params['Wlv'] + params['blv']
    return (mu, logvar)

def setup_inputs(seed: int = 0):
    key = jax.random.key(seed)
    ks = jax.random.split(key, 12)
    B, T = 4, 2048
    chroma = jax.random.uniform(ks[0], (B, T, N_CHROMA), dtype=jnp.float32)
    s = 0.02
    params = {
        'emb_W': jax.random.normal(ks[1], (N_CHROMA, HIDDEN), jnp.float32) * s,
        'emb_b': jnp.zeros((HIDDEN,), jnp.float32),
        'Wq': jax.random.normal(ks[2], (LAYERS, HIDDEN, HIDDEN), jnp.float32) * s,
        'bq': jnp.zeros((LAYERS, HIDDEN), jnp.float32),
        'Wk': jax.random.normal(ks[3], (LAYERS, HIDDEN, HIDDEN), jnp.float32) * s,
        'bk': jnp.zeros((LAYERS, HIDDEN), jnp.float32),
        'Wv': jax.random.normal(ks[4], (LAYERS, HIDDEN, HIDDEN), jnp.float32) * s,
        'bv': jnp.zeros((LAYERS, HIDDEN), jnp.float32),
        'Wo': jax.random.normal(ks[5], (LAYERS, HIDDEN, HIDDEN), jnp.float32) * s,
        'bo': jnp.zeros((LAYERS, HIDDEN), jnp.float32),
        'temp': jnp.full((LAYERS,), 0.07, jnp.float32),
        'ln_g': jnp.ones((LAYERS, HIDDEN), jnp.float32),
        'ln_b': jnp.zeros((LAYERS, HIDDEN), jnp.float32),
        'W1': jax.random.normal(ks[6], (LAYERS, HIDDEN, 4 * HIDDEN), jnp.float32) * s,
        'b1': jnp.zeros((LAYERS, 4 * HIDDEN), jnp.float32),
        'W2': jax.random.normal(ks[7], (LAYERS, 4 * HIDDEN, HIDDEN), jnp.float32) * s,
        'b2': jnp.zeros((LAYERS, HIDDEN), jnp.float32),
        'Wmu': jax.random.normal(ks[8], (HIDDEN, LATENT), jnp.float32) * s,
        'bmu': jnp.zeros((LATENT,), jnp.float32),
        'Wlv': jax.random.normal(ks[9], (HIDDEN, LATENT), jnp.float32) * s,
        'blv': jnp.zeros((LATENT,), jnp.float32),
    }
    return {'chroma': chroma, 'params': params}

def reference(chroma, params):
    return _forward(chroma, params)

if __name__ == "__main__":
    import jax
    _d = setup_inputs()
    print(jax.jit(kernel)(*tuple(_d.values())))

</pallas_src>

<mosaic_0001>
module attributes {stable_mosaic.version = 14 : i64} {
  func.func @_embed_qkv_body(%arg0: i32, %arg1: memref<4xf32, #tpu.memory_space<smem>>, %arg2: memref<1x2048x12xf32, #tpu.memory_space<vmem>>, %arg3: memref<12x512xf32, #tpu.memory_space<vmem>>, %arg4: memref<12x512xf32, #tpu.memory_space<vmem>>, %arg5: memref<1x512xf32, #tpu.memory_space<vmem>>, %arg6: memref<1x512x512xf32, #tpu.memory_space<vmem>>, %arg7: memref<1x512x512xf32, #tpu.memory_space<vmem>>, %arg8: memref<1x512x512xf32, #tpu.memory_space<vmem>>, %arg9: memref<1x1x512xf32, #tpu.memory_space<vmem>>, %arg10: memref<1x1x512xf32, #tpu.memory_space<vmem>>, %arg11: memref<1x1x512xf32, #tpu.memory_space<vmem>>, %arg12: memref<1x2048x512xf32, #tpu.memory_space<vmem>>, %arg13: memref<1x2048x1536xbf16, #tpu.memory_space<vmem>>) attributes {dimension_semantics = [#tpu.dimension_semantics<arbitrary>], iteration_bounds = array<i64: 4>, scalar_prefetch = 0 : i64, scratch_operands = 0 : i64, tpu.core_type = #tpu.core_type<tc>, window_params = [{transform_indices = @transform_0, window_bounds = array<i64: 4>}, {transform_indices = @transform_1, window_bounds = array<i64: 1, 2048, 12>}, {pipeline_mode = #tpu.pipeline_mode<synchronous>, transform_indices = @transform_2, window_bounds = array<i64: 12, 512>}, {pipeline_mode = #tpu.pipeline_mode<synchronous>, transform_indices = @transform_3, window_bounds = array<i64: 12, 512>}, {pipeline_mode = #tpu.pipeline_mode<synchronous>, transform_indices = @transform_4, window_bounds = array<i64: 1, 512>}, {transform_indices = @transform_5, window_bounds = array<i64: 1, 512, 512>}, {transform_indices = @transform_6, window_bounds = array<i64: 1, 512, 512>}, {transform_indices = @transform_7, window_bounds = array<i64: 1, 512, 512>}, {transform_indices = @transform_8, window_bounds = array<i64: 1, 1, 512>}, {transform_indices = @transform_9, window_bounds = array<i64: 1, 1, 512>}, {transform_indices = @transform_10, window_bounds = array<i64: 1, 1, 512>}, {transform_indices = @transform_11, window_bounds = array<i64: 1, 2048, 512>}, {transform_indices = @transform_12, window_bounds = array<i64: 1, 2048, 1536>}]} {
    %get3A = arith.constant 0 : index
    %get3A_0 = arith.constant 0 : index
    %get3A_1 = vector.load %arg3[%get3A, %get3A_0] : memref<12x512xf32, #tpu.memory_space<vmem>>, vector<12x512xf32>
    %get3A_2 = arith.constant 0 : index
    %get3A_3 = arith.constant 0 : index
    %get3A_4 = vector.load %arg4[%get3A_2, %get3A_3] : memref<12x512xf32, #tpu.memory_space<vmem>>, vector<12x512xf32>
    %add3A = arith.addf %get3A_1, %get3A_4 : vector<12x512xf32>
    %get3A_5 = arith.constant 0 : index
    %get3A_6 = arith.constant 0 : index
    %get3A_7 = arith.constant 0 : index
    %get3A_8 = vector.load %arg2[%get3A_5, %get3A_6, %get3A_7] : memref<1x2048x12xf32, #tpu.memory_space<vmem>>, vector<1x2048x12xf32>
    %get3A_9 = vector.shape_cast %get3A_8 : vector<1x2048x12xf32> to vector<2048x12xf32>
    %dot_general3A = arith.constant dense<0.000000e+00> : vector<2048x512xf32>
    %dot_general3A_10 = tpu.matmul %get3A_9, %add3A, %dot_general3A {dimension_numbers = #tpu.dot_dimension_numbers<[1], [0], [0], [1], [0, 0, 1, 1], [], []>, transpose_lhs_hint = false} : vector<2048x12xf32>, vector<12x512xf32>, vector<2048x512xf32> -> vector<2048x512xf32>
    %get3A_11 = arith.constant 0 : index
    %get3A_12 = arith.constant 0 : index
    %get3A_13 = vector.load %arg5[%get3A_11, %get3A_12] : memref<1x512xf32, #tpu.memory_space<vmem>>, vector<1x512xf32>
    %add3A_14 = vector.broadcast %get3A_13 : vector<1x512xf32> to vector<2048x512xf32>
    %add3A_15 = arith.addf %dot_general3A_10, %add3A_14 : vector<2048x512xf32>
    %swap3A = arith.constant 0 : index
    %swap3A_16 = arith.constant 0 : index
    %swap3A_17 = arith.constant 0 : index
    %swap3A_18 = vector.load %arg12[%swap3A, %swap3A_16, %swap3A_17] : memref<1x2048x512xf32, #tpu.memory_space<vmem>>, vector<1x2048x512xf32>
    %swap3A_19 = vector.shape_cast %swap3A_18 : vector<1x2048x512xf32> to vector<2048x512xf32>
    %swap3A_20 = vector.shape_cast %add3A_15 : vector<2048x512xf32> to vector<1x2048x512xf32>
    tpu.vector_store %arg12[%swap3A, %swap3A_16, %swap3A_17], %swap3A_20 {strides = array<i32>} : memref<1x2048x512xf32, #tpu.memory_space<vmem>>, vector<1x2048x512xf32>,
    %convert_element_type3A = arith.truncf %add3A_15 : vector<2048x512xf32> to vector<2048x512xbf16>
    %get3A_21 = arith.constant 0 : index
    %get3A_22 = memref.load %arg1[%get3A_21] : memref<4xf32, #tpu.memory_space<smem>>
    %abs3A = math.absf %get3A_22 : f32
    %mul3A = arith.constant 8.000000e+00 : f32
    %mul3A_23 = arith.mulf %mul3A, %abs3A : f32
    %div3A = arith.constant 1.000000e+00 : f32
    %div3A_24 = arith.divf %div3A, %mul3A_23 : f32
    %get3A_25 = arith.constant 0 : index
    %get3A_26 = arith.constant 0 : index
    %get3A_27 = arith.constant 0 : index
    %get3A_28 = vector.load %arg6[%get3A_25, %get3A_26, %get3A_27] : memref<1x512x512xf32, #tpu.memory_space<vmem>>, vector<1x512x512xf32>
    %get3A_29 = vector.shape_cast %get3A_28 : vector<1x512x512xf32> to vector<512x512xf32>
    %convert_element_type3A_30 = arith.truncf %get3A_29 : vector<512x512xf32> to vector<512x512xbf16>
    %dot_general3A_31 = arith.constant dense<0.000000e+00> : vector<2048x512xf32>
    %dot_general3A_32 = tpu.matmul %convert_element_type3A, %convert_element_type3A_30, %dot_general3A_31 {dimension_numbers = #tpu.dot_dimension_numbers<[1], [0], [0], [1], [0, 0, 1, 1], [], []>, transpose_lhs_hint = false} : vector<2048x512xbf16>, vector<512x512xbf16>, vector<2048x512xf32> -> vector<2048x512xf32>
    %get3A_33 = arith.constant 0 : index
    %get3A_34 = arith.constant 0 : index
    %get3A_35 = arith.constant 0 : index
    %get3A_36 = vector.load %arg9[%get3A_33, %get3A_34, %get3A_35] : memref<1x1x512xf32, #tpu.memory_space<vmem>>, vector<1x1x512xf32>
    %get3A_37 = vector.shape_cast %get3A_36 : vector<1x1x512xf32> to vector<1x512xf32>
    %add3A_38 = vector.broadcast %get3A_37 : vector<1x512xf32> to vector<2048x512xf32>
    %add3A_39 = arith.addf %dot_general3A_32, %add3A_38 : vector<2048x512xf32>
    %mul3A_40 = vector.broadcast %div3A_24 : f32 to vector<2048x512xf32>
    %mul3A_41 = arith.mulf %add3A_39, %mul3A_40 : vector<2048x512xf32>
    %convert_element_type3A_42 = arith.truncf %mul3A_41 : vector<2048x512xf32> to vector<2048x512xbf16>
    %swap3A_43 = arith.constant 0 : index
    %swap3A_44 = arith.constant 0 : index
    %swap3A_45 = arith.constant 0 : index
    %swap3A_46 = vector.load %arg13[%swap3A_43, %swap3A_44, %swap3A_45] : memref<1x2048x1536xbf16, #tpu.memory_space<vmem>>, vector<1x2048x512xbf16>
    %swap3A_47 = vector.shape_cast %swap3A_46 : vector<1x2048x512xbf16> to vector<2048x512xbf16>
    %swap3A_48 = vector.shape_cast %convert_element_type3A_42 : vector<2048x512xbf16> to vector<1x2048x512xbf16>
    tpu.vector_store %arg13[%swap3A_43, %swap3A_44, %swap3A_45], %swap3A_48 {strides = array<i32>} : memref<1x2048x1536xbf16, #tpu.memory_space<vmem>>, vector<1x2048x512xbf16>,
    %get3A_49 = arith.constant 0 : index
    %get3A_50 = arith.constant 0 : index
    %get3A_51 = arith.constant 0 : index
    %get3A_52 = vector.load %arg7[%get3A_49, %get3A_50, %get3A_51] : memref<1x512x512xf32, #tpu.memory_space<vmem>>, vector<1x512x512xf32>
    %get3A_53 = vector.shape_cast %get3A_52 : vector<1x512x512xf32> to vector<512x512xf32>
    %convert_element_type3A_54 = arith.truncf %get3A_53 : vector<512x512xf32> to vector<512x512xbf16>
    %dot_general3A_55 = arith.constant dense<0.000000e+00> : vector<2048x512xf32>
    %dot_general3A_56 = tpu.matmul %convert_element_type3A, %convert_element_type3A_54, %dot_general3A_55 {dimension_numbers = #tpu.dot_dimension_numbers<[1], [0], [0], [1], [0, 0, 1, 1], [], []>, transpose_lhs_hint = false} : vector<2048x512xbf16>, vector<512x512xbf16>, vector<2048x512xf32> -> vector<2048x512xf32>
    %get3A_57 = arith.constant 0 : index
    %get3A_58 = arith.constant 0 : index
    %get3A_59 = arith.constant 0 : index
    %get3A_60 = vector.load %arg10[%get3A_57, %get3A_58, %get3A_59] : memref<1x1x512xf32, #tpu.memory_space<vmem>>, vector<1x1x512xf32>
    %get3A_61 = vector.shape_cast %get3A_60 : vector<1x1x512xf32> to vector<1x512xf32>
    %add3A_62 = vector.broadcast %get3A_61 : vector<1x512xf32> to vector<2048x512xf32>
    %add3A_63 = arith.addf %dot_general3A_56, %add3A_62 : vector<2048x512xf32>
    %convert_element_type3A_64 = arith.truncf %add3A_63 : vector<2048x512xf32> to vector<2048x512xbf16>
    %swap3A_65 = arith.constant 0 : index
    %swap3A_66 = arith.constant 0 : index
    %swap3A_67 = arith.constant 512 : index
    %swap3A_68 = vector.load %arg13[%swap3A_65, %swap3A_66, %swap3A_67] : memref<1x2048x1536xbf16, #tpu.memory_space<vmem>>, vector<1x2048x512xbf16>
    %swap3A_69 = vector.shape_cast %swap3A_68 : vector<1x2048x512xbf16> to vector<2048x512xbf16>
    %swap3A_70 = vector.shape_cast %convert_element_type3A_64 : vector<2048x512xbf16> to vector<1x2048x512xbf16>
    tpu.vector_store %arg13[%swap3A_65, %swap3A_66, %swap3A_67], %swap3A_70 {strides = array<i32>} : memref<1x2048x1536xbf16, #tpu.memory_space<vmem>>, vector<1x2048x512xbf16>,
    %get3A_71 = arith.constant 0 : index
    %get3A_72 = arith.constant 0 : index
    %get3A_73 = arith.constant 0 : index
    %get3A_74 = vector.load %arg8[%get3A_71, %get3A_72, %get3A_73] : memref<1x512x512xf32, #tpu.memory_space<vmem>>, vector<1x512x512xf32>
    %get3A_75 = vector.shape_cast %get3A_74 : vector<1x512x512xf32> to vector<512x512xf32>
    %convert_element_type3A_76 = arith.truncf %get3A_75 : vector<512x512xf32> to vector<512x512xbf16>
    %dot_general3A_77 = arith.constant dense<0.000000e+00> : vector<2048x512xf32>
    %dot_general3A_78 = tpu.matmul %convert_element_type3A, %convert_element_type3A_76, %dot_general3A_77 {dimension_numbers = #tpu.dot_dimension_numbers<[1], [0], [0], [1], [0, 0, 1, 1], [], []>, transpose_lhs_hint = false} : vector<2048x512xbf16>, vector<512x512xbf16>, vector<2048x512xf32> -> vector<2048x512xf32>
    %get3A_79 = arith.constant 0 : index
    %get3A_80 = arith.constant 0 : index
    %get3A_81 = arith.constant 0 : index
    %get3A_82 = vector.load %arg11[%get3A_79, %get3A_80, %get3A_81] : memref<1x1x512xf32, #tpu.memory_space<vmem>>, vector<1x1x512xf32>
    %get3A_83 = vector.shape_cast %get3A_82 : vector<1x1x512xf32> to vector<1x512xf32>
    %add3A_84 = vector.broadcast %get3A_83 : vector<1x512xf32> to vector<2048x512xf32>
    %add3A_85 = arith.addf %dot_general3A_78, %add3A_84 : vector<2048x512xf32>
    %convert_element_type3A_86 = arith.truncf %add3A_85 : vector<2048x512xf32> to vector<2048x512xbf16>
    %swap3A_87 = arith.constant 0 : index
    %swap3A_88 = arith.constant 0 : index
    %swap3A_89 = arith.constant 1024 : index
    %swap3A_90 = vector.load %arg13[%swap3A_87, %swap3A_88, %swap3A_89] : memref<1x2048x1536xbf16, #tpu.memory_space<vmem>>, vector<1x2048x512xbf16>
    %swap3A_91 = vector.shape_cast %swap3A_90 : vector<1x2048x512xbf16> to vector<2048x512xbf16>
    %swap3A_92 = vector.shape_cast %convert_element_type3A_86 : vector<2048x512xbf16> to vector<1x2048x512xbf16>
    tpu.vector_store %arg13[%swap3A_87, %swap3A_88, %swap3A_89], %swap3A_92 {strides = array<i32>} : memref<1x2048x1536xbf16, #tpu.memory_space<vmem>>, vector<1x2048x512xbf16>,
    return
  }
  func.func @transform_0(%arg0: i32) -> i32 {
    %c0_i32 = arith.constant 0 : i32
    %c0_i32_0 = arith.constant 0 : i32
    return %c0_i32 : i32
  }
  func.func @transform_1(%arg0: i32) -> (i32, i32, i32) {
    %c0_i32 = arith.constant 0 : i32
    %c0_i32_0 = arith.constant 0 : i32
    %c0_i32_1 = arith.constant 0 : i32
    return %arg0, %c0_i32, %c0_i32_0 : i32, i32, i32
  }
  func.func @transform_2(%arg0: i32) -> (i32, i32) {
    %c0_i32 = arith.constant 0 : i32
    %c0_i32_0 = arith.constant 0 : i32
    %c0_i32_1 = arith.constant 0 : i32
    return %c0_i32, %c0_i32_0 : i32, i32
  }
  func.func @transform_3(%arg0: i32) -> (i32, i32) {
    %c0_i32 = arith.constant 0 : i32
    %c0_i32_0 = arith.constant 0 : i32
    %c0_i32_1 = arith.constant 0 : i32
    return %c0_i32, %c0_i32_0 : i32, i32
  }
  func.func @transform_4(%arg0: i32) -> (i32, i32) {
    %c0_i32 = arith.constant 0 : i32
    %c0_i32_0 = arith.constant 0 : i32
    %c0_i32_1 = arith.constant 0 : i32
    return %c0_i32, %c0_i32_0 : i32, i32
  }
  func.func @transform_5(%arg0: i32) -> (i32, i32, i32) {
    %c0_i32 = arith.constant 0 : i32
    %c0_i32_0 = arith.constant 0 : i32
    %c0_i32_1 = arith.constant 0 : i32
    %c0_i32_2 = arith.constant 0 : i32
    return %c0_i32, %c0_i32_0, %c0_i32_1 : i32, i32, i32
  }
  func.func @transform_6(%arg0: i32) -> (i32, i32, i32) {
    %c0_i32 = arith.constant 0 : i32
    %c0_i32_0 = arith.constant 0 : i32
    %c0_i32_1 = arith.constant 0 : i32
    %c0_i32_2 = arith.constant 0 : i32
    return %c0_i32, %c0_i32_0, %c0_i32_1 : i32, i32, i32
  }
  func.func @transform_7(%arg0: i32) -> (i32, i32, i32) {
    %c0_i32 = arith.constant 0 : i32
    %c0_i32_0 = arith.constant 0 : i32
    %c0_i32_1 = arith.constant 0 : i32
    %c0_i32_2 = arith.constant 0 : i32
    return %c0_i32, %c0_i32_0, %c0_i32_1 : i32, i32, i32
  }
  func.func @transform_8(%arg0: i32) -> (i32, i32, i32) {
    %c0_i32 = arith.constant 0 : i32
    %c0_i32_0 = arith.constant 0 : i32
    %c0_i32_1 = arith.constant 0 : i32
    %c0_i32_2 = arith.constant 0 : i32
    return %c0_i32, %c0_i32_0, %c0_i32_1 : i32, i32, i32
  }
  func.func @transform_9(%arg0: i32) -> (i32, i32, i32) {
    %c0_i32 = arith.constant 0 : i32
    %c0_i32_0 = arith.constant 0 : i32
    %c0_i32_1 = arith.constant 0 : i32
    %c0_i32_2 = arith.constant 0 : i32
    return %c0_i32, %c0_i32_0, %c0_i32_1 : i32, i32, i32
  }
  func.func @transform_10(%arg0: i32) -> (i32, i32, i32) {
    %c0_i32 = arith.constant 0 : i32
    %c0_i32_0 = arith.constant 0 : i32
    %c0_i32_1 = arith.constant 0 : i32
    %c0_i32_2 = arith.constant 0 : i32
    return %c0_i32, %c0_i32_0, %c0_i32_1 : i32, i32, i32
  }
  func.func @transform_11(%arg0: i32) -> (i32, i32, i32) {
    %c0_i32 = arith.constant 0 : i32
    %c0_i32_0 = arith.constant 0 : i32
    %c0_i32_1 = arith.constant 0 : i32
    return %arg0, %c0_i32, %c0_i32_0 : i32, i32, i32
  }
  func.func @transform_12(%arg0: i32) -> (i32, i32, i32) {
    %c0_i32 = arith.constant 0 : i32
    %c0_i32_0 = arith.constant 0 : i32
    %c0_i32_1 = arith.constant 0 : i32
    return %arg0, %c0_i32, %c0_i32_0 : i32, i32, i32
  }
}

module attributes {stable_mosaic.version = 14 : i64} {
  func.func @_attn_body(%arg0: i32, %arg1: i32, %arg2: memref<16xi32, #tpu.memory_space<smem>>, %arg3: memref<1x2048x1536xbf16, #tpu.memory_space<vmem>>, %arg4: memref<1x256x256xf32, #tpu.memory_space<vmem>>, %arg5: memref<1x256x512xbf16, #tpu.memory_space<vmem>>) attributes {dimension_semantics = [#tpu.dimension_semantics<arbitrary>, #tpu.dimension_semantics<arbitrary>], iteration_bounds = array<i64: 4, 8>, scalar_prefetch = 0 : i64, scratch_operands = 0 : i64, tpu.core_type = #tpu.core_type<tc>, window_params = [{transform_indices = @transform_0, window_bounds = array<i64: 16>}, {transform_indices = @transform_1, window_bounds = array<i64: 1, 2048, 1536>}, {transform_indices = @transform_2, window_bounds = array<i64: 1, 256, 256>}, {transform_indices = @transform_3, window_bounds = array<i64: 1, 256, 512>}]} {
    %mul3A = arith.constant 2 : i32
    %mul3A_0 = arith.muli %arg1, %mul3A : i32
    %add3A = arith.constant 0 : i32
    %add3A_1 = arith.addi %mul3A_0, %add3A : i32
    %get3A = arith.index_cast %add3A_1 : i32 to index
    %get3A_2 = memref.load %arg2[%get3A] : memref<16xi32, #tpu.memory_space<smem>>
    %multiple_of3A = tpu.assume_multiple %get3A_2, 8 : i32
    %mul3A_3 = arith.constant 2 : i32
    %mul3A_4 = arith.muli %arg1, %mul3A_3 : i32
    %add3A_5 = arith.constant 0 : i32
    %add3A_6 = arith.addi %mul3A_4, %add3A_5 : i32
    %mul3A_7 = arith.constant 128 : i32
    %mul3A_8 = arith.muli %add3A_6, %mul3A_7 : i32
    %get3A_9 = arith.constant 0 : index
    %get3A_10 = arith.index_cast %mul3A_8 : i32 to index
    %get3A_11 = arith.constant 0 : index
    %get3A_12 = vector.load %arg3[%get3A_9, %get3A_10, %get3A_11] : memref<1x2048x1536xbf16, #tpu.memory_space<vmem>>, vector<1x128x512xbf16>
    %get3A_13 = vector.shape_cast %get3A_12 : vector<1x128x512xbf16> to vector<128x512xbf16>
    %get3A_14 = arith.constant 0 : index
    %get3A_15 = arith.index_cast %multiple_of3A : i32 to index
    %get3A_16 = arith.constant 512 : index
    %get3A_17 = vector.load %arg3[%get3A_14, %get3A_15, %get3A_16] : memref<1x2048x1536xbf16, #tpu.memory_space<vmem>>, vector<1x256x512xbf16>
    %get3A_18 = vector.shape_cast %get3A_17 : vector<1x256x512xbf16> to vector<256x512xbf16>
    %get3A_19 = arith.constant 0 : index
    %get3A_20 = arith.index_cast %multiple_of3A : i32 to index
    %get3A_21 = arith.constant 1024 : index
    %get3A_22 = vector.load %arg3[%get3A_19, %get3A_20, %get3A_21] : memref<1x2048x1536xbf16, #tpu.memory_space<vmem>>, vector<1x256x512xbf16>
    %get3A_23 = vector.shape_cast %get3A_22 : vector<1x256x512xbf16> to vector<256x512xbf16>
    %get3A_24 = arith.constant 0 : index
    %get3A_25 = arith.constant 0 : index
    %get3A_26 = arith.constant 0 : index
    %get3A_27 = vector.load %arg4[%get3A_24, %get3A_25, %get3A_26] : memref<1x256x256xf32, #tpu.memory_space<vmem>>, vector<1x128x256xf32>
    %get3A_28 = vector.shape_cast %get3A_27 : vector<1x128x256xf32> to vector<128x256xf32>
    %slice3A = vector.extract_strided_slice %get3A_13 {offsets = [0, 0], sizes = [128, 64], strides = [1, 1]} : vector<128x512xbf16> to vector<128x64xbf16>
    %slice3A_29 = vector.extract_strided_slice %get3A_18 {offsets = [0, 0], sizes = [256, 64], strides = [1, 1]} : vector<256x512xbf16> to vector<256x64xbf16>
    %dot_general3A = arith.constant dense<0.000000e+00> : vector<128x256xf32>
    %dot_general3A_30 = tpu.matmul %slice3A, %slice3A_29, %dot_general3A {dimension_numbers = #tpu.dot_dimension_numbers<[1], [1], [0], [0], [0, 0, 1, 0], [], []>, transpose_lhs_hint = false} : vector<128x64xbf16>, vector<256x64xbf16>, vector<128x256xf32> -> vector<128x256xf32>
    %add3A_31 = arith.addf %dot_general3A_30, %get3A_28 : vector<128x256xf32>
    %reduce_max3A = arith.constant dense<0xFF800000> : vector<128xf32>
    %reduce_max3A_32 = vector.multi_reduction <maximumf>, %add3A_31, %reduce_max3A [1] : vector<128x256xf32> to vector<128xf32>
    %broadcast_in_dim3A = vector.shape_cast %reduce_max3A_32 : vector<128xf32> to vector<128x1xf32>
    %sub3A = vector.broadcast %broadcast_in_dim3A : vector<128x1xf32> to vector<128x256xf32>
    %sub3A_33 = arith.subf %add3A_31, %sub3A : vector<128x256xf32>
    %exp3A = math.exp %sub3A_33 : vector<128x256xf32>
    %convert_element_type3A = arith.truncf %exp3A : vector<128x256xf32> to vector<128x256xbf16>
    %slice3A_34 = vector.extract_strided_slice %get3A_23 {offsets = [0, 0], sizes = [256, 64], strides = [1, 1]} : vector<256x512xbf16> to vector<256x64xbf16>
    %dot_general3A_35 = arith.constant dense<0.000000e+00> : vector<128x64xf32>
    %dot_general3A_36 = tpu.matmul %convert_element_type3A, %slice3A_34, %dot_general3A_35 {dimension_numbers = #tpu.dot_dimension_numbers<[1], [0], [0], [1], [0, 0, 1, 1], [], []>, transpose_lhs_hint = false} : vector<128x256xbf16>, vector<256x64xbf16>, vector<128x64xf32> -> vector<128x64xf32>
    %reduce_sum3A = arith.constant dense<0.000000e+00> : vector<128xf32>
    %reduce_sum3A_37 = vector.multi_reduction <add>, %exp3A, %reduce_sum3A [1] : vector<128x256xf32> to vector<128xf32>
    %broadcast_in_dim3A_38 = vector.shape_cast %reduce_sum3A_37 : vector<128xf32> to vector<128x1xf32>
    %div3A = vector.broadcast %broadcast_in_dim3A_38 : vector<128x1xf32> to vector<128x64xf32>
    %div3A_39 = arith.divf %dot_general3A_36, %div3A : vector<128x64xf32>
    %slice3A_40 = vector.extract_strided_slice %get3A_13 {offsets = [0, 64], sizes = [128, 64], strides = [1, 1]} : vector<128x512xbf16> to vector<128x64xbf16>
    %slice3A_41 = vector.extract_strided_slice %get3A_18 {offsets = [0, 64], sizes = [256, 64], strides = [1, 1]} : vector<256x512xbf16> to vector<256x64xbf16>
    %dot_general3A_42 = arith.constant dense<0.000000e+00> : vector<128x256xf32>
    %dot_general3A_43 = tpu.matmul %slice3A_40, %slice3A_41, %dot_general3A_42 {dimension_numbers = #tpu.dot_dimension_numbers<[1], [1], [0], [0], [0, 0, 1, 0], [], []>, transpose_lhs_hint = false} : vector<128x64xbf16>, vector<256x64xbf16>, vector<128x256xf32> -> vector<128x256xf32>
    %add3A_44 = arith.addf %dot_general3A_43, %get3A_28 : vector<128x256xf32>
    %reduce_max3A_45 = arith.constant dense<0xFF800000> : vector<128xf32>
    %reduce_max3A_46 = vector.multi_reduction <maximumf>, %add3A_44, %reduce_max3A_45 [1] : vector<128x256xf32> to vector<128xf32>
    %broadcast_in_dim3A_47 = vector.shape_cast %reduce_max3A_46 : vector<128xf32> to vector<128x1xf32>
    %sub3A_48 = vector.broadcast %broadcast_in_dim3A_47 : vector<128x1xf32> to vector<128x256xf32>
    %sub3A_49 = arith.subf %add3A_44, %sub3A_48 : vector<128x256xf32>
    %exp3A_50 = math.exp %sub3A_49 : vector<128x256xf32>
    %convert_element_type3A_51 = arith.truncf %exp3A_50 : vector<128x256xf32> to vector<128x256xbf16>
    %slice3A_52 = vector.extract_strided_slice %get3A_23 {offsets = [0, 64], sizes = [256, 64], strides = [1, 1]} : vector<256x512xbf16> to vector<256x64xbf16>
    %dot_general3A_53 = arith.constant dense<0.000000e+00> : vector<128x64xf32>
    %dot_general3A_54 = tpu.matmul %convert_element_type3A_51, %slice3A_52, %dot_general3A_53 {dimension_numbers = #tpu.dot_dimension_numbers<[1], [0], [0], [1], [0, 0, 1, 1], [], []>, transpose_lhs_hint = false} : vector<128x256xbf16>, vector<256x64xbf16>, vector<128x64xf32> -> vector<128x64xf32>
    %reduce_sum3A_55 = arith.constant dense<0.000000e+00> : vector<128xf32>
    %reduce_sum3A_56 = vector.multi_reduction <add>, %exp3A_50, %reduce_sum3A_55 [1] : vector<128x256xf32> to vector<128xf32>
    %broadcast_in_dim3A_57 = vector.shape_cast %reduce_sum3A_56 : vector<128xf32> to vector<128x1xf32>
    %div3A_58 = vector.broadcast %broadcast_in_dim3A_57 : vector<128x1xf32> to vector<128x64xf32>
    %div3A_59 = arith.divf %dot_general3A_54, %div3A_58 : vector<128x64xf32>
    %slice3A_60 = vector.extract_strided_slice %get3A_13 {offsets = [0, 128], sizes = [128, 64], strides = [1, 1]} : vector<128x512xbf16> to vector<128x64xbf16>
    %slice3A_61 = vector.extract_strided_slice %get3A_18 {offsets = [0, 128], sizes = [256, 64], strides = [1, 1]} : vector<256x512xbf16> to vector<256x64xbf16>
    %dot_general3A_62 = arith.constant dense<0.000000e+00> : vector<128x256xf32>
    %dot_general3A_63 = tpu.matmul %slice3A_60, %slice3A_61, %dot_general3A_62 {dimension_numbers = #tpu.dot_dimension_numbers<[1], [1], [0], [0], [0, 0, 1, 0], [], []>, transpose_lhs_hint = false} : vector<128x64xbf16>, vector<256x64xbf16>, vector<128x256xf32> -> vector<128x256xf32>
    %add3A_64 = arith.addf %dot_general3A_63, %get3A_28 : vector<128x256xf32>
    %reduce_max3A_65 = arith.constant dense<0xFF800000> : vector<128xf32>
    %reduce_max3A_66 = vector.multi_reduction <maximumf>, %add3A_64, %reduce_max3A_65 [1] : vector<128x256xf32> to vector<128xf32>
    %broadcast_in_dim3A_67 = vector.shape_cast %reduce_max3A_66 : vector<128xf32> to vector<128x1xf32>
    %sub3A_68 = vector.broadcast %broadcast_in_dim3A_67 : vector<128x1xf32> to vector<128x256xf32>
    %sub3A_69 = arith.subf %add3A_64, %sub3A_68 : vector<128x256xf32>
    %exp3A_70 = math.exp %sub3A_69 : vector<128x256xf32>
    %convert_element_type3A_71 = arith.truncf %exp3A_70 : vector<128x256xf32> to vector<128x256xbf16>
    %slice3A_72 = vector.extract_strided_slice %get3A_23 {offsets = [0, 128], sizes = [256, 64], strides = [1, 1]} : vector<256x512xbf16> to vector<256x64xbf16>
    %dot_general3A_73 = arith.constant dense<0.000000e+00> : vector<128x64xf32>
    %dot_general3A_74 = tpu.matmul %convert_element_type3A_71, %slice3A_72, %dot_general3A_73 {dimension_numbers = #tpu.dot_dimension_numbers<[1], [0], [0], [1], [0, 0, 1, 1], [], []>, transpose_lhs_hint = false} : vector<128x256xbf16>, vector<256x64xbf16>, vector<128x64xf32> -> vector<128x64xf32>
    %reduce_sum3A_75 = arith.constant dense<0.000000e+00> : vector<128xf32>
    %reduce_sum3A_76 = vector.multi_reduction <add>, %exp3A_70, %reduce_sum3A_75 [1] : vector<128x256xf32> to vector<128xf32>
    %broadcast_in_dim3A_77 = vector.shape_cast %reduce_sum3A_76 : vector<128xf32> to vector<128x1xf32>
    %div3A_78 = vector.broadcast %broadcast_in_dim3A_77 : vector<128x1xf32> to vector<128x64xf32>
    %div3A_79 = arith.divf %dot_general3A_74, %div3A_78 : vector<128x64xf32>
    %slice3A_80 = vector.extract_strided_slice %get3A_13 {offsets = [0, 192], sizes = [128, 64], strides = [1, 1]} : vector<128x512xbf16> to vector<128x64xbf16>
    %slice3A_81 = vector.extract_strided_slice %get3A_18 {offsets = [0, 192], sizes = [256, 64], strides = [1, 1]} : vector<256x512xbf16> to vector<256x64xbf16>
    %dot_general3A_82 = arith.constant dense<0.000000e+00> : vector<128x256xf32>
    %dot_general3A_83 = tpu.matmul %slice3A_80, %slice3A_81, %dot_general3A_82 {dimension_numbers = #tpu.dot_dimension_numbers<[1], [1], [0], [0], [0, 0, 1, 0], [], []>, transpose_lhs_hint = false} : vector<128x64xbf16>, vector<256x64xbf16>, vector<128x256xf32> -> vector<128x256xf32>
    %add3A_84 = arith.addf %dot_general3A_83, %get3A_28 : vector<128x256xf32>
    %reduce_max3A_85 = arith.constant dense<0xFF800000> : vector<128xf32>
    %reduce_max3A_86 = vector.multi_reduction <maximumf>, %add3A_84, %reduce_max3A_85 [1] : vector<128x256xf32> to vector<128xf32>
    %broadcast_in_dim3A_87 = vector.shape_cast %reduce_max3A_86 : vector<128xf32> to vector<128x1xf32>
    %sub3A_88 = vector.broadcast %broadcast_in_dim3A_87 : vector<128x1xf32> to vector<128x256xf32>
    %sub3A_89 = arith.subf %add3A_84, %sub3A_88 : vector<128x256xf32>
    %exp3A_90 = math.exp %sub3A_89 : vector<128x256xf32>
    %convert_element_type3A_91 = arith.truncf %exp3A_90 : vector<128x256xf32> to vector<128x256xbf16>
    %slice3A_92 = vector.extract_strided_slice %get3A_23 {offsets = [0, 192], sizes = [256, 64], strides = [1, 1]} : vector<256x512xbf16> to vector<256x64xbf16>
    %dot_general3A_93 = arith.constant dense<0.000000e+00> : vector<128x64xf32>
    %dot_general3A_94 = tpu.matmul %convert_element_type3A_91, %slice3A_92, %dot_general3A_93 {dimension_numbers = #tpu.dot_dimension_numbers<[1], [0], [0], [1], [0, 0, 1, 1], [], []>, transpose_lhs_hint = false} : vector<128x256xbf16>, vector<256x64xbf16>, vector<128x64xf32> -> vector<128x64xf32>
    %reduce_sum3A_95 = arith.constant dense<0.000000e+00> : vector<128xf32>
    %reduce_sum3A_96 = vector.multi_reduction <add>, %exp3A_90, %reduce_sum3A_95 [1] : vector<128x256xf32> to vector<128xf32>
    %broadcast_in_dim3A_97 = vector.shape_cast %reduce_sum3A_96 : vector<128xf32> to vector<128x1xf32>
    %div3A_98 = vector.broadcast %broadcast_in_dim3A_97 : vector<128x1xf32> to vector<128x64xf32>
    %div3A_99 = arith.divf %dot_general3A_94, %div3A_98 : vector<128x64xf32>
    %slice3A_100 = vector.extract_strided_slice %get3A_13 {offsets = [0, 256], sizes = [128, 64], strides = [1, 1]} : vector<128x512xbf16> to vector<128x64xbf16>
    %slice3A_101 = vector.extract_strided_slice %get3A_18 {offsets = [0, 256], sizes = [256, 64], strides = [1, 1]} : vector<256x512xbf16> to vector<256x64xbf16>
    %dot_general3A_102 = arith.constant dense<0.000000e+00> : vector<128x256xf32>
    %dot_general3A_103 = tpu.matmul %slice3A_100, %slice3A_101, %dot_general3A_102 {dimension_numbers = #tpu.dot_dimension_numbers<[1], [1], [0], [0], [0, 0, 1, 0], [], []>, transpose_lhs_hint = false} : vector<128x64xbf16>, vector<256x64xbf16>, vector<128x256xf32> -> vector<128x256xf32>
    %add3A_104 = arith.addf %dot_general3A_103, %get3A_28 : vector<128x256xf32>
    %reduce_max3A_105 = arith.constant dense<0xFF800000> : vector<128xf32>
    %reduce_max3A_106 = vector.multi_reduction <maximumf>, %add3A_104, %reduce_max3A_105 [1] : vector<128x256xf32> to vector<128xf32>
    %broadcast_in_dim3A_107 = vector.shape_cast %reduce_max3A_106 : vector<128xf32> to vector<128x1xf32>
    %sub3A_108 = vector.broadcast %broadcast_in_dim3A_107 : vector<128x1xf32> to vector<128x256xf32>
    %sub3A_109 = arith.subf %add3A_104, %sub3A_108 : vector<128x256xf32>
    %exp3A_110 = math.exp %sub3A_109 : vector<128x256xf32>
    %convert_element_type3A_111 = arith.truncf %exp3A_110 : vector<128x256xf32> to vector<128x256xbf16>
    %slice3A_112 = vector.extract_strided_slice %get3A_23 {offsets = [0, 256], sizes = [256, 64], strides = [1, 1]} : vector<256x512xbf16> to vector<256x64xbf16>
    %dot_general3A_113 = arith.constant dense<0.000000e+00> : vector<128x64xf32>
    %dot_general3A_114 = tpu.matmul %convert_element_type3A_111, %slice3A_112, %dot_general3A_113 {dimension_numbers = #tpu.dot_dimension_numbers<[1], [0], [0], [1], [0, 0, 1, 1], [], []>, transpose_lhs_hint = false} : vector<128x256xbf16>, vector<256x64xbf16>, vector<128x64xf32> -> vector<128x64xf32>
    %reduce_sum3A_115 = arith.constant dense<0.000000e+00> : vector<128xf32>
    %reduce_sum3A_116 = vector.multi_reduction <add>, %exp3A_110, %reduce_sum3A_115 [1] : vector<128x256xf32> to vector<128xf32>
    %broadcast_in_dim3A_117 = vector.shape_cast %reduce_sum3A_116 : vector<128xf32> to vector<128x1xf32>
    %div3A_118 = vector.broadcast %broadcast_in_dim3A_117 : vector<128x1xf32> to vector<128x64xf32>
    %div3A_119 = arith.divf %dot_general3A_114, %div3A_118 : vector<128x64xf32>
    %slice3A_120 = vector.extract_strided_slice %get3A_13 {offsets = [0, 320], sizes = [128, 64], strides = [1, 1]} : vector<128x512xbf16> to vector<128x64xbf16>
    %slice3A_121 = vector.extract_strided_slice %get3A_18 {offsets = [0, 320], sizes = [256, 64], strides = [1, 1]} : vector<256x512xbf16> to vector<256x64xbf16>
    %dot_general3A_122 = arith.constant dense<0.000000e+00> : vector<128x256xf32>
    %dot_general3A_123 = tpu.matmul %slice3A_120, %slice3A_121, %dot_general3A_122 {dimension_numbers = #tpu.dot_dimension_numbers<[1], [1], [0], [0], [0, 0, 1, 0], [], []>, transpose_lhs_hint = false} : vector<128x64xbf16>, vector<256x64xbf16>, vector<128x256xf32> -> vector<128x256xf32>
    %add3A_124 = arith.addf %dot_general3A_123, %get3A_28 : vector<128x256xf32>
    %reduce_max3A_125 = arith.constant dense<0xFF800000> : vector<128xf32>
    %reduce_max3A_126 = vector.multi_reduction <maximumf>, %add3A_124, %reduce_max3A_125 [1] : vector<128x256xf32> to vector<128xf32>
    %broadcast_in_dim3A_127 = vector.shape_cast %reduce_max3A_126 : vector<128xf32> to vector<128x1xf32>
    %sub3A_128 = vector.broadcast %broadcast_in_dim3A_127 : vector<128x1xf32> to vector<128x256xf32>
    %sub3A_129 = arith.subf %add3A_124, %sub3A_128 : vector<128x256xf32>
    %exp3A_130 = math.exp %sub3A_129 : vector<128x256xf32>
    %convert_element_type3A_131 = arith.truncf %exp3A_130 : vector<128x256xf32> to vector<128x256xbf16>
    %slice3A_132 = vector.extract_strided_slice %get3A_23 {offsets = [0, 320], sizes = [256, 64], strides = [1, 1]} : vector<256x512xbf16> to vector<256x64xbf16>
    %dot_general3A_133 = arith.constant dense<0.000000e+00> : vector<128x64xf32>
    %dot_general3A_134 = tpu.matmul %convert_element_type3A_131, %slice3A_132, %dot_general3A_133 {dimension_numbers = #tpu.dot_dimension_numbers<[1], [0], [0], [1], [0, 0, 1, 1], [], []>, transpose_lhs_hint = false} : vector<128x256xbf16>, vector<256x64xbf16>, vector<128x64xf32> -> vector<128x64xf32>
    %reduce_sum3A_135 = arith.constant dense<0.000000e+00> : vector<128xf32>
    %reduce_sum3A_136 = vector.multi_reduction <add>, %exp3A_130, %reduce_sum3A_135 [1] : vector<128x256xf32> to vector<128xf32>
    %broadcast_in_dim3A_137 = vector.shape_cast %reduce_sum3A_136 : vector<128xf32> to vector<128x1xf32>
    %div3A_138 = vector.broadcast %broadcast_in_dim3A_137 : vector<128x1xf32> to vector<128x64xf32>
    %div3A_139 = arith.divf %dot_general3A_134, %div3A_138 : vector<128x64xf32>
    %slice3A_140 = vector.extract_strided_slice %get3A_13 {offsets = [0, 384], sizes = [128, 64], strides = [1, 1]} : vector<128x512xbf16> to vector<128x64xbf16>
    %slice3A_141 = vector.extract_strided_slice %get3A_18 {offsets = [0, 384], sizes = [256, 64], strides = [1, 1]} : vector<256x512xbf16> to vector<256x64xbf16>
    %dot_general3A_142 = arith.constant dense<0.000000e+00> : vector<128x256xf32>
    %dot_general3A_143 = tpu.matmul %slice3A_140, %slice3A_141, %dot_general3A_142 {dimension_numbers = #tpu.dot_dimension_numbers<[1], [1], [0], [0], [0, 0, 1, 0], [], []>, transpose_lhs_hint = false} : vector<128x64xbf16>, vector<256x64xbf16>, vector<128x256xf32> -> vector<128x256xf32>
    %add3A_144 = arith.addf %dot_general3A_143, %get3A_28 : vector<128x256xf32>
    %reduce_max3A_145 = arith.constant dense<0xFF800000> : vector<128xf32>
    %reduce_max3A_146 = vector.multi_reduction <maximumf>, %add3A_144, %reduce_max3A_145 [1] : vector<128x256xf32> to vector<128xf32>
    %broadcast_in_dim3A_147 = vector.shape_cast %reduce_max3A_146 : vector<128xf32> to vector<128x1xf32>
    %sub3A_148 = vector.broadcast %broadcast_in_dim3A_147 : vector<128x1xf32> to vector<128x256xf32>
    %sub3A_149 = arith.subf %add3A_144, %sub3A_148 : vector<128x256xf32>
    %exp3A_150 = math.exp %sub3A_149 : vector<128x256xf32>
    %convert_element_type3A_151 = arith.truncf %exp3A_150 : vector<128x256xf32> to vector<128x256xbf16>
    %slice3A_152 = vector.extract_strided_slice %get3A_23 {offsets = [0, 384], sizes = [256, 64], strides = [1, 1]} : vector<256x512xbf16> to vector<256x64xbf16>
    %dot_general3A_153 = arith.constant dense<0.000000e+00> : vector<128x64xf32>
    %dot_general3A_154 = tpu.matmul %convert_element_type3A_151, %slice3A_152, %dot_general3A_153 {dimension_numbers = #tpu.dot_dimension_numbers<[1], [0], [0], [1], [0, 0, 1, 1], [], []>, transpose_lhs_hint = false} : vector<128x256xbf16>, vector<256x64xbf16>, vector<128x64xf32> -> vector<128x64xf32>
    %reduce_sum3A_155 = arith.constant dense<0.000000e+00> : vector<128xf32>
    %reduce_sum3A_156 = vector.multi_reduction <add>, %exp3A_150, %reduce_sum3A_155 [1] : vector<128x256xf32> to vector<128xf32>
    %broadcast_in_dim3A_157 = vector.shape_cast %reduce_sum3A_156 : vector<128xf32> to vector<128x1xf32>
    %div3A_158 = vector.broadcast %broadcast_in_dim3A_157 : vector<128x1xf32> to vector<128x64xf32>
    %div3A_159 = arith.divf %dot_general3A_154, %div3A_158 : vector<128x64xf32>
    %slice3A_160 = vector.extract_strided_slice %get3A_13 {offsets = [0, 448], sizes = [128, 64], strides = [1, 1]} : vector<128x512xbf16> to vector<128x64xbf16>
    %slice3A_161 = vector.extract_strided_slice %get3A_18 {offsets = [0, 448], sizes = [256, 64], strides = [1, 1]} : vector<256x512xbf16> to vector<256x64xbf16>
    %dot_general3A_162 = arith.constant dense<0.000000e+00> : vector<128x256xf32>
    %dot_general3A_163 = tpu.matmul %slice3A_160, %slice3A_161, %dot_general3A_162 {dimension_numbers = #tpu.dot_dimension_numbers<[1], [1], [0], [0], [0, 0, 1, 0], [], []>, transpose_lhs_hint = false} : vector<128x64xbf16>, vector<256x64xbf16>, vector<128x256xf32> -> vector<128x256xf32>
    %add3A_164 = arith.addf %dot_general3A_163, %get3A_28 : vector<128x256xf32>
    %reduce_max3A_165 = arith.constant dense<0xFF800000> : vector<128xf32>
    %reduce_max3A_166 = vector.multi_reduction <maximumf>, %add3A_164, %reduce_max3A_165 [1] : vector<128x256xf32> to vector<128xf32>
    %broadcast_in_dim3A_167 = vector.shape_cast %reduce_max3A_166 : vector<128xf32> to vector<128x1xf32>
    %sub3A_168 = vector.broadcast %broadcast_in_dim3A_167 : vector<128x1xf32> to vector<128x256xf32>
    %sub3A_169 = arith.subf %add3A_164, %sub3A_168 : vector<128x256xf32>
    %exp3A_170 = math.exp %sub3A_169 : vector<128x256xf32>
    %convert_element_type3A_171 = arith.truncf %exp3A_170 : vector<128x256xf32> to vector<128x256xbf16>
    %slice3A_172 = vector.extract_strided_slice %get3A_23 {offsets = [0, 448], sizes = [256, 64], strides = [1, 1]} : vector<256x512xbf16> to vector<256x64xbf16>
    %dot_general3A_173 = arith.constant dense<0.000000e+00> : vector<128x64xf32>
    %dot_general3A_174 = tpu.matmul %convert_element_type3A_171, %slice3A_172, %dot_general3A_173 {dimension_numbers = #tpu.dot_dimension_numbers<[1], [0], [0], [1], [0, 0, 1, 1], [], []>, transpose_lhs_hint = false} : vector<128x256xbf16>, vector<256x64xbf16>, vector<128x64xf32> -> vector<128x64xf32>
    %reduce_sum3A_175 = arith.constant dense<0.000000e+00> : vector<128xf32>
    %reduce_sum3A_176 = vector.multi_reduction <add>, %exp3A_170, %reduce_sum3A_175 [1] : vector<128x256xf32> to vector<128xf32>
    %broadcast_in_dim3A_177 = vector.shape_cast %reduce_sum3A_176 : vector<128xf32> to vector<128x1xf32>
    %div3A_178 = vector.broadcast %broadcast_in_dim3A_177 : vector<128x1xf32> to vector<128x64xf32>
    %div3A_179 = arith.divf %dot_general3A_174, %div3A_178 : vector<128x64xf32>
    %concatenate3A = tpu.concatenate %div3A_39, %div3A_59, %div3A_79, %div3A_99, %div3A_119, %div3A_139, %div3A_159, %div3A_179 in 1 : vector<128x64xf32>, vector<128x64xf32>, vector<128x64xf32>, vector<128x64xf32>, vector<128x64xf32>, vector<128x64xf32>, vector<128x64xf32>, vector<128x64xf32> -> vector<128x512xf32>
    %convert_element_type3A_180 = arith.truncf %concatenate3A : vector<128x512xf32> to vector<128x512xbf16>
    %swap3A = arith.constant 0 : index
    %swap3A_181 = arith.constant 0 : index
    %swap3A_182 = arith.constant 0 : index
    %swap3A_183 = vector.load %arg5[%swap3A, %swap3A_181, %swap3A_182] : memref<1x256x512xbf16, #tpu.memory_space<vmem>>, vector<1x128x512xbf16>
    %swap3A_184 = vector.shape_cast %swap3A_183 : vector<1x128x512xbf16> to vector<128x512xbf16>
    %swap3A_185 = vector.shape_cast %convert_element_type3A_180 : vector<128x512xbf16> to vector<1x128x512xbf16>
    tpu.vector_store %arg5[%swap3A, %swap3A_181, %swap3A_182], %swap3A_185 {strides = array<i32>} : memref<1x256x512xbf16, #tpu.memory_space<vmem>>, vector<1x128x512xbf16>,
    %mul3A_186 = arith.constant 2 : i32
    %mul3A_187 = arith.muli %arg1, %mul3A_186 : i32
    %add3A_188 = arith.constant 1 : i32
    %add3A_189 = arith.addi %mul3A_187, %add3A_188 : i32
    %get3A_190 = arith.index_cast %add3A_189 : i32 to index
    %get3A_191 = memref.load %arg2[%get3A_190] : memref<16xi32, #tpu.memory_space<smem>>
    %multiple_of3A_192 = tpu.assume_multiple %get3A_191, 8 : i32
    %mul3A_193 = arith.constant 2 : i32
    %mul3A_194 = arith.muli %arg1, %mul3A_193 : i32
    %add3A_195 = arith.constant 1 : i32
    %add3A_196 = arith.addi %mul3A_194, %add3A_195 : i32
    %mul3A_197 = arith.constant 128 : i32
    %mul3A_198 = arith.muli %add3A_196, %mul3A_197 : i32
    %get3A_199 = arith.constant 0 : index
    %get3A_200 = arith.index_cast %mul3A_198 : i32 to index
    %get3A_201 = arith.constant 0 : index
    %get3A_202 = vector.load %arg3[%get3A_199, %get3A_200, %get3A_201] : memref<1x2048x1536xbf16, #tpu.memory_space<vmem>>, vector<1x128x512xbf16>
    %get3A_203 = vector.shape_cast %get3A_202 : vector<1x128x512xbf16> to vector<128x512xbf16>
    %get3A_204 = arith.constant 0 : index
    %get3A_205 = arith.index_cast %multiple_of3A_192 : i32 to index
    %get3A_206 = arith.constant 512 : index
    %get3A_207 = vector.load %arg3[%get3A_204, %get3A_205, %get3A_206] : memref<1x2048x1536xbf16, #tpu.memory_space<vmem>>, vector<1x256x512xbf16>
    %get3A_208 = vector.shape_cast %get3A_207 : vector<1x256x512xbf16> to vector<256x512xbf16>
    %get3A_209 = arith.constant 0 : index
    %get3A_210 = arith.index_cast %multiple_of3A_192 : i32 to index
    %get3A_211 = arith.constant 1024 : index
    %get3A_212 = vector.load %arg3[%get3A_209, %get3A_210, %get3A_211] : memref<1x2048x1536xbf16, #tpu.memory_space<vmem>>, vector<1x256x512xbf16>
    %get3A_213 = vector.shape_cast %get3A_212 : vector<1x256x512xbf16> to vector<256x512xbf16>
    %get3A_214 = arith.constant 0 : index
    %get3A_215 = arith.constant 128 : index
    %get3A_216 = arith.constant 0 : index
    %get3A_217 = vector.load %arg4[%get3A_214, %get3A_215, %get3A_216] : memref<1x256x256xf32, #tpu.memory_space<vmem>>, vector<1x128x256xf32>
    %get3A_218 = vector.shape_cast %get3A_217 : vector<1x128x256xf32> to vector<128x256xf32>
    %slice3A_219 = vector.extract_strided_slice %get3A_203 {offsets = [0, 0], sizes = [128, 64], strides = [1, 1]} : vector<128x512xbf16> to vector<128x64xbf16>
    %slice3A_220 = vector.extract_strided_slice %get3A_208 {offsets = [0, 0], sizes = [256, 64], strides = [1, 1]} : vector<256x512xbf16> to vector<256x64xbf16>
    %dot_general3A_221 = arith.constant dense<0.000000e+00> : vector<128x256xf32>
    %dot_general3A_222 = tpu.matmul %slice3A_219, %slice3A_220, %dot_general3A_221 {dimension_numbers = #tpu.dot_dimension_numbers<[1], [1], [0], [0], [0, 0, 1, 0], [], []>, transpose_lhs_hint = false} : vector<128x64xbf16>, vector<256x64xbf16>, vector<128x256xf32> -> vector<128x256xf32>
    %add3A_223 = arith.addf %dot_general3A_222, %get3A_218 : vector<128x256xf32>
    %reduce_max3A_224 = arith.constant dense<0xFF800000> : vector<128xf32>
    %reduce_max3A_225 = vector.multi_reduction <maximumf>, %add3A_223, %reduce_max3A_224 [1] : vector<128x256xf32> to vector<128xf32>
    %broadcast_in_dim3A_226 = vector.shape_cast %reduce_max3A_225 : vector<128xf32> to vector<128x1xf32>
    %sub3A_227 = vector.broadcast %broadcast_in_dim3A_226 : vector<128x1xf32> to vector<128x256xf32>
    %sub3A_228 = arith.subf %add3A_223, %sub3A_227 : vector<128x256xf32>
    %exp3A_229 = math.exp %sub3A_228 : vector<128x256xf32>
    %convert_element_type3A_230 = arith.truncf %exp3A_229 : vector<128x256xf32> to vector<128x256xbf16>
    %slice3A_231 = vector.extract_strided_slice %get3A_213 {offsets = [0, 0], sizes = [256, 64], strides = [1, 1]} : vector<256x512xbf16> to vector<256x64xbf16>
    %dot_general3A_232 = arith.constant dense<0.000000e+00> : vector<128x64xf32>
    %dot_general3A_233 = tpu.matmul %convert_element_type3A_230, %slice3A_231, %dot_general3A_232 {dimension_numbers = #tpu.dot_dimension_numbers<[1], [0], [0], [1], [0, 0, 1, 1], [], []>, transpose_lhs_hint = false} : vector<128x256xbf16>, vector<256x64xbf16>, vector<128x64xf32> -> vector<128x64xf32>
    %reduce_sum3A_234 = arith.constant dense<0.000000e+00> : vector<128xf32>
    %reduce_sum3A_235 = vector.multi_reduction <add>, %exp3A_229, %reduce_sum3A_234 [1] : vector<128x256xf32> to vector<128xf32>
    %broadcast_in_dim3A_236 = vector.shape_cast %reduce_sum3A_235 : vector<128xf32> to vector<128x1xf32>
    %div3A_237 = vector.broadcast %broadcast_in_dim3A_236 : vector<128x1xf32> to vector<128x64xf32>
    %div3A_238 = arith.divf %dot_general3A_233, %div3A_237 : vector<128x64xf32>
    %slice3A_239 = vector.extract_strided_slice %get3A_203 {offsets = [0, 64], sizes = [128, 64], strides = [1, 1]} : vector<128x512xbf16> to vector<128x64xbf16>
    %slice3A_240 = vector.extract_strided_slice %get3A_208 {offsets = [0, 64], sizes = [256, 64], strides = [1, 1]} : vector<256x512xbf16> to vector<256x64xbf16>
    %dot_general3A_241 = arith.constant dense<0.000000e+00> : vector<128x256xf32>
    %dot_general3A_242 = tpu.matmul %slice3A_239, %slice3A_240, %dot_general3A_241 {dimension_numbers = #tpu.dot_dimension_numbers<[1], [1], [0], [0], [0, 0, 1, 0], [], []>, transpose_lhs_hint = false} : vector<128x64xbf16>, vector<256x64xbf16>, vector<128x256xf32> -> vector<128x256xf32>
    %add3A_243 = arith.addf %dot_general3A_242, %get3A_218 : vector<128x256xf32>
    %reduce_max3A_244 = arith.constant dense<0xFF800000> : vector<128xf32>
    %reduce_max3A_245 = vector.multi_reduction <maximumf>, %add3A_243, %reduce_max3A_244 [1] : vector<128x256xf32> to vector<128xf32>
    %broadcast_in_dim3A_246 = vector.shape_cast %reduce_max3A_245 : vector<128xf32> to vector<128x1xf32>
    %sub3A_247 = vector.broadcast %broadcast_in_dim3A_246 : vector<128x1xf32> to vector<128x256xf32>
    %sub3A_248 = arith.subf %add3A_243, %sub3A_247 : vector<128x256xf32>
    %exp3A_249 = math.exp %sub3A_248 : vector<128x256xf32>
    %convert_element_type3A_250 = arith.truncf %exp3A_249 : vector<128x256xf32> to vector<128x256xbf16>
    %slice3A_251 = vector.extract_strided_slice %get3A_213 {offsets = [0, 64], sizes = [256, 64], strides = [1, 1]} : vector<256x512xbf16> to vector<256x64xbf16>
    %dot_general3A_252 = arith.constant dense<0.000000e+00> : vector<128x64xf32>
    %dot_general3A_253 = tpu.matmul %convert_element_type3A_250, %slice3A_251, %dot_general3A_252 {dimension_numbers = #tpu.dot_dimension_numbers<[1], [0], [0], [1], [0, 0, 1, 1], [], []>, transpose_lhs_hint = false} : vector<128x256xbf16>, vector<256x64xbf16>, vector<128x64xf32> -> vector<128x64xf32>
    %reduce_sum3A_254 = arith.constant dense<0.000000e+00> : vector<128xf32>
    %reduce_sum3A_255 = vector.multi_reduction <add>, %exp3A_249, %reduce_sum3A_254 [1] : vector<128x256xf32> to vector<128xf32>
    %broadcast_in_dim3A_256 = vector.shape_cast %reduce_sum3A_255 : vector<128xf32> to vector<128x1xf32>
    %div3A_257 = vector.broadcast %broadcast_in_dim3A_256 : vector<128x1xf32> to vector<128x64xf32>
    %div3A_258 = arith.divf %dot_general3A_253, %div3A_257 : vector<128x64xf32>
    %slice3A_259 = vector.extract_strided_slice %get3A_203 {offsets = [0, 128], sizes = [128, 64], strides = [1, 1]} : vector<128x512xbf16> to vector<128x64xbf16>
    %slice3A_260 = vector.extract_strided_slice %get3A_208 {offsets = [0, 128], sizes = [256, 64], strides = [1, 1]} : vector<256x512xbf16> to vector<256x64xbf16>
    %dot_general3A_261 = arith.constant dense<0.000000e+00> : vector<128x256xf32>
    %dot_general3A_262 = tpu.matmul %slice3A_259, %slice3A_260, %dot_general3A_261 {dimension_numbers = #tpu.dot_dimension_numbers<[1], [1], [0], [0], [0, 0, 1, 0], [], []>, transpose_lhs_hint = false} : vector<128x64xbf16>, vector<256x64xbf16>, vector<128x256xf32> -> vector<128x256xf32>
    %add3A_263 = arith.addf %dot_general3A_262, %get3A_218 : vector<128x256xf32>
    %reduce_max3A_264 = arith.constant dense<0xFF800000> : vector<128xf32>
    %reduce_max3A_265 = vector.multi_reduction <maximumf>, %add3A_263, %reduce_max3A_264 [1] : vector<128x256xf32> to vector<128xf32>
    %broadcast_in_dim3A_266 = vector.shape_cast %reduce_max3A_265 : vector<128xf32> to vector<128x1xf32>
    %sub3A_267 = vector.broadcast %broadcast_in_dim3A_266 : vector<128x1xf32> to vector<128x256xf32>
    %sub3A_268 = arith.subf %add3A_263, %sub3A_267 : vector<128x256xf32>
    %exp3A_269 = math.exp %sub3A_268 : vector<128x256xf32>
    %convert_element_type3A_270 = arith.truncf %exp3A_269 : vector<128x256xf32> to vector<128x256xbf16>
    %slice3A_271 = vector.extract_strided_slice %get3A_213 {offsets = [0, 128], sizes = [256, 64], strides = [1, 1]} : vector<256x512xbf16> to vector<256x64xbf16>
    %dot_general3A_272 = arith.constant dense<0.000000e+00> : vector<128x64xf32>
    %dot_general3A_273 = tpu.matmul %convert_element_type3A_270, %slice3A_271, %dot_general3A_272 {dimension_numbers = #tpu.dot_dimension_numbers<[1], [0], [0], [1], [0, 0, 1, 1], [], []>, transpose_lhs_hint = false} : vector<128x256xbf16>, vector<256x64xbf16>, vector<128x64xf32> -> vector<128x64xf32>
    %reduce_sum3A_274 = arith.constant dense<0.000000e+00> : vector<128xf32>
    %reduce_sum3A_275 = vector.multi_reduction <add>, %exp3A_269, %reduce_sum3A_274 [1] : vector<128x256xf32> to vector<128xf32>
    %broadcast_in_dim3A_276 = vector.shape_cast %reduce_sum3A_275 : vector<128xf32> to vector<128x1xf32>
    %div3A_277 = vector.broadcast %broadcast_in_dim3A_276 : vector<128x1xf32> to vector<128x64xf32>
    %div3A_278 = arith.divf %dot_general3A_273, %div3A_277 : vector<128x64xf32>
    %slice3A_279 = vector.extract_strided_slice %get3A_203 {offsets = [0, 192], sizes = [128, 64], strides = [1, 1]} : vector<128x512xbf16> to vector<128x64xbf16>
    %slice3A_280 = vector.extract_strided_slice %get3A_208 {offsets = [0, 192], sizes = [256, 64], strides = [1, 1]} : vector<256x512xbf16> to vector<256x64xbf16>
    %dot_general3A_281 = arith.constant dense<0.000000e+00> : vector<128x256xf32>
    %dot_general3A_282 = tpu.matmul %slice3A_279, %slice3A_280, %dot_general3A_281 {dimension_numbers = #tpu.dot_dimension_numbers<[1], [1], [0], [0], [0, 0, 1, 0], [], []>, transpose_lhs_hint = false} : vector<128x64xbf16>, vector<256x64xbf16>, vector<128x256xf32> -> vector<128x256xf32>
    %add3A_283 = arith.addf %dot_general3A_282, %get3A_218 : vector<128x256xf32>
    %reduce_max3A_284 = arith.constant dense<0xFF800000> : vector<128xf32>
    %reduce_max3A_285 = vector.multi_reduction <maximumf>, %add3A_283, %reduce_max3A_284 [1] : vector<128x256xf32> to vector<128xf32>
    %broadcast_in_dim3A_286 = vector.shape_cast %reduce_max3A_285 : vector<128xf32> to vector<128x1xf32>
    %sub3A_287 = vector.broadcast %broadcast_in_dim3A_286 : vector<128x1xf32> to vector<128x256xf32>
    %sub3A_288 = arith.subf %add3A_283, %sub3A_287 : vector<128x256xf32>
    %exp3A_289 = math.exp %sub3A_288 : vector<128x256xf32>
    %convert_element_type3A_290 = arith.truncf %exp3A_289 : vector<128x256xf32> to vector<128x256xbf16>
    %slice3A_291 = vector.extract_strided_slice %get3A_213 {offsets = [0, 192], sizes = [256, 64], strides = [1, 1]} : vector<256x512xbf16> to vector<256x64xbf16>
    %dot_general3A_292 = arith.constant dense<0.000000e+00> : vector<128x64xf32>
    %dot_general3A_293 = tpu.matmul %convert_element_type3A_290, %slice3A_291, %dot_general3A_292 {dimension_numbers = #tpu.dot_dimension_numbers<[1], [0], [0], [1], [0, 0, 1, 1], [], []>, transpose_lhs_hint = false} : vector<128x256xbf16>, vector<256x64xbf16>, vector<128x64xf32> -> vector<128x64xf32>
    %reduce_sum3A_294 = arith.constant dense<0.000000e+00> : vector<128xf32>
    %reduce_sum3A_295 = vector.multi_reduction <add>, %exp3A_289, %reduce_sum3A_294 [1] : vector<128x256xf32> to vector<128xf32>
    %broadcast_in_dim3A_296 = vector.shape_cast %reduce_sum3A_295 : vector<128xf32> to vector<128x1xf32>
    %div3A_297 = vector.broadcast %broadcast_in_dim3A_296 : vector<128x1xf32> to vector<128x64xf32>
    %div3A_298 = arith.divf %dot_general3A_293, %div3A_297 : vector<128x64xf32>
    %slice3A_299 = vector.extract_strided_slice %get3A_203 {offsets = [0, 256], sizes = [128, 64], strides = [1, 1]} : vector<128x512xbf16> to vector<128x64xbf16>
    %slice3A_300 = vector.extract_strided_slice %get3A_208 {offsets = [0, 256], sizes = [256, 64], strides = [1, 1]} : vector<256x512xbf16> to vector<256x64xbf16>
    %dot_general3A_301 = arith.constant dense<0.000000e+00> : vector<128x256xf32>
    %dot_general3A_302 = tpu.matmul %slice3A_299, %slice3A_300, %dot_general3A_301 {dimension_numbers = #tpu.dot_dimension_numbers<[1], [1], [0], [0], [0, 0, 1, 0], [], []>, transpose_lhs_hint = false} : vector<128x64xbf16>, vector<256x64xbf16>, vector<128x256xf32> -> vector<128x256xf32>
    %add3A_303 = arith.addf %dot_general3A_302, %get3A_218 : vector<128x256xf32>
    %reduce_max3A_304 = arith.constant dense<0xFF800000> : vector<128xf32>
    %reduce_max3A_305 = vector.multi_reduction <maximumf>, %add3A_303, %reduce_max3A_304 [1] : vector<128x256xf32> to vector<128xf32>
    %broadcast_in_dim3A_306 = vector.shape_cast %reduce_max3A_305 : vector<128xf32> to vector<128x1xf32>
    %sub3A_307 = vector.broadcast %broadcast_in_dim3A_306 : vector<128x1xf32> to vector<128x256xf32>
    %sub3A_308 = arith.subf %add3A_303, %sub3A_307 : vector<128x256xf32>
    %exp3A_309 = math.exp %sub3A_308 : vector<128x256xf32>
    %convert_element_type3A_310 = arith.truncf %exp3A_309 : vector<128x256xf32> to vector<128x256xbf16>
    %slice3A_311 = vector.extract_strided_slice %get3A_213 {offsets = [0, 256], sizes = [256, 64], strides = [1, 1]} : vector<256x512xbf16> to vector<256x64xbf16>
    %dot_general3A_312 = arith.constant dense<0.000000e+00> : vector<128x64xf32>
    %dot_general3A_313 = tpu.matmul %convert_element_type3A_310, %slice3A_311, %dot_general3A_312 {dimension_numbers = #tpu.dot_dimension_numbers<[1], [0], [0], [1], [0, 0, 1, 1], [], []>, transpose_lhs_hint = false} : vector<128x256xbf16>, vector<256x64xbf16>, vector<128x64xf32> -> vector<128x64xf32>
    %reduce_sum3A_314 = arith.constant dense<0.000000e+00> : vector<128xf32>
    %reduce_sum3A_315 = vector.multi_reduction <add>, %exp3A_309, %reduce_sum3A_314 [1] : vector<128x256xf32> to vector<128xf32>
    %broadcast_in_dim3A_316 = vector.shape_cast %reduce_sum3A_315 : vector<128xf32> to vector<128x1xf32>
    %div3A_317 = vector.broadcast %broadcast_in_dim3A_316 : vector<128x1xf32> to vector<128x64xf32>
    %div3A_318 = arith.divf %dot_general3A_313, %div3A_317 : vector<128x64xf32>
    %slice3A_319 = vector.extract_strided_slice %get3A_203 {offsets = [0, 320], sizes = [128, 64], strides = [1, 1]} : vector<128x512xbf16> to vector<128x64xbf16>
    %slice3A_320 = vector.extract_strided_slice %get3A_208 {offsets = [0, 320], sizes = [256, 64], strides = [1, 1]} : vector<256x512xbf16> to vector<256x64xbf16>
    %dot_general3A_321 = arith.constant dense<0.000000e+00> : vector<128x256xf32>
    %dot_general3A_322 = tpu.matmul %slice3A_319, %slice3A_320, %dot_general3A_321 {dimension_numbers = #tpu.dot_dimension_numbers<[1], [1], [0], [0], [0, 0, 1, 0], [], []>, transpose_lhs_hint = false} : vector<128x64xbf16>, vector<256x64xbf16>, vector<128x256xf32> -> vector<128x256xf32>
    %add3A_323 = arith.addf %dot_general3A_322, %get3A_218 : vector<128x256xf32>
    %reduce_max3A_324 = arith.constant dense<0xFF800000> : vector<128xf32>
    %reduce_max3A_325 = vector.multi_reduction <maximumf>, %add3A_323, %reduce_max3A_324 [1] : vector<128x256xf32> to vector<128xf32>
    %broadcast_in_dim3A_326 = vector.shape_cast %reduce_max3A_325 : vector<128xf32> to vector<128x1xf32>
    %sub3A_327 = vector.broadcast %broadcast_in_dim3A_326 : vector<128x1xf32> to vector<128x256xf32>
    %sub3A_328 = arith.subf %add3A_323, %sub3A_327 : vector<128x256xf32>
    %exp3A_329 = math.exp %sub3A_328 : vector<128x256xf32>
    %convert_element_type3A_330 = arith.truncf %exp3A_329 : vector<128x256xf32> to vector<128x256xbf16>
    %slice3A_331 = vector.extract_strided_slice %get3A_213 {offsets = [0, 320], sizes = [256, 64], strides = [1, 1]} : vector<256x512xbf16> to vector<256x64xbf16>
    %dot_general3A_332 = arith.constant dense<0.000000e+00> : vector<128x64xf32>
    %dot_general3A_333 = tpu.matmul %convert_element_type3A_330, %slice3A_331, %dot_general3A_332 {dimension_numbers = #tpu.dot_dimension_numbers<[1], [0], [0], [1], [0, 0, 1, 1], [], []>, transpose_lhs_hint = false} : vector<128x256xbf16>, vector<256x64xbf16>, vector<128x64xf32> -> vector<128x64xf32>
    %reduce_sum3A_334 = arith.constant dense<0.000000e+00> : vector<128xf32>
    %reduce_sum3A_335 = vector.multi_reduction <add>, %exp3A_329, %reduce_sum3A_334 [1] : vector<128x256xf32> to vector<128xf32>
    %broadcast_in_dim3A_336 = vector.shape_cast %reduce_sum3A_335 : vector<128xf32> to vector<128x1xf32>
    %div3A_337 = vector.broadcast %broadcast_in_dim3A_336 : vector<128x1xf32> to vector<128x64xf32>
    %div3A_338 = arith.divf %dot_general3A_333, %div3A_337 : vector<128x64xf32>
    %slice3A_339 = vector.extract_strided_slice %get3A_203 {offsets = [0, 384], sizes = [128, 64], strides = [1, 1]} : vector<128x512xbf16> to vector<128x64xbf16>
    %slice3A_340 = vector.extract_strided_slice %get3A_208 {offsets = [0, 384], sizes = [256, 64], strides = [1, 1]} : vector<256x512xbf16> to vector<256x64xbf16>
    %dot_general3A_341 = arith.constant dense<0.000000e+00> : vector<128x256xf32>
    %dot_general3A_342 = tpu.matmul %slice3A_339, %slice3A_340, %dot_general3A_341 {dimension_numbers = #tpu.dot_dimension_numbers<[1], [1], [0], [0], [0, 0, 1, 0], [], []>, transpose_lhs_hint = false} : vector<128x64xbf16>, vector<256x64xbf16>, vector<128x256xf32> -> vector<128x256xf32>
    %add3A_343 = arith.addf %dot_general3A_342, %get3A_218 : vector<128x256xf32>
    %reduce_max3A_344 = arith.constant dense<0xFF800000> : vector<128xf32>
    %reduce_max3A_345 = vector.multi_reduction <maximumf>, %add3A_343, %reduce_max3A_344 [1] : vector<128x256xf32> to vector<128xf32>
    %broadcast_in_dim3A_346 = vector.shape_cast %reduce_max3A_345 : vector<128xf32> to vector<128x1xf32>
    %sub3A_347 = vector.broadcast %broadcast_in_dim3A_346 : vector<128x1xf32> to vector<128x256xf32>
    %sub3A_348 = arith.subf %add3A_343, %sub3A_347 : vector<128x256xf32>
    %exp3A_349 = math.exp %sub3A_348 : vector<128x256xf32>
    %convert_element_type3A_350 = arith.truncf %exp3A_349 : vector<128x256xf32> to vector<128x256xbf16>
    %slice3A_351 = vector.extract_strided_slice %get3A_213 {offsets = [0, 384], sizes = [256, 64], strides = [1, 1]} : vector<256x512xbf16> to vector<256x64xbf16>
    %dot_general3A_352 = arith.constant dense<0.000000e+00> : vector<128x64xf32>
    %dot_general3A_353 = tpu.matmul %convert_element_type3A_350, %slice3A_351, %dot_general3A_352 {dimension_numbers = #tpu.dot_dimension_numbers<[1], [0], [0], [1], [0, 0, 1, 1], [], []>, transpose_lhs_hint = false} : vector<128x256xbf16>, vector<256x64xbf16>, vector<128x64xf32> -> vector<128x64xf32>
    %reduce_sum3A_354 = arith.constant dense<0.000000e+00> : vector<128xf32>
    %reduce_sum3A_355 = vector.multi_reduction <add>, %exp3A_349, %reduce_sum3A_354 [1] : vector<128x256xf32> to vector<128xf32>
    %broadcast_in_dim3A_356 = vector.shape_cast %reduce_sum3A_355 : vector<128xf32> to vector<128x1xf32>
    %div3A_357 = vector.broadcast %broadcast_in_dim3A_356 : vector<128x1xf32> to vector<128x64xf32>
    %div3A_358 = arith.divf %dot_general3A_353, %div3A_357 : vector<128x64xf32>
    %slice3A_359 = vector.extract_strided_slice %get3A_203 {offsets = [0, 448], sizes = [128, 64], strides = [1, 1]} : vector<128x512xbf16> to vector<128x64xbf16>
    %slice3A_360 = vector.extract_strided_slice %get3A_208 {offsets = [0, 448], sizes = [256, 64], strides = [1, 1]} : vector<256x512xbf16> to vector<256x64xbf16>
    %dot_general3A_361 = arith.constant dense<0.000000e+00> : vector<128x256xf32>
    %dot_general3A_362 = tpu.matmul %slice3A_359, %slice3A_360, %dot_general3A_361 {dimension_numbers = #tpu.dot_dimension_numbers<[1], [1], [0], [0], [0, 0, 1, 0], [], []>, transpose_lhs_hint = false} : vector<128x64xbf16>, vector<256x64xbf16>, vector<128x256xf32> -> vector<128x256xf32>
    %add3A_363 = arith.addf %dot_general3A_362, %get3A_218 : vector<128x256xf32>
    %reduce_max3A_364 = arith.constant dense<0xFF800000> : vector<128xf32>
    %reduce_max3A_365 = vector.multi_reduction <maximumf>, %add3A_363, %reduce_max3A_364 [1] : vector<128x256xf32> to vector<128xf32>
    %broadcast_in_dim3A_366 = vector.shape_cast %reduce_max3A_365 : vector<128xf32> to vector<128x1xf32>
    %sub3A_367 = vector.broadcast %broadcast_in_dim3A_366 : vector<128x1xf32> to vector<128x256xf32>
    %sub3A_368 = arith.subf %add3A_363, %sub3A_367 : vector<128x256xf32>
    %exp3A_369 = math.exp %sub3A_368 : vector<128x256xf32>
    %convert_element_type3A_370 = arith.truncf %exp3A_369 : vector<128x256xf32> to vector<128x256xbf16>
    %slice3A_371 = vector.extract_strided_slice %get3A_213 {offsets = [0, 448], sizes = [256, 64], strides = [1, 1]} : vector<256x512xbf16> to vector<256x64xbf16>
    %dot_general3A_372 = arith.constant dense<0.000000e+00> : vector<128x64xf32>
    %dot_general3A_373 = tpu.matmul %convert_element_type3A_370, %slice3A_371, %dot_general3A_372 {dimension_numbers = #tpu.dot_dimension_numbers<[1], [0], [0], [1], [0, 0, 1, 1], [], []>, transpose_lhs_hint = false} : vector<128x256xbf16>, vector<256x64xbf16>, vector<128x64xf32> -> vector<128x64xf32>
    %reduce_sum3A_374 = arith.constant dense<0.000000e+00> : vector<128xf32>
    %reduce_sum3A_375 = vector.multi_reduction <add>, %exp3A_369, %reduce_sum3A_374 [1] : vector<128x256xf32> to vector<128xf32>
    %broadcast_in_dim3A_376 = vector.shape_cast %reduce_sum3A_375 : vector<128xf32> to vector<128x1xf32>
    %div3A_377 = vector.broadcast %broadcast_in_dim3A_376 : vector<128x1xf32> to vector<128x64xf32>
    %div3A_378 = arith.divf %dot_general3A_373, %div3A_377 : vector<128x64xf32>
    %concatenate3A_379 = tpu.concatenate %div3A_238, %div3A_258, %div3A_278, %div3A_298, %div3A_318, %div3A_338, %div3A_358, %div3A_378 in 1 : vector<128x64xf32>, vector<128x64xf32>, vector<128x64xf32>, vector<128x64xf32>, vector<128x64xf32>, vector<128x64xf32>, vector<128x64xf32>, vector<128x64xf32> -> vector<128x512xf32>
    %convert_element_type3A_380 = arith.truncf %concatenate3A_379 : vector<128x512xf32> to vector<128x512xbf16>
    %swap3A_381 = arith.constant 0 : index
    %swap3A_382 = arith.constant 128 : index
    %swap3A_383 = arith.constant 0 : index
    %swap3A_384 = vector.load %arg5[%swap3A_381, %swap3A_382, %swap3A_383] : memref<1x256x512xbf16, #tpu.memory_space<vmem>>, vector<1x128x512xbf16>
    %swap3A_385 = vector.shape_cast %swap3A_384 : vector<1x128x512xbf16> to vector<128x512xbf16>
    %swap3A_386 = vector.shape_cast %convert_element_type3A_380 : vector<128x512xbf16> to vector<1x128x512xbf16>
    tpu.vector_store %arg5[%swap3A_381, %swap3A_382, %swap3A_383], %swap3A_386 {strides = array<i32>} : memref<1x256x512xbf16, #tpu.memory_space<vmem>>, vector<1x128x512xbf16>,
    return
  }
  func.func @transform_0(%arg0: i32, %arg1: i32) -> i32 {
    %c0_i32 = arith.constant 0 : i32
    %c0_i32_0 = arith.constant 0 : i32
    return %c0_i32 : i32
  }
  func.func @transform_1(%arg0: i32, %arg1: i32) -> (i32, i32, i32) {
    %c0_i32 = arith.constant 0 : i32
    %c0_i32_0 = arith.constant 0 : i32
    %c0_i32_1 = arith.constant 0 : i32
    return %arg0, %c0_i32, %c0_i32_0 : i32, i32, i32
  }
  func.func @transform_2(%arg0: i32, %arg1: i32) -> (i32, i32, i32) {
    %c0_i32 = arith.constant 0 : i32
    %c0_i32_0 = arith.constant 0 : i32
    %c0_i32_1 = arith.constant 0 : i32
    return %arg1, %c0_i32, %c0_i32_0 : i32, i32, i32
  }
  func.func @transform_3(%arg0: i32, %arg1: i32) -> (i32, i32, i32) {
    %c0_i32 = arith.constant 0 : i32
    %c0_i32_0 = arith.constant 0 : i32
    return %arg0, %arg1, %c0_i32 : i32, i32, i32
  }
}

module attributes {stable_mosaic.version = 14 : i64} {
  func.func @_ffn_qkv_body(%arg0: i32, %arg1: i32, %arg2: memref<4xf32, #tpu.memory_space<smem>>, %arg3: memref<1x1024x512xbf16, #tpu.memory_space<vmem>>, %arg4: memref<1x1024x512xf32, #tpu.memory_space<vmem>>, %arg5: memref<1x512x512xf32, #tpu.memory_space<vmem>>, %arg6: memref<1x1x512xf32, #tpu.memory_space<vmem>>, %arg7: memref<1x1x512xf32, #tpu.memory_space<vmem>>, %arg8: memref<1x1x512xf32, #tpu.memory_space<vmem>>, %arg9: memref<1x512x2048xf32, #tpu.memory_space<vmem>>, %arg10: memref<1x1x2048xf32, #tpu.memory_space<vmem>>, %arg11: memref<1x2048x512xf32, #tpu.memory_space<vmem>>, %arg12: memref<1x1x512xf32, #tpu.memory_space<vmem>>, %arg13: memref<1x512x512xf32, #tpu.memory_space<vmem>>, %arg14: memref<1x512x512xf32, #tpu.memory_space<vmem>>, %arg15: memref<1x512x512xf32, #tpu.memory_space<vmem>>, %arg16: memref<1x1x512xf32, #tpu.memory_space<vmem>>, %arg17: memref<1x1x512xf32, #tpu.memory_space<vmem>>, %arg18: memref<1x1x512xf32, #tpu.memory_space<vmem>>, %arg19: memref<1x1024x512xf32, #tpu.memory_space<vmem>>, %arg20: memref<1x1024x1536xbf16, #tpu.memory_space<vmem>>) attributes {dimension_semantics = [#tpu.dimension_semantics<arbitrary>, #tpu.dimension_semantics<arbitrary>], iteration_bounds = array<i64: 4, 2>, scalar_prefetch = 0 : i64, scratch_operands = 0 : i64, tpu.core_type = #tpu.core_type<tc>, window_params = [{transform_indices = @transform_0, window_bounds = array<i64: 4>}, {transform_indices = @transform_1, window_bounds = array<i64: 1, 1024, 512>}, {transform_indices = @transform_2, window_bounds = array<i64: 1, 1024, 512>}, {transform_indices = @transform_3, window_bounds = array<i64: 1, 512, 512>}, {transform_indices = @transform_4, window_bounds = array<i64: 1, 1, 512>}, {transform_indices = @transform_5, window_bounds = array<i64: 1, 1, 512>}, {transform_indices = @transform_6, window_bounds = array<i64: 1, 1, 512>}, {transform_indices = @transform_7, window_bounds = array<i64: 1, 512, 2048>}, {transform_indices = @transform_8, window_bounds = array<i64: 1, 1, 2048>}, {transform_indices = @transform_9, window_bounds = array<i64: 1, 2048, 512>}, {transform_indices = @transform_10, window_bounds = array<i64: 1, 1, 512>}, {transform_indices = @transform_11, window_bounds = array<i64: 1, 512, 512>}, {transform_indices = @transform_12, window_bounds = array<i64: 1, 512, 512>}, {transform_indices = @transform_13, window_bounds = array<i64: 1, 512, 512>}, {transform_indices = @transform_14, window_bounds = array<i64: 1, 1, 512>}, {transform_indices = @transform_15, window_bounds = array<i64: 1, 1, 512>}, {transform_indices = @transform_16, window_bounds = array<i64: 1, 1, 512>}, {transform_indices = @transform_17, window_bounds = array<i64: 1, 1024, 512>}, {transform_indices = @transform_18, window_bounds = array<i64: 1, 1024, 1536>}]} {
    %get3A = arith.constant 0 : index
    %get3A_0 = arith.constant 0 : index
    %get3A_1 = arith.constant 0 : index
    %get3A_2 = vector.load %arg3[%get3A, %get3A_0, %get3A_1] : memref<1x1024x512xbf16, #tpu.memory_space<vmem>>, vector<1x1024x512xbf16>
    %get3A_3 = vector.shape_cast %get3A_2 : vector<1x1024x512xbf16> to vector<1024x512xbf16>
    %get3A_4 = arith.constant 0 : index
    %get3A_5 = arith.constant 0 : index
    %get3A_6 = arith.constant 0 : index
    %get3A_7 = vector.load %arg5[%get3A_4, %get3A_5, %get3A_6] : memref<1x512x512xf32, #tpu.memory_space<vmem>>, vector<1x512x512xf32>
    %get3A_8 = vector.shape_cast %get3A_7 : vector<1x512x512xf32> to vector<512x512xf32>
    %convert_element_type3A = arith.truncf %get3A_8 : vector<512x512xf32> to vector<512x512xbf16>
    %dot_general3A = arith.constant dense<0.000000e+00> : vector<1024x512xf32>
    %dot_general3A_9 = tpu.matmul %get3A_3, %convert_element_type3A, %dot_general3A {dimension_numbers = #tpu.dot_dimension_numbers<[1], [0], [0], [1], [0, 0, 1, 1], [], []>, transpose_lhs_hint = false} : vector<1024x512xbf16>, vector<512x512xbf16>, vector<1024x512xf32> -> vector<1024x512xf32>
    %get3A_10 = arith.constant 0 : index
    %get3A_11 = arith.constant 0 : index
    %get3A_12 = arith.constant 0 : index
    %get3A_13 = vector.load %arg6[%get3A_10, %get3A_11, %get3A_12] : memref<1x1x512xf32, #tpu.memory_space<vmem>>, vector<1x1x512xf32>
    %get3A_14 = vector.shape_cast %get3A_13 : vector<1x1x512xf32> to vector<1x512xf32>
    %add3A = vector.broadcast %get3A_14 : vector<1x512xf32> to vector<1024x512xf32>
    %add3A_15 = arith.addf %dot_general3A_9, %add3A : vector<1024x512xf32>
    %get3A_16 = arith.constant 0 : index
    %get3A_17 = arith.constant 0 : index
    %get3A_18 = arith.constant 0 : index
    %get3A_19 = vector.load %arg4[%get3A_16, %get3A_17, %get3A_18] : memref<1x1024x512xf32, #tpu.memory_space<vmem>>, vector<1x1024x512xf32>
    %get3A_20 = vector.shape_cast %get3A_19 : vector<1x1024x512xf32> to vector<1024x512xf32>
    %add3A_21 = arith.addf %add3A_15, %get3A_20 : vector<1024x512xf32>
    %get3A_22 = arith.constant 0 : index
    %get3A_23 = arith.constant 0 : index
    %get3A_24 = arith.constant 0 : index
    %get3A_25 = vector.load %arg7[%get3A_22, %get3A_23, %get3A_24] : memref<1x1x512xf32, #tpu.memory_space<vmem>>, vector<1x1x512xf32>
    %get3A_26 = vector.shape_cast %get3A_25 : vector<1x1x512xf32> to vector<1x512xf32>
    %get3A_27 = arith.constant 0 : index
    %get3A_28 = arith.constant 0 : index
    %get3A_29 = arith.constant 0 : index
    %get3A_30 = vector.load %arg8[%get3A_27, %get3A_28, %get3A_29] : memref<1x1x512xf32, #tpu.memory_space<vmem>>, vector<1x1x512xf32>
    %get3A_31 = vector.shape_cast %get3A_30 : vector<1x1x512xf32> to vector<1x512xf32>
    %reduce_sum3A = arith.constant dense<0.000000e+00> : vector<1024xf32>
    %reduce_sum3A_32 = vector.multi_reduction <add>, %add3A_21, %reduce_sum3A [1] : vector<1024x512xf32> to vector<1024xf32>
    %broadcast_in_dim3A = vector.shape_cast %reduce_sum3A_32 : vector<1024xf32> to vector<1024x1xf32>
    %div3A = arith.constant 5.120000e+02 : f32
    %div3A_33 = vector.broadcast %div3A : f32 to vector<1024x1xf32>
    %div3A_34 = arith.divf %broadcast_in_dim3A, %div3A_33 : vector<1024x1xf32>
    %sub3A = vector.broadcast %div3A_34 : vector<1024x1xf32> to vector<1024x512xf32>
    %sub3A_35 = arith.subf %add3A_21, %sub3A : vector<1024x512xf32>
    %mul3A = arith.mulf %sub3A_35, %sub3A_35 : vector<1024x512xf32>
    %reduce_sum3A_36 = arith.constant dense<0.000000e+00> : vector<1024xf32>
    %reduce_sum3A_37 = vector.multi_reduction <add>, %mul3A, %reduce_sum3A_36 [1] : vector<1024x512xf32> to vector<1024xf32>
    %broadcast_in_dim3A_38 = vector.shape_cast %reduce_sum3A_37 : vector<1024xf32> to vector<1024x1xf32>
    %div3A_39 = arith.constant 5.120000e+02 : f32
    %div3A_40 = vector.broadcast %div3A_39 : f32 to vector<1024x1xf32>
    %div3A_41 = arith.divf %broadcast_in_dim3A_38, %div3A_40 : vector<1024x1xf32>
    %add3A_42 = arith.constant 9.99999974E-6 : f32
    %add3A_43 = vector.broadcast %add3A_42 : f32 to vector<1024x1xf32>
    %add3A_44 = arith.addf %div3A_41, %add3A_43 : vector<1024x1xf32>
    %rsqrt3A = math.rsqrt %add3A_44 : vector<1024x1xf32>
    %mul3A_45 = vector.broadcast %rsqrt3A : vector<1024x1xf32> to vector<1024x512xf32>
    %mul3A_46 = arith.mulf %sub3A_35, %mul3A_45 : vector<1024x512xf32>
    %mul3A_47 = vector.broadcast %get3A_26 : vector<1x512xf32> to vector<1024x512xf32>
    %mul3A_48 = arith.mulf %mul3A_46, %mul3A_47 : vector<1024x512xf32>
    %add3A_49 = vector.broadcast %get3A_31 : vector<1x512xf32> to vector<1024x512xf32>
    %add3A_50 = arith.addf %mul3A_48, %add3A_49 : vector<1024x512xf32>
    %convert_element_type3A_51 = arith.truncf %add3A_50 : vector<1024x512xf32> to vector<1024x512xbf16>
    %get3A_52 = arith.constant 0 : index
    %get3A_53 = arith.constant 0 : index
    %get3A_54 = arith.constant 0 : index
    %get3A_55 = vector.load %arg9[%get3A_52, %get3A_53, %get3A_54] : memref<1x512x2048xf32, #tpu.memory_space<vmem>>, vector<1x512x2048xf32>
    %get3A_56 = vector.shape_cast %get3A_55 : vector<1x512x2048xf32> to vector<512x2048xf32>
    %convert_element_type3A_57 = arith.truncf %get3A_56 : vector<512x2048xf32> to vector<512x2048xbf16>
    %dot_general3A_58 = arith.constant dense<0.000000e+00> : vector<1024x2048xf32>
    %dot_general3A_59 = tpu.matmul %convert_element_type3A_51, %convert_element_type3A_57, %dot_general3A_58 {dimension_numbers = #tpu.dot_dimension_numbers<[1], [0], [0], [1], [0, 0, 1, 1], [], []>, transpose_lhs_hint = false} : vector<1024x512xbf16>, vector<512x2048xbf16>, vector<1024x2048xf32> -> vector<1024x2048xf32>
    %get3A_60 = arith.constant 0 : index
    %get3A_61 = arith.constant 0 : index
    %get3A_62 = arith.constant 0 : index
    %get3A_63 = vector.load %arg10[%get3A_60, %get3A_61, %get3A_62] : memref<1x1x2048xf32, #tpu.memory_space<vmem>>, vector<1x1x2048xf32>
    %get3A_64 = vector.shape_cast %get3A_63 : vector<1x1x2048xf32> to vector<1x2048xf32>
    %add3A_65 = vector.broadcast %get3A_64 : vector<1x2048xf32> to vector<1024x2048xf32>
    %add3A_66 = arith.addf %dot_general3A_59, %add3A_65 : vector<1024x2048xf32>
    %mul3A_67 = arith.constant 5.000000e-01 : f32
    %mul3A_68 = vector.broadcast %mul3A_67 : f32 to vector<1024x2048xf32>
    %mul3A_69 = arith.mulf %mul3A_68, %add3A_66 : vector<1024x2048xf32>
    %mul3A_70 = arith.constant 0.707106769 : f32
    %mul3A_71 = vector.broadcast %mul3A_70 : f32 to vector<1024x2048xf32>
    %mul3A_72 = arith.mulf %add3A_66, %mul3A_71 : vector<1024x2048xf32>
    %erf3A = math.erf %mul3A_72 : vector<1024x2048xf32>
    %add3A_73 = arith.constant 1.000000e+00 : f32
    %add3A_74 = vector.broadcast %add3A_73 : f32 to vector<1024x2048xf32>
    %add3A_75 = arith.addf %add3A_74, %erf3A : vector<1024x2048xf32>
    %mul3A_76 = arith.mulf %mul3A_69, %add3A_75 : vector<1024x2048xf32>
    %convert_element_type3A_77 = arith.truncf %mul3A_76 : vector<1024x2048xf32> to vector<1024x2048xbf16>
    %get3A_78 = arith.constant 0 : index
    %get3A_79 = arith.constant 0 : index
    %get3A_80 = arith.constant 0 : index
    %get3A_81 = vector.load %arg11[%get3A_78, %get3A_79, %get3A_80] : memref<1x2048x512xf32, #tpu.memory_space<vmem>>, vector<1x2048x512xf32>
    %get3A_82 = vector.shape_cast %get3A_81 : vector<1x2048x512xf32> to vector<2048x512xf32>
    %convert_element_type3A_83 = arith.truncf %get3A_82 : vector<2048x512xf32> to vector<2048x512xbf16>
    %dot_general3A_84 = arith.constant dense<0.000000e+00> : vector<1024x512xf32>
    %dot_general3A_85 = tpu.matmul %convert_element_type3A_77, %convert_element_type3A_83, %dot_general3A_84 {dimension_numbers = #tpu.dot_dimension_numbers<[1], [0], [0], [1], [0, 0, 1, 1], [], []>, transpose_lhs_hint = false} : vector<1024x2048xbf16>, vector<2048x512xbf16>, vector<1024x512xf32> -> vector<1024x512xf32>
    %get3A_86 = arith.constant 0 : index
    %get3A_87 = arith.constant 0 : index
    %get3A_88 = arith.constant 0 : index
    %get3A_89 = vector.load %arg12[%get3A_86, %get3A_87, %get3A_88] : memref<1x1x512xf32, #tpu.memory_space<vmem>>, vector<1x1x512xf32>
    %get3A_90 = vector.shape_cast %get3A_89 : vector<1x1x512xf32> to vector<1x512xf32>
    %add3A_91 = vector.broadcast %get3A_90 : vector<1x512xf32> to vector<1024x512xf32>
    %add3A_92 = arith.addf %dot_general3A_85, %add3A_91 : vector<1024x512xf32>
    %add3A_93 = arith.addf %add3A_92, %add3A_50 : vector<1024x512xf32>
    %get3A_94 = arith.constant 0 : index
    %get3A_95 = arith.constant 0 : index
    %get3A_96 = arith.constant 0 : index
    %get3A_97 = vector.load %arg7[%get3A_94, %get3A_95, %get3A_96] : memref<1x1x512xf32, #tpu.memory_space<vmem>>, vector<1x1x512xf32>
    %get3A_98 = vector.shape_cast %get3A_97 : vector<1x1x512xf32> to vector<1x512xf32>
    %get3A_99 = arith.constant 0 : index
    %get3A_100 = arith.constant 0 : index
    %get3A_101 = arith.constant 0 : index
    %get3A_102 = vector.load %arg8[%get3A_99, %get3A_100, %get3A_101] : memref<1x1x512xf32, #tpu.memory_space<vmem>>, vector<1x1x512xf32>
    %get3A_103 = vector.shape_cast %get3A_102 : vector<1x1x512xf32> to vector<1x512xf32>
    %reduce_sum3A_104 = arith.constant dense<0.000000e+00> : vector<1024xf32>
    %reduce_sum3A_105 = vector.multi_reduction <add>, %add3A_93, %reduce_sum3A_104 [1] : vector<1024x512xf32> to vector<1024xf32>
    %broadcast_in_dim3A_106 = vector.shape_cast %reduce_sum3A_105 : vector<1024xf32> to vector<1024x1xf32>
    %div3A_107 = arith.constant 5.120000e+02 : f32
    %div3A_108 = vector.broadcast %div3A_107 : f32 to vector<1024x1xf32>
    %div3A_109 = arith.divf %broadcast_in_dim3A_106, %div3A_108 : vector<1024x1xf32>
    %sub3A_110 = vector.broadcast %div3A_109 : vector<1024x1xf32> to vector<1024x512xf32>
    %sub3A_111 = arith.subf %add3A_93, %sub3A_110 : vector<1024x512xf32>
    %mul3A_112 = arith.mulf %sub3A_111, %sub3A_111 : vector<1024x512xf32>
    %reduce_sum3A_113 = arith.constant dense<0.000000e+00> : vector<1024xf32>
    %reduce_sum3A_114 = vector.multi_reduction <add>, %mul3A_112, %reduce_sum3A_113 [1] : vector<1024x512xf32> to vector<1024xf32>
    %broadcast_in_dim3A_115 = vector.shape_cast %reduce_sum3A_114 : vector<1024xf32> to vector<1024x1xf32>
    %div3A_116 = arith.constant 5.120000e+02 : f32
    %div3A_117 = vector.broadcast %div3A_116 : f32 to vector<1024x1xf32>
    %div3A_118 = arith.divf %broadcast_in_dim3A_115, %div3A_117 : vector<1024x1xf32>
    %add3A_119 = arith.constant 9.99999974E-6 : f32
    %add3A_120 = vector.broadcast %add3A_119 : f32 to vector<1024x1xf32>
    %add3A_121 = arith.addf %div3A_118, %add3A_120 : vector<1024x1xf32>
    %rsqrt3A_122 = math.rsqrt %add3A_121 : vector<1024x1xf32>
    %mul3A_123 = vector.broadcast %rsqrt3A_122 : vector<1024x1xf32> to vector<1024x512xf32>
    %mul3A_124 = arith.mulf %sub3A_111, %mul3A_123 : vector<1024x512xf32>
    %mul3A_125 = vector.broadcast %get3A_98 : vector<1x512xf32> to vector<1024x512xf32>
    %mul3A_126 = arith.mulf %mul3A_124, %mul3A_125 : vector<1024x512xf32>
    %add3A_127 = vector.broadcast %get3A_103 : vector<1x512xf32> to vector<1024x512xf32>
    %add3A_128 = arith.addf %mul3A_126, %add3A_127 : vector<1024x512xf32>
    %swap3A = arith.constant 0 : index
    %swap3A_129 = arith.constant 0 : index
    %swap3A_130 = arith.constant 0 : index
    %swap3A_131 = vector.load %arg19[%swap3A, %swap3A_129, %swap3A_130] : memref<1x1024x512xf32, #tpu.memory_space<vmem>>, vector<1x1024x512xf32>
    %swap3A_132 = vector.shape_cast %swap3A_131 : vector<1x1024x512xf32> to vector<1024x512xf32>
    %swap3A_133 = vector.shape_cast %add3A_128 : vector<1024x512xf32> to vector<1x1024x512xf32>
    tpu.vector_store %arg19[%swap3A, %swap3A_129, %swap3A_130], %swap3A_133 {strides = array<i32>} : memref<1x1024x512xf32, #tpu.memory_space<vmem>>, vector<1x1024x512xf32>,
    %convert_element_type3A_134 = arith.truncf %add3A_128 : vector<1024x512xf32> to vector<1024x512xbf16>
    %get3A_135 = arith.constant 1 : index
    %get3A_136 = memref.load %arg2[%get3A_135] : memref<4xf32, #tpu.memory_space<smem>>
    %abs3A = math.absf %get3A_136 : f32
    %mul3A_137 = arith.constant 8.000000e+00 : f32
    %mul3A_138 = arith.mulf %mul3A_137, %abs3A : f32
    %div3A_139 = arith.constant 1.000000e+00 : f32
    %div3A_140 = arith.divf %div3A_139, %mul3A_138 : f32
    %get3A_141 = arith.constant 0 : index
    %get3A_142 = arith.constant 0 : index
    %get3A_143 = arith.constant 0 : index
    %get3A_144 = vector.load %arg13[%get3A_141, %get3A_142, %get3A_143] : memref<1x512x512xf32, #tpu.memory_space<vmem>>, vector<1x512x512xf32>
    %get3A_145 = vector.shape_cast %get3A_144 : vector<1x512x512xf32> to vector<512x512xf32>
    %convert_element_type3A_146 = arith.truncf %get3A_145 : vector<512x512xf32> to vector<512x512xbf16>
    %dot_general3A_147 = arith.constant dense<0.000000e+00> : vector<1024x512xf32>
    %dot_general3A_148 = tpu.matmul %convert_element_type3A_134, %convert_element_type3A_146, %dot_general3A_147 {dimension_numbers = #tpu.dot_dimension_numbers<[1], [0], [0], [1], [0, 0, 1, 1], [], []>, transpose_lhs_hint = false} : vector<1024x512xbf16>, vector<512x512xbf16>, vector<1024x512xf32> -> vector<1024x512xf32>
    %get3A_149 = arith.constant 0 : index
    %get3A_150 = arith.constant 0 : index
    %get3A_151 = arith.constant 0 : index
    %get3A_152 = vector.load %arg16[%get3A_149, %get3A_150, %get3A_151] : memref<1x1x512xf32, #tpu.memory_space<vmem>>, vector<1x1x512xf32>
    %get3A_153 = vector.shape_cast %get3A_152 : vector<1x1x512xf32> to vector<1x512xf32>
    %add3A_154 = vector.broadcast %get3A_153 : vector<1x512xf32> to vector<1024x512xf32>
    %add3A_155 = arith.addf %dot_general3A_148, %add3A_154 : vector<1024x512xf32>
    %mul3A_156 = vector.broadcast %div3A_140 : f32 to vector<1024x512xf32>
    %mul3A_157 = arith.mulf %add3A_155, %mul3A_156 : vector<1024x512xf32>
    %convert_element_type3A_158 = arith.truncf %mul3A_157 : vector<1024x512xf32> to vector<1024x512xbf16>
    %swap3A_159 = arith.constant 0 : index
    %swap3A_160 = arith.constant 0 : index
    %swap3A_161 = arith.constant 0 : index
    %swap3A_162 = vector.load %arg20[%swap3A_159, %swap3A_160, %swap3A_161] : memref<1x1024x1536xbf16, #tpu.memory_space<vmem>>, vector<1x1024x512xbf16>
    %swap3A_163 = vector.shape_cast %swap3A_162 : vector<1x1024x512xbf16> to vector<1024x512xbf16>
    %swap3A_164 = vector.shape_cast %convert_element_type3A_158 : vector<1024x512xbf16> to vector<1x1024x512xbf16>
    tpu.vector_store %arg20[%swap3A_159, %swap3A_160, %swap3A_161], %swap3A_164 {strides = array<i32>} : memref<1x1024x1536xbf16, #tpu.memory_space<vmem>>, vector<1x1024x512xbf16>,
    %get3A_165 = arith.constant 0 : index
    %get3A_166 = arith.constant 0 : index
    %get3A_167 = arith.constant 0 : index
    %get3A_168 = vector.load %arg14[%get3A_165, %get3A_166, %get3A_167] : memref<1x512x512xf32, #tpu.memory_space<vmem>>, vector<1x512x512xf32>
    %get3A_169 = vector.shape_cast %get3A_168 : vector<1x512x512xf32> to vector<512x512xf32>
    %convert_element_type3A_170 = arith.truncf %get3A_169 : vector<512x512xf32> to vector<512x512xbf16>
    %dot_general3A_171 = arith.constant dense<0.000000e+00> : vector<1024x512xf32>
    %dot_general3A_172 = tpu.matmul %convert_element_type3A_134, %convert_element_type3A_170, %dot_general3A_171 {dimension_numbers = #tpu.dot_dimension_numbers<[1], [0], [0], [1], [0, 0, 1, 1], [], []>, transpose_lhs_hint = false} : vector<1024x512xbf16>, vector<512x512xbf16>, vector<1024x512xf32> -> vector<1024x512xf32>
    %get3A_173 = arith.constant 0 : index
    %get3A_174 = arith.constant 0 : index
    %get3A_175 = arith.constant 0 : index
    %get3A_176 = vector.load %arg17[%get3A_173, %get3A_174, %get3A_175] : memref<1x1x512xf32, #tpu.memory_space<vmem>>, vector<1x1x512xf32>
    %get3A_177 = vector.shape_cast %get3A_176 : vector<1x1x512xf32> to vector<1x512xf32>
    %add3A_178 = vector.broadcast %get3A_177 : vector<1x512xf32> to vector<1024x512xf32>
    %add3A_179 = arith.addf %dot_general3A_172, %add3A_178 : vector<1024x512xf32>
    %convert_element_type3A_180 = arith.truncf %add3A_179 : vector<1024x512xf32> to vector<1024x512xbf16>
    %swap3A_181 = arith.constant 0 : index
    %swap3A_182 = arith.constant 0 : index
    %swap3A_183 = arith.constant 512 : index
    %swap3A_184 = vector.load %arg20[%swap3A_181, %swap3A_182, %swap3A_183] : memref<1x1024x1536xbf16, #tpu.memory_space<vmem>>, vector<1x1024x512xbf16>
    %swap3A_185 = vector.shape_cast %swap3A_184 : vector<1x1024x512xbf16> to vector<1024x512xbf16>
    %swap3A_186 = vector.shape_cast %convert_element_type3A_180 : vector<1024x512xbf16> to vector<1x1024x512xbf16>
    tpu.vector_store %arg20[%swap3A_181, %swap3A_182, %swap3A_183], %swap3A_186 {strides = array<i32>} : memref<1x1024x1536xbf16, #tpu.memory_space<vmem>>, vector<1x1024x512xbf16>,
    %get3A_187 = arith.constant 0 : index
    %get3A_188 = arith.constant 0 : index
    %get3A_189 = arith.constant 0 : index
    %get3A_190 = vector.load %arg15[%get3A_187, %get3A_188, %get3A_189] : memref<1x512x512xf32, #tpu.memory_space<vmem>>, vector<1x512x512xf32>
    %get3A_191 = vector.shape_cast %get3A_190 : vector<1x512x512xf32> to vector<512x512xf32>
    %convert_element_type3A_192 = arith.truncf %get3A_191 : vector<512x512xf32> to vector<512x512xbf16>
    %dot_general3A_193 = arith.constant dense<0.000000e+00> : vector<1024x512xf32>
    %dot_general3A_194 = tpu.matmul %convert_element_type3A_134, %convert_element_type3A_192, %dot_general3A_193 {dimension_numbers = #tpu.dot_dimension_numbers<[1], [0], [0], [1], [0, 0, 1, 1], [], []>, transpose_lhs_hint = false} : vector<1024x512xbf16>, vector<512x512xbf16>, vector<1024x512xf32> -> vector<1024x512xf32>
    %get3A_195 = arith.constant 0 : index
    %get3A_196 = arith.constant 0 : index
    %get3A_197 = arith.constant 0 : index
    %get3A_198 = vector.load %arg18[%get3A_195, %get3A_196, %get3A_197] : memref<1x1x512xf32, #tpu.memory_space<vmem>>, vector<1x1x512xf32>
    %get3A_199 = vector.shape_cast %get3A_198 : vector<1x1x512xf32> to vector<1x512xf32>
    %add3A_200 = vector.broadcast %get3A_199 : vector<1x512xf32> to vector<1024x512xf32>
    %add3A_201 = arith.addf %dot_general3A_194, %add3A_200 : vector<1024x512xf32>
    %convert_element_type3A_202 = arith.truncf %add3A_201 : vector<1024x512xf32> to vector<1024x512xbf16>
    %swap3A_203 = arith.constant 0 : index
    %swap3A_204 = arith.constant 0 : index
    %swap3A_205 = arith.constant 1024 : index
    %swap3A_206 = vector.load %arg20[%swap3A_203, %swap3A_204, %swap3A_205] : memref<1x1024x1536xbf16, #tpu.memory_space<vmem>>, vector<1x1024x512xbf16>
    %swap3A_207 = vector.shape_cast %swap3A_206 : vector<1x1024x512xbf16> to vector<1024x512xbf16>
    %swap3A_208 = vector.shape_cast %convert_element_type3A_202 : vector<1024x512xbf16> to vector<1x1024x512xbf16>
    tpu.vector_store %arg20[%swap3A_203, %swap3A_204, %swap3A_205], %swap3A_208 {strides = array<i32>} : memref<1x1024x1536xbf16, #tpu.memory_space<vmem>>, vector<1x1024x512xbf16>,
    return
  }
  func.func @transform_0(%arg0: i32, %arg1: i32) -> i32 {
    %c0_i32 = arith.constant 0 : i32
    %c0_i32_0 = arith.constant 0 : i32
    return %c0_i32 : i32
  }
  func.func @transform_1(%arg0: i32, %arg1: i32) -> (i32, i32, i32) {
    %c0_i32 = arith.constant 0 : i32
    %c0_i32_0 = arith.constant 0 : i32
    return %arg0, %arg1, %c0_i32 : i32, i32, i32
  }
  func.func @transform_2(%arg0: i32, %arg1: i32) -> (i32, i32, i32) {
    %c0_i32 = arith.constant 0 : i32
    %c0_i32_0 = arith.constant 0 : i32
    return %arg0, %arg1, %c0_i32 : i32, i32, i32
  }
  func.func @transform_3(%arg0: i32, %arg1: i32) -> (i32, i32, i32) {
    %c0_i32 = arith.constant 0 : i32
    %c0_i32_0 = arith.constant 0 : i32
    %c0_i32_1 = arith.constant 0 : i32
    %c0_i32_2 = arith.constant 0 : i32
    return %c0_i32, %c0_i32_0, %c0_i32_1 : i32, i32, i32
  }
  func.func @transform_4(%arg0: i32, %arg1: i32) -> (i32, i32, i32) {
    %c0_i32 = arith.constant 0 : i32
    %c0_i32_0 = arith.constant 0 : i32
    %c0_i32_1 = arith.constant 0 : i32
    %c0_i32_2 = arith.constant 0 : i32
    return %c0_i32, %c0_i32_0, %c0_i32_1 : i32, i32, i32
  }
  func.func @transform_5(%arg0: i32, %arg1: i32) -> (i32, i32, i32) {
    %c0_i32 = arith.constant 0 : i32
    %c0_i32_0 = arith.constant 0 : i32
    %c0_i32_1 = arith.constant 0 : i32
    %c0_i32_2 = arith.constant 0 : i32
    return %c0_i32, %c0_i32_0, %c0_i32_1 : i32, i32, i32
  }
  func.func @transform_6(%arg0: i32, %arg1: i32) -> (i32, i32, i32) {
    %c0_i32 = arith.constant 0 : i32
    %c0_i32_0 = arith.constant 0 : i32
    %c0_i32_1 = arith.constant 0 : i32
    %c0_i32_2 = arith.constant 0 : i32
    return %c0_i32, %c0_i32_0, %c0_i32_1 : i32, i32, i32
  }
  func.func @transform_7(%arg0: i32, %arg1: i32) -> (i32, i32, i32) {
    %c0_i32 = arith.constant 0 : i32
    %c0_i32_0 = arith.constant 0 : i32
    %c0_i32_1 = arith.constant 0 : i32
    %c0_i32_2 = arith.constant 0 : i32
    return %c0_i32, %c0_i32_0, %c0_i32_1 : i32, i32, i32
  }
  func.func @transform_8(%arg0: i32, %arg1: i32) -> (i32, i32, i32) {
    %c0_i32 = arith.constant 0 : i32
    %c0_i32_0 = arith.constant 0 : i32
    %c0_i32_1 = arith.constant 0 : i32
    %c0_i32_2 = arith.constant 0 : i32
    return %c0_i32, %c0_i32_0, %c0_i32_1 : i32, i32, i32
  }
  func.func @transform_9(%arg0: i32, %arg1: i32) -> (i32, i32, i32) {
    %c0_i32 = arith.constant 0 : i32
    %c0_i32_0 = arith.constant 0 : i32
    %c0_i32_1 = arith.constant 0 : i32
    %c0_i32_2 = arith.constant 0 : i32
    return %c0_i32, %c0_i32_0, %c0_i32_1 : i32, i32, i32
  }
  func.func @transform_10(%arg0: i32, %arg1: i32) -> (i32, i32, i32) {
    %c0_i32 = arith.constant 0 : i32
    %c0_i32_0 = arith.constant 0 : i32
    %c0_i32_1 = arith.constant 0 : i32
    %c0_i32_2 = arith.constant 0 : i32
    return %c0_i32, %c0_i32_0, %c0_i32_1 : i32, i32, i32
  }
  func.func @transform_11(%arg0: i32, %arg1: i32) -> (i32, i32, i32) {
    %c1_i32 = arith.constant 1 : i32
    %c0_i32 = arith.constant 0 : i32
    %c0_i32_0 = arith.constant 0 : i32
    %c0_i32_1 = arith.constant 0 : i32
    return %c1_i32, %c0_i32, %c0_i32_0 : i32, i32, i32
  }
  func.func @transform_12(%arg0: i32, %arg1: i32) -> (i32, i32, i32) {
    %c1_i32 = arith.constant 1 : i32
    %c0_i32 = arith.constant 0 : i32
    %c0_i32_0 = arith.constant 0 : i32
    %c0_i32_1 = arith.constant 0 : i32
    return %c1_i32, %c0_i32, %c0_i32_0 : i32, i32, i32
  }
  func.func @transform_13(%arg0: i32, %arg1: i32) -> (i32, i32, i32) {
    %c1_i32 = arith.constant 1 : i32
    %c0_i32 = arith.constant 0 : i32
    %c0_i32_0 = arith.constant 0 : i32
    %c0_i32_1 = arith.constant 0 : i32
    return %c1_i32, %c0_i32, %c0_i32_0 : i32, i32, i32
  }
  func.func @transform_14(%arg0: i32, %arg1: i32) -> (i32, i32, i32) {
    %c1_i32 = arith.constant 1 : i32
    %c0_i32 = arith.constant 0 : i32
    %c0_i32_0 = arith.constant 0 : i32
    %c0_i32_1 = arith.constant 0 : i32
    return %c1_i32, %c0_i32, %c0_i32_0 : i32, i32, i32
  }
  func.func @transform_15(%arg0: i32, %arg1: i32) -> (i32, i32, i32) {
    %c1_i32 = arith.constant 1 : i32
    %c0_i32 = arith.constant 0 : i32
    %c0_i32_0 = arith.constant 0 : i32
    %c0_i32_1 = arith.constant 0 : i32
    return %c1_i32, %c0_i32, %c0_i32_0 : i32, i32, i32
  }
  func.func @transform_16(%arg0: i32, %arg1: i32) -> (i32, i32, i32) {
    %c1_i32 = arith.constant 1 : i32
    %c0_i32 = arith.constant 0 : i32
    %c0_i32_0 = arith.constant 0 : i32
    %c0_i32_1 = arith.constant 0 : i32
    return %c1_i32, %c0_i32, %c0_i32_0 : i32, i32, i32
  }
  func.func @transform_17(%arg0: i32, %arg1: i32) -> (i32, i32, i32) {
    %c0_i32 = arith.constant 0 : i32
    %c0_i32_0 = arith.constant 0 : i32
    return %arg0, %arg1, %c0_i32 : i32, i32, i32
  }
  func.func @transform_18(%arg0: i32, %arg1: i32) -> (i32, i32, i32) {
    %c0_i32 = arith.constant 0 : i32
    %c0_i32_0 = arith.constant 0 : i32
    return %arg0, %arg1, %c0_i32 : i32, i32, i32
  }
}

module attributes {stable_mosaic.version = 14 : i64} {
  func.func @_attn_body(%arg0: i32, %arg1: i32, %arg2: memref<16xi32, #tpu.memory_space<smem>>, %arg3: memref<1x2048x1536xbf16, #tpu.memory_space<vmem>>, %arg4: memref<1x256x256xf32, #tpu.memory_space<vmem>>, %arg5: memref<1x256x512xbf16, #tpu.memory_space<vmem>>) attributes {dimension_semantics = [#tpu.dimension_semantics<arbitrary>, #tpu.dimension_semantics<arbitrary>], iteration_bounds = array<i64: 4, 8>, scalar_prefetch = 0 : i64, scratch_operands = 0 : i64, tpu.core_type = #tpu.core_type<tc>, window_params = [{transform_indices = @transform_0, window_bounds = array<i64: 16>}, {transform_indices = @transform_1, window_bounds = array<i64: 1, 2048, 1536>}, {transform_indices = @transform_2, window_bounds = array<i64: 1, 256, 256>}, {transform_indices = @transform_3, window_bounds = array<i64: 1, 256, 512>}]} {
    %mul3A = arith.constant 2 : i32
    %mul3A_0 = arith.muli %arg1, %mul3A : i32
    %add3A = arith.constant 0 : i32
    %add3A_1 = arith.addi %mul3A_0, %add3A : i32
    %get3A = arith.index_cast %add3A_1 : i32 to index
    %get3A_2 = memref.load %arg2[%get3A] : memref<16xi32, #tpu.memory_space<smem>>
    %multiple_of3A = tpu.assume_multiple %get3A_2, 8 : i32
    %mul3A_3 = arith.constant 2 : i32
    %mul3A_4 = arith.muli %arg1, %mul3A_3 : i32
    %add3A_5 = arith.constant 0 : i32
    %add3A_6 = arith.addi %mul3A_4, %add3A_5 : i32
    %mul3A_7 = arith.constant 128 : i32
    %mul3A_8 = arith.muli %add3A_6, %mul3A_7 : i32
    %get3A_9 = arith.constant 0 : index
    %get3A_10 = arith.index_cast %mul3A_8 : i32 to index
    %get3A_11 = arith.constant 0 : index
    %get3A_12 = vector.load %arg3[%get3A_9, %get3A_10, %get3A_11] : memref<1x2048x1536xbf16, #tpu.memory_space<vmem>>, vector<1x128x512xbf16>
    %get3A_13 = vector.shape_cast %get3A_12 : vector<1x128x512xbf16> to vector<128x512xbf16>
    %get3A_14 = arith.constant 0 : index
    %get3A_15 = arith.index_cast %multiple_of3A : i32 to index
    %get3A_16 = arith.constant 512 : index
    %get3A_17 = vector.load %arg3[%get3A_14, %get3A_15, %get3A_16] : memref<1x2048x1536xbf16, #tpu.memory_space<vmem>>, vector<1x256x512xbf16>
    %get3A_18 = vector.shape_cast %get3A_17 : vector<1x256x512xbf16> to vector<256x512xbf16>
    %get3A_19 = arith.constant 0 : index
    %get3A_20 = arith.index_cast %multiple_of3A : i32 to index
    %get3A_21 = arith.constant 1024 : index
    %get3A_22 = vector.load %arg3[%get3A_19, %get3A_20, %get3A_21] : memref<1x2048x1536xbf16, #tpu.memory_space<vmem>>, vector<1x256x512xbf16>
    %get3A_23 = vector.shape_cast %get3A_22 : vector<1x256x512xbf16> to vector<256x512xbf16>
    %get3A_24 = arith.constant 0 : index
    %get3A_25 = arith.constant 0 : index
    %get3A_26 = arith.constant 0 : index
    %get3A_27 = vector.load %arg4[%get3A_24, %get3A_25, %get3A_26] : memref<1x256x256xf32, #tpu.memory_space<vmem>>, vector<1x128x256xf32>
    %get3A_28 = vector.shape_cast %get3A_27 : vector<1x128x256xf32> to vector<128x256xf32>
    %slice3A = vector.extract_strided_slice %get3A_13 {offsets = [0, 0], sizes = [128, 64], strides = [1, 1]} : vector<128x512xbf16> to vector<128x64xbf16>
    %slice3A_29 = vector.extract_strided_slice %get3A_18 {offsets = [0, 0], sizes = [256, 64], strides = [1, 1]} : vector<256x512xbf16> to vector<256x64xbf16>
    %dot_general3A = arith.constant dense<0.000000e+00> : vector<128x256xf32>
    %dot_general3A_30 = tpu.matmul %slice3A, %slice3A_29, %dot_general3A {dimension_numbers = #tpu.dot_dimension_numbers<[1], [1], [0], [0], [0, 0, 1, 0], [], []>, transpose_lhs_hint = false} : vector<128x64xbf16>, vector<256x64xbf16>, vector<128x256xf32> -> vector<128x256xf32>
    %add3A_31 = arith.addf %dot_general3A_30, %get3A_28 : vector<128x256xf32>
    %exp3A = math.exp %add3A_31 : vector<128x256xf32>
    %convert_element_type3A = arith.truncf %exp3A : vector<128x256xf32> to vector<128x256xbf16>
    %slice3A_32 = vector.extract_strided_slice %get3A_23 {offsets = [0, 0], sizes = [256, 64], strides = [1, 1]} : vector<256x512xbf16> to vector<256x64xbf16>
    %dot_general3A_33 = arith.constant dense<0.000000e+00> : vector<128x64xf32>
    %dot_general3A_34 = tpu.matmul %convert_element_type3A, %slice3A_32, %dot_general3A_33 {dimension_numbers = #tpu.dot_dimension_numbers<[1], [0], [0], [1], [0, 0, 1, 1], [], []>, transpose_lhs_hint = false} : vector<128x256xbf16>, vector<256x64xbf16>, vector<128x64xf32> -> vector<128x64xf32>
    %reduce_sum3A = arith.constant dense<0.000000e+00> : vector<128xf32>
    %reduce_sum3A_35 = vector.multi_reduction <add>, %exp3A, %reduce_sum3A [1] : vector<128x256xf32> to vector<128xf32>
    %broadcast_in_dim3A = vector.shape_cast %reduce_sum3A_35 : vector<128xf32> to vector<128x1xf32>
    %div3A = vector.broadcast %broadcast_in_dim3A : vector<128x1xf32> to vector<128x64xf32>
    %div3A_36 = arith.divf %dot_general3A_34, %div3A : vector<128x64xf32>
    %slice3A_37 = vector.extract_strided_slice %get3A_13 {offsets = [0, 64], sizes = [128, 64], strides = [1, 1]} : vector<128x512xbf16> to vector<128x64xbf16>
    %slice3A_38 = vector.extract_strided_slice %get3A_18 {offsets = [0, 64], sizes = [256, 64], strides = [1, 1]} : vector<256x512xbf16> to vector<256x64xbf16>
    %dot_general3A_39 = arith.constant dense<0.000000e+00> : vector<128x256xf32>
    %dot_general3A_40 = tpu.matmul %slice3A_37, %slice3A_38, %dot_general3A_39 {dimension_numbers = #tpu.dot_dimension_numbers<[1], [1], [0], [0], [0, 0, 1, 0], [], []>, transpose_lhs_hint = false} : vector<128x64xbf16>, vector<256x64xbf16>, vector<128x256xf32> -> vector<128x256xf32>
    %add3A_41 = arith.addf %dot_general3A_40, %get3A_28 : vector<128x256xf32>
    %exp3A_42 = math.exp %add3A_41 : vector<128x256xf32>
    %convert_element_type3A_43 = arith.truncf %exp3A_42 : vector<128x256xf32> to vector<128x256xbf16>
    %slice3A_44 = vector.extract_strided_slice %get3A_23 {offsets = [0, 64], sizes = [256, 64], strides = [1, 1]} : vector<256x512xbf16> to vector<256x64xbf16>
    %dot_general3A_45 = arith.constant dense<0.000000e+00> : vector<128x64xf32>
    %dot_general3A_46 = tpu.matmul %convert_element_type3A_43, %slice3A_44, %dot_general3A_45 {dimension_numbers = #tpu.dot_dimension_numbers<[1], [0], [0], [1], [0, 0, 1, 1], [], []>, transpose_lhs_hint = false} : vector<128x256xbf16>, vector<256x64xbf16>, vector<128x64xf32> -> vector<128x64xf32>
    %reduce_sum3A_47 = arith.constant dense<0.000000e+00> : vector<128xf32>
    %reduce_sum3A_48 = vector.multi_reduction <add>, %exp3A_42, %reduce_sum3A_47 [1] : vector<128x256xf32> to vector<128xf32>
    %broadcast_in_dim3A_49 = vector.shape_cast %reduce_sum3A_48 : vector<128xf32> to vector<128x1xf32>
    %div3A_50 = vector.broadcast %broadcast_in_dim3A_49 : vector<128x1xf32> to vector<128x64xf32>
    %div3A_51 = arith.divf %dot_general3A_46, %div3A_50 : vector<128x64xf32>
    %slice3A_52 = vector.extract_strided_slice %get3A_13 {offsets = [0, 128], sizes = [128, 64], strides = [1, 1]} : vector<128x512xbf16> to vector<128x64xbf16>
    %slice3A_53 = vector.extract_strided_slice %get3A_18 {offsets = [0, 128], sizes = [256, 64], strides = [1, 1]} : vector<256x512xbf16> to vector<256x64xbf16>
    %dot_general3A_54 = arith.constant dense<0.000000e+00> : vector<128x256xf32>
    %dot_general3A_55 = tpu.matmul %slice3A_52, %slice3A_53, %dot_general3A_54 {dimension_numbers = #tpu.dot_dimension_numbers<[1], [1], [0], [0], [0, 0, 1, 0], [], []>, transpose_lhs_hint = false} : vector<128x64xbf16>, vector<256x64xbf16>, vector<128x256xf32> -> vector<128x256xf32>
    %add3A_56 = arith.addf %dot_general3A_55, %get3A_28 : vector<128x256xf32>
    %exp3A_57 = math.exp %add3A_56 : vector<128x256xf32>
    %convert_element_type3A_58 = arith.truncf %exp3A_57 : vector<128x256xf32> to vector<128x256xbf16>
    %slice3A_59 = vector.extract_strided_slice %get3A_23 {offsets = [0, 128], sizes = [256, 64], strides = [1, 1]} : vector<256x512xbf16> to vector<256x64xbf16>
    %dot_general3A_60 = arith.constant dense<0.000000e+00> : vector<128x64xf32>
    %dot_general3A_61 = tpu.matmul %convert_element_type3A_58, %slice3A_59, %dot_general3A_60 {dimension_numbers = #tpu.dot_dimension_numbers<[1], [0], [0], [1], [0, 0, 1, 1], [], []>, transpose_lhs_hint = false} : vector<128x256xbf16>, vector<256x64xbf16>, vector<128x64xf32> -> vector<128x64xf32>
    %reduce_sum3A_62 = arith.constant dense<0.000000e+00> : vector<128xf32>
    %reduce_sum3A_63 = vector.multi_reduction <add>, %exp3A_57, %reduce_sum3A_62 [1] : vector<128x256xf32> to vector<128xf32>
    %broadcast_in_dim3A_64 = vector.shape_cast %reduce_sum3A_63 : vector<128xf32> to vector<128x1xf32>
    %div3A_65 = vector.broadcast %broadcast_in_dim3A_64 : vector<128x1xf32> to vector<128x64xf32>
    %div3A_66 = arith.divf %dot_general3A_61, %div3A_65 : vector<128x64xf32>
    %slice3A_67 = vector.extract_strided_slice %get3A_13 {offsets = [0, 192], sizes = [128, 64], strides = [1, 1]} : vector<128x512xbf16> to vector<128x64xbf16>
    %slice3A_68 = vector.extract_strided_slice %get3A_18 {offsets = [0, 192], sizes = [256, 64], strides = [1, 1]} : vector<256x512xbf16> to vector<256x64xbf16>
    %dot_general3A_69 = arith.constant dense<0.000000e+00> : vector<128x256xf32>
    %dot_general3A_70 = tpu.matmul %slice3A_67, %slice3A_68, %dot_general3A_69 {dimension_numbers = #tpu.dot_dimension_numbers<[1], [1], [0], [0], [0, 0, 1, 0], [], []>, transpose_lhs_hint = false} : vector<128x64xbf16>, vector<256x64xbf16>, vector<128x256xf32> -> vector<128x256xf32>
    %add3A_71 = arith.addf %dot_general3A_70, %get3A_28 : vector<128x256xf32>
    %exp3A_72 = math.exp %add3A_71 : vector<128x256xf32>
    %convert_element_type3A_73 = arith.truncf %exp3A_72 : vector<128x256xf32> to vector<128x256xbf16>
    %slice3A_74 = vector.extract_strided_slice %get3A_23 {offsets = [0, 192], sizes = [256, 64], strides = [1, 1]} : vector<256x512xbf16> to vector<256x64xbf16>
    %dot_general3A_75 = arith.constant dense<0.000000e+00> : vector<128x64xf32>
    %dot_general3A_76 = tpu.matmul %convert_element_type3A_73, %slice3A_74, %dot_general3A_75 {dimension_numbers = #tpu.dot_dimension_numbers<[1], [0], [0], [1], [0, 0, 1, 1], [], []>, transpose_lhs_hint = false} : vector<128x256xbf16>, vector<256x64xbf16>, vector<128x64xf32> -> vector<128x64xf32>
    %reduce_sum3A_77 = arith.constant dense<0.000000e+00> : vector<128xf32>
    %reduce_sum3A_78 = vector.multi_reduction <add>, %exp3A_72, %reduce_sum3A_77 [1] : vector<128x256xf32> to vector<128xf32>
    %broadcast_in_dim3A_79 = vector.shape_cast %reduce_sum3A_78 : vector<128xf32> to vector<128x1xf32>
    %div3A_80 = vector.broadcast %broadcast_in_dim3A_79 : vector<128x1xf32> to vector<128x64xf32>
    %div3A_81 = arith.divf %dot_general3A_76, %div3A_80 : vector<128x64xf32>
    %slice3A_82 = vector.extract_strided_slice %get3A_13 {offsets = [0, 256], sizes = [128, 64], strides = [1, 1]} : vector<128x512xbf16> to vector<128x64xbf16>
    %slice3A_83 = vector.extract_strided_slice %get3A_18 {offsets = [0, 256], sizes = [256, 64], strides = [1, 1]} : vector<256x512xbf16> to vector<256x64xbf16>
    %dot_general3A_84 = arith.constant dense<0.000000e+00> : vector<128x256xf32>
    %dot_general3A_85 = tpu.matmul %slice3A_82, %slice3A_83, %dot_general3A_84 {dimension_numbers = #tpu.dot_dimension_numbers<[1], [1], [0], [0], [0, 0, 1, 0], [], []>, transpose_lhs_hint = false} : vector<128x64xbf16>, vector<256x64xbf16>, vector<128x256xf32> -> vector<128x256xf32>
    %add3A_86 = arith.addf %dot_general3A_85, %get3A_28 : vector<128x256xf32>
    %exp3A_87 = math.exp %add3A_86 : vector<128x256xf32>
    %convert_element_type3A_88 = arith.truncf %exp3A_87 : vector<128x256xf32> to vector<128x256xbf16>
    %slice3A_89 = vector.extract_strided_slice %get3A_23 {offsets = [0, 256], sizes = [256, 64], strides = [1, 1]} : vector<256x512xbf16> to vector<256x64xbf16>
    %dot_general3A_90 = arith.constant dense<0.000000e+00> : vector<128x64xf32>
    %dot_general3A_91 = tpu.matmul %convert_element_type3A_88, %slice3A_89, %dot_general3A_90 {dimension_numbers = #tpu.dot_dimension_numbers<[1], [0], [0], [1], [0, 0, 1, 1], [], []>, transpose_lhs_hint = false} : vector<128x256xbf16>, vector<256x64xbf16>, vector<128x64xf32> -> vector<128x64xf32>
    %reduce_sum3A_92 = arith.constant dense<0.000000e+00> : vector<128xf32>
    %reduce_sum3A_93 = vector.multi_reduction <add>, %exp3A_87, %reduce_sum3A_92 [1] : vector<128x256xf32> to vector<128xf32>
    %broadcast_in_dim3A_94 = vector.shape_cast %reduce_sum3A_93 : vector<128xf32> to vector<128x1xf32>
    %div3A_95 = vector.broadcast %broadcast_in_dim3A_94 : vector<128x1xf32> to vector<128x64xf32>
    %div3A_96 = arith.divf %dot_general3A_91, %div3A_95 : vector<128x64xf32>
    %slice3A_97 = vector.extract_strided_slice %get3A_13 {offsets = [0, 320], sizes = [128, 64], strides = [1, 1]} : vector<128x512xbf16> to vector<128x64xbf16>
    %slice3A_98 = vector.extract_strided_slice %get3A_18 {offsets = [0, 320], sizes = [256, 64], strides = [1, 1]} : vector<256x512xbf16> to vector<256x64xbf16>
    %dot_general3A_99 = arith.constant dense<0.000000e+00> : vector<128x256xf32>
    %dot_general3A_100 = tpu.matmul %slice3A_97, %slice3A_98, %dot_general3A_99 {dimension_numbers = #tpu.dot_dimension_numbers<[1], [1], [0], [0], [0, 0, 1, 0], [], []>, transpose_lhs_hint = false} : vector<128x64xbf16>, vector<256x64xbf16>, vector<128x256xf32> -> vector<128x256xf32>
    %add3A_101 = arith.addf %dot_general3A_100, %get3A_28 : vector<128x256xf32>
    %exp3A_102 = math.exp %add3A_101 : vector<128x256xf32>
    %convert_element_type3A_103 = arith.truncf %exp3A_102 : vector<128x256xf32> to vector<128x256xbf16>
    %slice3A_104 = vector.extract_strided_slice %get3A_23 {offsets = [0, 320], sizes = [256, 64], strides = [1, 1]} : vector<256x512xbf16> to vector<256x64xbf16>
    %dot_general3A_105 = arith.constant dense<0.000000e+00> : vector<128x64xf32>
    %dot_general3A_106 = tpu.matmul %convert_element_type3A_103, %slice3A_104, %dot_general3A_105 {dimension_numbers = #tpu.dot_dimension_numbers<[1], [0], [0], [1], [0, 0, 1, 1], [], []>, transpose_lhs_hint = false} : vector<128x256xbf16>, vector<256x64xbf16>, vector<128x64xf32> -> vector<128x64xf32>
    %reduce_sum3A_107 = arith.constant dense<0.000000e+00> : vector<128xf32>
    %reduce_sum3A_108 = vector.multi_reduction <add>, %exp3A_102, %reduce_sum3A_107 [1] : vector<128x256xf32> to vector<128xf32>
    %broadcast_in_dim3A_109 = vector.shape_cast %reduce_sum3A_108 : vector<128xf32> to vector<128x1xf32>
    %div3A_110 = vector.broadcast %broadcast_in_dim3A_109 : vector<128x1xf32> to vector<128x64xf32>
    %div3A_111 = arith.divf %dot_general3A_106, %div3A_110 : vector<128x64xf32>
    %slice3A_112 = vector.extract_strided_slice %get3A_13 {offsets = [0, 384], sizes = [128, 64], strides = [1, 1]} : vector<128x512xbf16> to vector<128x64xbf16>
    %slice3A_113 = vector.extract_strided_slice %get3A_18 {offsets = [0, 384], sizes = [256, 64], strides = [1, 1]} : vector<256x512xbf16> to vector<256x64xbf16>
    %dot_general3A_114 = arith.constant dense<0.000000e+00> : vector<128x256xf32>
    %dot_general3A_115 = tpu.matmul %slice3A_112, %slice3A_113, %dot_general3A_114 {dimension_numbers = #tpu.dot_dimension_numbers<[1], [1], [0], [0], [0, 0, 1, 0], [], []>, transpose_lhs_hint = false} : vector<128x64xbf16>, vector<256x64xbf16>, vector<128x256xf32> -> vector<128x256xf32>
    %add3A_116 = arith.addf %dot_general3A_115, %get3A_28 : vector<128x256xf32>
    %exp3A_117 = math.exp %add3A_116 : vector<128x256xf32>
    %convert_element_type3A_118 = arith.truncf %exp3A_117 : vector<128x256xf32> to vector<128x256xbf16>
    %slice3A_119 = vector.extract_strided_slice %get3A_23 {offsets = [0, 384], sizes = [256, 64], strides = [1, 1]} : vector<256x512xbf16> to vector<256x64xbf16>
    %dot_general3A_120 = arith.constant dense<0.000000e+00> : vector<128x64xf32>
    %dot_general3A_121 = tpu.matmul %convert_element_type3A_118, %slice3A_119, %dot_general3A_120 {dimension_numbers = #tpu.dot_dimension_numbers<[1], [0], [0], [1], [0, 0, 1, 1], [], []>, transpose_lhs_hint = false} : vector<128x256xbf16>, vector<256x64xbf16>, vector<128x64xf32> -> vector<128x64xf32>
    %reduce_sum3A_122 = arith.constant dense<0.000000e+00> : vector<128xf32>
    %reduce_sum3A_123 = vector.multi_reduction <add>, %exp3A_117, %reduce_sum3A_122 [1] : vector<128x256xf32> to vector<128xf32>
    %broadcast_in_dim3A_124 = vector.shape_cast %reduce_sum3A_123 : vector<128xf32> to vector<128x1xf32>
    %div3A_125 = vector.broadcast %broadcast_in_dim3A_124 : vector<128x1xf32> to vector<128x64xf32>
    %div3A_126 = arith.divf %dot_general3A_121, %div3A_125 : vector<128x64xf32>
    %slice3A_127 = vector.extract_strided_slice %get3A_13 {offsets = [0, 448], sizes = [128, 64], strides = [1, 1]} : vector<128x512xbf16> to vector<128x64xbf16>
    %slice3A_128 = vector.extract_strided_slice %get3A_18 {offsets = [0, 448], sizes = [256, 64], strides = [1, 1]} : vector<256x512xbf16> to vector<256x64xbf16>
    %dot_general3A_129 = arith.constant dense<0.000000e+00> : vector<128x256xf32>
    %dot_general3A_130 = tpu.matmul %slice3A_127, %slice3A_128, %dot_general3A_129 {dimension_numbers = #tpu.dot_dimension_numbers<[1], [1], [0], [0], [0, 0, 1, 0], [], []>, transpose_lhs_hint = false} : vector<128x64xbf16>, vector<256x64xbf16>, vector<128x256xf32> -> vector<128x256xf32>
    %add3A_131 = arith.addf %dot_general3A_130, %get3A_28 : vector<128x256xf32>
    %exp3A_132 = math.exp %add3A_131 : vector<128x256xf32>
    %convert_element_type3A_133 = arith.truncf %exp3A_132 : vector<128x256xf32> to vector<128x256xbf16>
    %slice3A_134 = vector.extract_strided_slice %get3A_23 {offsets = [0, 448], sizes = [256, 64], strides = [1, 1]} : vector<256x512xbf16> to vector<256x64xbf16>
    %dot_general3A_135 = arith.constant dense<0.000000e+00> : vector<128x64xf32>
    %dot_general3A_136 = tpu.matmul %convert_element_type3A_133, %slice3A_134, %dot_general3A_135 {dimension_numbers = #tpu.dot_dimension_numbers<[1], [0], [0], [1], [0, 0, 1, 1], [], []>, transpose_lhs_hint = false} : vector<128x256xbf16>, vector<256x64xbf16>, vector<128x64xf32> -> vector<128x64xf32>
    %reduce_sum3A_137 = arith.constant dense<0.000000e+00> : vector<128xf32>
    %reduce_sum3A_138 = vector.multi_reduction <add>, %exp3A_132, %reduce_sum3A_137 [1] : vector<128x256xf32> to vector<128xf32>
    %broadcast_in_dim3A_139 = vector.shape_cast %reduce_sum3A_138 : vector<128xf32> to vector<128x1xf32>
    %div3A_140 = vector.broadcast %broadcast_in_dim3A_139 : vector<128x1xf32> to vector<128x64xf32>
    %div3A_141 = arith.divf %dot_general3A_136, %div3A_140 : vector<128x64xf32>
    %concatenate3A = tpu.concatenate %div3A_36, %div3A_51, %div3A_66, %div3A_81, %div3A_96, %div3A_111, %div3A_126, %div3A_141 in 1 : vector<128x64xf32>, vector<128x64xf32>, vector<128x64xf32>, vector<128x64xf32>, vector<128x64xf32>, vector<128x64xf32>, vector<128x64xf32>, vector<128x64xf32> -> vector<128x512xf32>
    %convert_element_type3A_142 = arith.truncf %concatenate3A : vector<128x512xf32> to vector<128x512xbf16>
    %swap3A = arith.constant 0 : index
    %swap3A_143 = arith.constant 0 : index
    %swap3A_144 = arith.constant 0 : index
    %swap3A_145 = vector.load %arg5[%swap3A, %swap3A_143, %swap3A_144] : memref<1x256x512xbf16, #tpu.memory_space<vmem>>, vector<1x128x512xbf16>
    %swap3A_146 = vector.shape_cast %swap3A_145 : vector<1x128x512xbf16> to vector<128x512xbf16>
    %swap3A_147 = vector.shape_cast %convert_element_type3A_142 : vector<128x512xbf16> to vector<1x128x512xbf16>
    tpu.vector_store %arg5[%swap3A, %swap3A_143, %swap3A_144], %swap3A_147 {strides = array<i32>} : memref<1x256x512xbf16, #tpu.memory_space<vmem>>, vector<1x128x512xbf16>,
    %mul3A_148 = arith.constant 2 : i32
    %mul3A_149 = arith.muli %arg1, %mul3A_148 : i32
    %add3A_150 = arith.constant 1 : i32
    %add3A_151 = arith.addi %mul3A_149, %add3A_150 : i32
    %get3A_152 = arith.index_cast %add3A_151 : i32 to index
    %get3A_153 = memref.load %arg2[%get3A_152] : memref<16xi32, #tpu.memory_space<smem>>
    %multiple_of3A_154 = tpu.assume_multiple %get3A_153, 8 : i32
    %mul3A_155 = arith.constant 2 : i32
    %mul3A_156 = arith.muli %arg1, %mul3A_155 : i32
    %add3A_157 = arith.constant 1 : i32
    %add3A_158 = arith.addi %mul3A_156, %add3A_157 : i32
    %mul3A_159 = arith.constant 128 : i32
    %mul3A_160 = arith.muli %add3A_158, %mul3A_159 : i32
    %get3A_161 = arith.constant 0 : index
    %get3A_162 = arith.index_cast %mul3A_160 : i32 to index
    %get3A_163 = arith.constant 0 : index
    %get3A_164 = vector.load %arg3[%get3A_161, %get3A_162, %get3A_163] : memref<1x2048x1536xbf16, #tpu.memory_space<vmem>>, vector<1x128x512xbf16>
    %get3A_165 = vector.shape_cast %get3A_164 : vector<1x128x512xbf16> to vector<128x512xbf16>
    %get3A_166 = arith.constant 0 : index
    %get3A_167 = arith.index_cast %multiple_of3A_154 : i32 to index
    %get3A_168 = arith.constant 512 : index
    %get3A_169 = vector.load %arg3[%get3A_166, %get3A_167, %get3A_168] : memref<1x2048x1536xbf16, #tpu.memory_space<vmem>>, vector<1x256x512xbf16>
    %get3A_170 = vector.shape_cast %get3A_169 : vector<1x256x512xbf16> to vector<256x512xbf16>
    %get3A_171 = arith.constant 0 : index
    %get3A_172 = arith.index_cast %multiple_of3A_154 : i32 to index
    %get3A_173 = arith.constant 1024 : index
    %get3A_174 = vector.load %arg3[%get3A_171, %get3A_172, %get3A_173] : memref<1x2048x1536xbf16, #tpu.memory_space<vmem>>, vector<1x256x512xbf16>
    %get3A_175 = vector.shape_cast %get3A_174 : vector<1x256x512xbf16> to vector<256x512xbf16>
    %get3A_176 = arith.constant 0 : index
    %get3A_177 = arith.constant 128 : index
    %get3A_178 = arith.constant 0 : index
    %get3A_179 = vector.load %arg4[%get3A_176, %get3A_177, %get3A_178] : memref<1x256x256xf32, #tpu.memory_space<vmem>>, vector<1x128x256xf32>
    %get3A_180 = vector.shape_cast %get3A_179 : vector<1x128x256xf32> to vector<128x256xf32>
    %slice3A_181 = vector.extract_strided_slice %get3A_165 {offsets = [0, 0], sizes = [128, 64], strides = [1, 1]} : vector<128x512xbf16> to vector<128x64xbf16>
    %slice3A_182 = vector.extract_strided_slice %get3A_170 {offsets = [0, 0], sizes = [256, 64], strides = [1, 1]} : vector<256x512xbf16> to vector<256x64xbf16>
    %dot_general3A_183 = arith.constant dense<0.000000e+00> : vector<128x256xf32>
    %dot_general3A_184 = tpu.matmul %slice3A_181, %slice3A_182, %dot_general3A_183 {dimension_numbers = #tpu.dot_dimension_numbers<[1], [1], [0], [0], [0, 0, 1, 0], [], []>, transpose_lhs_hint = false} : vector<128x64xbf16>, vector<256x64xbf16>, vector<128x256xf32> -> vector<128x256xf32>
    %add3A_185 = arith.addf %dot_general3A_184, %get3A_180 : vector<128x256xf32>
    %exp3A_186 = math.exp %add3A_185 : vector<128x256xf32>
    %convert_element_type3A_187 = arith.truncf %exp3A_186 : vector<128x256xf32> to vector<128x256xbf16>
    %slice3A_188 = vector.extract_strided_slice %get3A_175 {offsets = [0, 0], sizes = [256, 64], strides = [1, 1]} : vector<256x512xbf16> to vector<256x64xbf16>
    %dot_general3A_189 = arith.constant dense<0.000000e+00> : vector<128x64xf32>
    %dot_general3A_190 = tpu.matmul %convert_element_type3A_187, %slice3A_188, %dot_general3A_189 {dimension_numbers = #tpu.dot_dimension_numbers<[1], [0], [0], [1], [0, 0, 1, 1], [], []>, transpose_lhs_hint = false} : vector<128x256xbf16>, vector<256x64xbf16>, vector<128x64xf32> -> vector<128x64xf32>
    %reduce_sum3A_191 = arith.constant dense<0.000000e+00> : vector<128xf32>
    %reduce_sum3A_192 = vector.multi_reduction <add>, %exp3A_186, %reduce_sum3A_191 [1] : vector<128x256xf32> to vector<128xf32>
    %broadcast_in_dim3A_193 = vector.shape_cast %reduce_sum3A_192 : vector<128xf32> to vector<128x1xf32>
    %div3A_194 = vector.broadcast %broadcast_in_dim3A_193 : vector<128x1xf32> to vector<128x64xf32>
    %div3A_195 = arith.divf %dot_general3A_190, %div3A_194 : vector<128x64xf32>
    %slice3A_196 = vector.extract_strided_slice %get3A_165 {offsets = [0, 64], sizes = [128, 64], strides = [1, 1]} : vector<128x512xbf16> to vector<128x64xbf16>
    %slice3A_197 = vector.extract_strided_slice %get3A_170 {offsets = [0, 64], sizes = [256, 64], strides = [1, 1]} : vector<256x512xbf16> to vector<256x64xbf16>
    %dot_general3A_198 = arith.constant dense<0.000000e+00> : vector<128x256xf32>
    %dot_general3A_199 = tpu.matmul %slice3A_196, %slice3A_197, %dot_general3A_198 {dimension_numbers = #tpu.dot_dimension_numbers<[1], [1], [0], [0], [0, 0, 1, 0], [], []>, transpose_lhs_hint = false} : vector<128x64xbf16>, vector<256x64xbf16>, vector<128x256xf32> -> vector<128x256xf32>
    %add3A_200 = arith.addf %dot_general3A_199, %get3A_180 : vector<128x256xf32>
    %exp3A_201 = math.exp %add3A_200 : vector<128x256xf32>
    %convert_element_type3A_202 = arith.truncf %exp3A_201 : vector<128x256xf32> to vector<128x256xbf16>
    %slice3A_203 = vector.extract_strided_slice %get3A_175 {offsets = [0, 64], sizes = [256, 64], strides = [1, 1]} : vector<256x512xbf16> to vector<256x64xbf16>
    %dot_general3A_204 = arith.constant dense<0.000000e+00> : vector<128x64xf32>
    %dot_general3A_205 = tpu.matmul %convert_element_type3A_202, %slice3A_203, %dot_general3A_204 {dimension_numbers = #tpu.dot_dimension_numbers<[1], [0], [0], [1], [0, 0, 1, 1], [], []>, transpose_lhs_hint = false} : vector<128x256xbf16>, vector<256x64xbf16>, vector<128x64xf32> -> vector<128x64xf32>
    %reduce_sum3A_206 = arith.constant dense<0.000000e+00> : vector<128xf32>
    %reduce_sum3A_207 = vector.multi_reduction <add>, %exp3A_201, %reduce_sum3A_206 [1] : vector<128x256xf32> to vector<128xf32>
    %broadcast_in_dim3A_208 = vector.shape_cast %reduce_sum3A_207 : vector<128xf32> to vector<128x1xf32>
    %div3A_209 = vector.broadcast %broadcast_in_dim3A_208 : vector<128x1xf32> to vector<128x64xf32>
    %div3A_210 = arith.divf %dot_general3A_205, %div3A_209 : vector<128x64xf32>
    %slice3A_211 = vector.extract_strided_slice %get3A_165 {offsets = [0, 128], sizes = [128, 64], strides = [1, 1]} : vector<128x512xbf16> to vector<128x64xbf16>
    %slice3A_212 = vector.extract_strided_slice %get3A_170 {offsets = [0, 128], sizes = [256, 64], strides = [1, 1]} : vector<256x512xbf16> to vector<256x64xbf16>
    %dot_general3A_213 = arith.constant dense<0.000000e+00> : vector<128x256xf32>
    %dot_general3A_214 = tpu.matmul %slice3A_211, %slice3A_212, %dot_general3A_213 {dimension_numbers = #tpu.dot_dimension_numbers<[1], [1], [0], [0], [0, 0, 1, 0], [], []>, transpose_lhs_hint = false} : vector<128x64xbf16>, vector<256x64xbf16>, vector<128x256xf32> -> vector<128x256xf32>
    %add3A_215 = arith.addf %dot_general3A_214, %get3A_180 : vector<128x256xf32>
    %exp3A_216 = math.exp %add3A_215 : vector<128x256xf32>
    %convert_element_type3A_217 = arith.truncf %exp3A_216 : vector<128x256xf32> to vector<128x256xbf16>
    %slice3A_218 = vector.extract_strided_slice %get3A_175 {offsets = [0, 128], sizes = [256, 64], strides = [1, 1]} : vector<256x512xbf16> to vector<256x64xbf16>
    %dot_general3A_219 = arith.constant dense<0.000000e+00> : vector<128x64xf32>
    %dot_general3A_220 = tpu.matmul %convert_element_type3A_217, %slice3A_218, %dot_general3A_219 {dimension_numbers = #tpu.dot_dimension_numbers<[1], [0], [0], [1], [0, 0, 1, 1], [], []>, transpose_lhs_hint = false} : vector<128x256xbf16>, vector<256x64xbf16>, vector<128x64xf32> -> vector<128x64xf32>
    %reduce_sum3A_221 = arith.constant dense<0.000000e+00> : vector<128xf32>
    %reduce_sum3A_222 = vector.multi_reduction <add>, %exp3A_216, %reduce_sum3A_221 [1] : vector<128x256xf32> to vector<128xf32>
    %broadcast_in_dim3A_223 = vector.shape_cast %reduce_sum3A_222 : vector<128xf32> to vector<128x1xf32>
    %div3A_224 = vector.broadcast %broadcast_in_dim3A_223 : vector<128x1xf32> to vector<128x64xf32>
    %div3A_225 = arith.divf %dot_general3A_220, %div3A_224 : vector<128x64xf32>
    %slice3A_226 = vector.extract_strided_slice %get3A_165 {offsets = [0, 192], sizes = [128, 64], strides = [1, 1]} : vector<128x512xbf16> to vector<128x64xbf16>
    %slice3A_227 = vector.extract_strided_slice %get3A_170 {offsets = [0, 192], sizes = [256, 64], strides = [1, 1]} : vector<256x512xbf16> to vector<256x64xbf16>
    %dot_general3A_228 = arith.constant dense<0.000000e+00> : vector<128x256xf32>
    %dot_general3A_229 = tpu.matmul %slice3A_226, %slice3A_227, %dot_general3A_228 {dimension_numbers = #tpu.dot_dimension_numbers<[1], [1], [0], [0], [0, 0, 1, 0], [], []>, transpose_lhs_hint = false} : vector<128x64xbf16>, vector<256x64xbf16>, vector<128x256xf32> -> vector<128x256xf32>
    %add3A_230 = arith.addf %dot_general3A_229, %get3A_180 : vector<128x256xf32>
    %exp3A_231 = math.exp %add3A_230 : vector<128x256xf32>
    %convert_element_type3A_232 = arith.truncf %exp3A_231 : vector<128x256xf32> to vector<128x256xbf16>
    %slice3A_233 = vector.extract_strided_slice %get3A_175 {offsets = [0, 192], sizes = [256, 64], strides = [1, 1]} : vector<256x512xbf16> to vector<256x64xbf16>
    %dot_general3A_234 = arith.constant dense<0.000000e+00> : vector<128x64xf32>
    %dot_general3A_235 = tpu.matmul %convert_element_type3A_232, %slice3A_233, %dot_general3A_234 {dimension_numbers = #tpu.dot_dimension_numbers<[1], [0], [0], [1], [0, 0, 1, 1], [], []>, transpose_lhs_hint = false} : vector<128x256xbf16>, vector<256x64xbf16>, vector<128x64xf32> -> vector<128x64xf32>
    %reduce_sum3A_236 = arith.constant dense<0.000000e+00> : vector<128xf32>
    %reduce_sum3A_237 = vector.multi_reduction <add>, %exp3A_231, %reduce_sum3A_236 [1] : vector<128x256xf32> to vector<128xf32>
    %broadcast_in_dim3A_238 = vector.shape_cast %reduce_sum3A_237 : vector<128xf32> to vector<128x1xf32>
    %div3A_239 = vector.broadcast %broadcast_in_dim3A_238 : vector<128x1xf32> to vector<128x64xf32>
    %div3A_240 = arith.divf %dot_general3A_235, %div3A_239 : vector<128x64xf32>
    %slice3A_241 = vector.extract_strided_slice %get3A_165 {offsets = [0, 256], sizes = [128, 64], strides = [1, 1]} : vector<128x512xbf16> to vector<128x64xbf16>
    %slice3A_242 = vector.extract_strided_slice %get3A_170 {offsets = [0, 256], sizes = [256, 64], strides = [1, 1]} : vector<256x512xbf16> to vector<256x64xbf16>
    %dot_general3A_243 = arith.constant dense<0.000000e+00> : vector<128x256xf32>
    %dot_general3A_244 = tpu.matmul %slice3A_241, %slice3A_242, %dot_general3A_243 {dimension_numbers = #tpu.dot_dimension_numbers<[1], [1], [0], [0], [0, 0, 1, 0], [], []>, transpose_lhs_hint = false} : vector<128x64xbf16>, vector<256x64xbf16>, vector<128x256xf32> -> vector<128x256xf32>
    %add3A_245 = arith.addf %dot_general3A_244, %get3A_180 : vector<128x256xf32>
    %exp3A_246 = math.exp %add3A_245 : vector<128x256xf32>
    %convert_element_type3A_247 = arith.truncf %exp3A_246 : vector<128x256xf32> to vector<128x256xbf16>
    %slice3A_248 = vector.extract_strided_slice %get3A_175 {offsets = [0, 256], sizes = [256, 64], strides = [1, 1]} : vector<256x512xbf16> to vector<256x64xbf16>
    %dot_general3A_249 = arith.constant dense<0.000000e+00> : vector<128x64xf32>
    %dot_general3A_250 = tpu.matmul %convert_element_type3A_247, %slice3A_248, %dot_general3A_249 {dimension_numbers = #tpu.dot_dimension_numbers<[1], [0], [0], [1], [0, 0, 1, 1], [], []>, transpose_lhs_hint = false} : vector<128x256xbf16>, vector<256x64xbf16>, vector<128x64xf32> -> vector<128x64xf32>
    %reduce_sum3A_251 = arith.constant dense<0.000000e+00> : vector<128xf32>
    %reduce_sum3A_252 = vector.multi_reduction <add>, %exp3A_246, %reduce_sum3A_251 [1] : vector<128x256xf32> to vector<128xf32>
    %broadcast_in_dim3A_253 = vector.shape_cast %reduce_sum3A_252 : vector<128xf32> to vector<128x1xf32>
    %div3A_254 = vector.broadcast %broadcast_in_dim3A_253 : vector<128x1xf32> to vector<128x64xf32>
    %div3A_255 = arith.divf %dot_general3A_250, %div3A_254 : vector<128x64xf32>
    %slice3A_256 = vector.extract_strided_slice %get3A_165 {offsets = [0, 320], sizes = [128, 64], strides = [1, 1]} : vector<128x512xbf16> to vector<128x64xbf16>
    %slice3A_257 = vector.extract_strided_slice %get3A_170 {offsets = [0, 320], sizes = [256, 64], strides = [1, 1]} : vector<256x512xbf16> to vector<256x64xbf16>
    %dot_general3A_258 = arith.constant dense<0.000000e+00> : vector<128x256xf32>
    %dot_general3A_259 = tpu.matmul %slice3A_256, %slice3A_257, %dot_general3A_258 {dimension_numbers = #tpu.dot_dimension_numbers<[1], [1], [0], [0], [0, 0, 1, 0], [], []>, transpose_lhs_hint = false} : vector<128x64xbf16>, vector<256x64xbf16>, vector<128x256xf32> -> vector<128x256xf32>
    %add3A_260 = arith.addf %dot_general3A_259, %get3A_180 : vector<128x256xf32>
    %exp3A_261 = math.exp %add3A_260 : vector<128x256xf32>
    %convert_element_type3A_262 = arith.truncf %exp3A_261 : vector<128x256xf32> to vector<128x256xbf16>
    %slice3A_263 = vector.extract_strided_slice %get3A_175 {offsets = [0, 320], sizes = [256, 64], strides = [1, 1]} : vector<256x512xbf16> to vector<256x64xbf16>
    %dot_general3A_264 = arith.constant dense<0.000000e+00> : vector<128x64xf32>
    %dot_general3A_265 = tpu.matmul %convert_element_type3A_262, %slice3A_263, %dot_general3A_264 {dimension_numbers = #tpu.dot_dimension_numbers<[1], [0], [0], [1], [0, 0, 1, 1], [], []>, transpose_lhs_hint = false} : vector<128x256xbf16>, vector<256x64xbf16>, vector<128x64xf32> -> vector<128x64xf32>
    %reduce_sum3A_266 = arith.constant dense<0.000000e+00> : vector<128xf32>
    %reduce_sum3A_267 = vector.multi_reduction <add>, %exp3A_261, %reduce_sum3A_266 [1] : vector<128x256xf32> to vector<128xf32>
    %broadcast_in_dim3A_268 = vector.shape_cast %reduce_sum3A_267 : vector<128xf32> to vector<128x1xf32>
    %div3A_269 = vector.broadcast %broadcast_in_dim3A_268 : vector<128x1xf32> to vector<128x64xf32>
    %div3A_270 = arith.divf %dot_general3A_265, %div3A_269 : vector<128x64xf32>
    %slice3A_271 = vector.extract_strided_slice %get3A_165 {offsets = [0, 384], sizes = [128, 64], strides = [1, 1]} : vector<128x512xbf16> to vector<128x64xbf16>
    %slice3A_272 = vector.extract_strided_slice %get3A_170 {offsets = [0, 384], sizes = [256, 64], strides = [1, 1]} : vector<256x512xbf16> to vector<256x64xbf16>
    %dot_general3A_273 = arith.constant dense<0.000000e+00> : vector<128x256xf32>
    %dot_general3A_274 = tpu.matmul %slice3A_271, %slice3A_272, %dot_general3A_273 {dimension_numbers = #tpu.dot_dimension_numbers<[1], [1], [0], [0], [0, 0, 1, 0], [], []>, transpose_lhs_hint = false} : vector<128x64xbf16>, vector<256x64xbf16>, vector<128x256xf32> -> vector<128x256xf32>
    %add3A_275 = arith.addf %dot_general3A_274, %get3A_180 : vector<128x256xf32>
    %exp3A_276 = math.exp %add3A_275 : vector<128x256xf32>
    %convert_element_type3A_277 = arith.truncf %exp3A_276 : vector<128x256xf32> to vector<128x256xbf16>
    %slice3A_278 = vector.extract_strided_slice %get3A_175 {offsets = [0, 384], sizes = [256, 64], strides = [1, 1]} : vector<256x512xbf16> to vector<256x64xbf16>
    %dot_general3A_279 = arith.constant dense<0.000000e+00> : vector<128x64xf32>
    %dot_general3A_280 = tpu.matmul %convert_element_type3A_277, %slice3A_278, %dot_general3A_279 {dimension_numbers = #tpu.dot_dimension_numbers<[1], [0], [0], [1], [0, 0, 1, 1], [], []>, transpose_lhs_hint = false} : vector<128x256xbf16>, vector<256x64xbf16>, vector<128x64xf32> -> vector<128x64xf32>
    %reduce_sum3A_281 = arith.constant dense<0.000000e+00> : vector<128xf32>
    %reduce_sum3A_282 = vector.multi_reduction <add>, %exp3A_276, %reduce_sum3A_281 [1] : vector<128x256xf32> to vector<128xf32>
    %broadcast_in_dim3A_283 = vector.shape_cast %reduce_sum3A_282 : vector<128xf32> to vector<128x1xf32>
    %div3A_284 = vector.broadcast %broadcast_in_dim3A_283 : vector<128x1xf32> to vector<128x64xf32>
    %div3A_285 = arith.divf %dot_general3A_280, %div3A_284 : vector<128x64xf32>
    %slice3A_286 = vector.extract_strided_slice %get3A_165 {offsets = [0, 448], sizes = [128, 64], strides = [1, 1]} : vector<128x512xbf16> to vector<128x64xbf16>
    %slice3A_287 = vector.extract_strided_slice %get3A_170 {offsets = [0, 448], sizes = [256, 64], strides = [1, 1]} : vector<256x512xbf16> to vector<256x64xbf16>
    %dot_general3A_288 = arith.constant dense<0.000000e+00> : vector<128x256xf32>
    %dot_general3A_289 = tpu.matmul %slice3A_286, %slice3A_287, %dot_general3A_288 {dimension_numbers = #tpu.dot_dimension_numbers<[1], [1], [0], [0], [0, 0, 1, 0], [], []>, transpose_lhs_hint = false} : vector<128x64xbf16>, vector<256x64xbf16>, vector<128x256xf32> -> vector<128x256xf32>
    %add3A_290 = arith.addf %dot_general3A_289, %get3A_180 : vector<128x256xf32>
    %exp3A_291 = math.exp %add3A_290 : vector<128x256xf32>
    %convert_element_type3A_292 = arith.truncf %exp3A_291 : vector<128x256xf32> to vector<128x256xbf16>
    %slice3A_293 = vector.extract_strided_slice %get3A_175 {offsets = [0, 448], sizes = [256, 64], strides = [1, 1]} : vector<256x512xbf16> to vector<256x64xbf16>
    %dot_general3A_294 = arith.constant dense<0.000000e+00> : vector<128x64xf32>
    %dot_general3A_295 = tpu.matmul %convert_element_type3A_292, %slice3A_293, %dot_general3A_294 {dimension_numbers = #tpu.dot_dimension_numbers<[1], [0], [0], [1], [0, 0, 1, 1], [], []>, transpose_lhs_hint = false} : vector<128x256xbf16>, vector<256x64xbf16>, vector<128x64xf32> -> vector<128x64xf32>
    %reduce_sum3A_296 = arith.constant dense<0.000000e+00> : vector<128xf32>
    %reduce_sum3A_297 = vector.multi_reduction <add>, %exp3A_291, %reduce_sum3A_296 [1] : vector<128x256xf32> to vector<128xf32>
    %broadcast_in_dim3A_298 = vector.shape_cast %reduce_sum3A_297 : vector<128xf32> to vector<128x1xf32>
    %div3A_299 = vector.broadcast %broadcast_in_dim3A_298 : vector<128x1xf32> to vector<128x64xf32>
    %div3A_300 = arith.divf %dot_general3A_295, %div3A_299 : vector<128x64xf32>
    %concatenate3A_301 = tpu.concatenate %div3A_195, %div3A_210, %div3A_225, %div3A_240, %div3A_255, %div3A_270, %div3A_285, %div3A_300 in 1 : vector<128x64xf32>, vector<128x64xf32>, vector<128x64xf32>, vector<128x64xf32>, vector<128x64xf32>, vector<128x64xf32>, vector<128x64xf32>, vector<128x64xf32> -> vector<128x512xf32>
    %convert_element_type3A_302 = arith.truncf %concatenate3A_301 : vector<128x512xf32> to vector<128x512xbf16>
    %swap3A_303 = arith.constant 0 : index
    %swap3A_304 = arith.constant 128 : index
    %swap3A_305 = arith.constant 0 : index
    %swap3A_306 = vector.load %arg5[%swap3A_303, %swap3A_304, %swap3A_305] : memref<1x256x512xbf16, #tpu.memory_space<vmem>>, vector<1x128x512xbf16>
    %swap3A_307 = vector.shape_cast %swap3A_306 : vector<1x128x512xbf16> to vector<128x512xbf16>
    %swap3A_308 = vector.shape_cast %convert_element_type3A_302 : vector<128x512xbf16> to vector<1x128x512xbf16>
    tpu.vector_store %arg5[%swap3A_303, %swap3A_304, %swap3A_305], %swap3A_308 {strides = array<i32>} : memref<1x256x512xbf16, #tpu.memory_space<vmem>>, vector<1x128x512xbf16>,
    return
  }
  func.func @transform_0(%arg0: i32, %arg1: i32) -> i32 {
    %c0_i32 = arith.constant 0 : i32
    %c0_i32_0 = arith.constant 0 : i32
    return %c0_i32 : i32
  }
  func.func @transform_1(%arg0: i32, %arg1: i32) -> (i32, i32, i32) {
    %c0_i32 = arith.constant 0 : i32
    %c0_i32_0 = arith.constant 0 : i32
    %c0_i32_1 = arith.constant 0 : i32
    return %arg0, %c0_i32, %c0_i32_0 : i32, i32, i32
  }
  func.func @transform_2(%arg0: i32, %arg1: i32) -> (i32, i32, i32) {
    %c0_i32 = arith.constant 0 : i32
    %c0_i32_0 = arith.constant 0 : i32
    %c0_i32_1 = arith.constant 0 : i32
    return %arg1, %c0_i32, %c0_i32_0 : i32, i32, i32
  }
  func.func @transform_3(%arg0: i32, %arg1: i32) -> (i32, i32, i32) {
    %c0_i32 = arith.constant 0 : i32
    %c0_i32_0 = arith.constant 0 : i32
    return %arg0, %arg1, %c0_i32 : i32, i32, i32
  }
}

module attributes {stable_mosaic.version = 14 : i64} {
  func.func @_ffn_qkv_body(%arg0: i32, %arg1: i32, %arg2: memref<4xf32, #tpu.memory_space<smem>>, %arg3: memref<1x1024x512xbf16, #tpu.memory_space<vmem>>, %arg4: memref<1x1024x512xf32, #tpu.memory_space<vmem>>, %arg5: memref<1x512x512xf32, #tpu.memory_space<vmem>>, %arg6: memref<1x1x512xf32, #tpu.memory_space<vmem>>, %arg7: memref<1x1x512xf32, #tpu.memory_space<vmem>>, %arg8: memref<1x1x512xf32, #tpu.memory_space<vmem>>, %arg9: memref<1x512x2048xf32, #tpu.memory_space<vmem>>, %arg10: memref<1x1x2048xf32, #tpu.memory_space<vmem>>, %arg11: memref<1x2048x512xf32, #tpu.memory_space<vmem>>, %arg12: memref<1x1x512xf32, #tpu.memory_space<vmem>>, %arg13: memref<1x512x512xf32, #tpu.memory_space<vmem>>, %arg14: memref<1x512x512xf32, #tpu.memory_space<vmem>>, %arg15: memref<1x512x512xf32, #tpu.memory_space<vmem>>, %arg16: memref<1x1x512xf32, #tpu.memory_space<vmem>>, %arg17: memref<1x1x512xf32, #tpu.memory_space<vmem>>, %arg18: memref<1x1x512xf32, #tpu.memory_space<vmem>>, %arg19: memref<1x1024x512xf32, #tpu.memory_space<vmem>>, %arg20: memref<1x1024x1536xbf16, #tpu.memory_space<vmem>>) attributes {dimension_semantics = [#tpu.dimension_semantics<arbitrary>, #tpu.dimension_semantics<arbitrary>], iteration_bounds = array<i64: 4, 2>, scalar_prefetch = 0 : i64, scratch_operands = 0 : i64, tpu.core_type = #tpu.core_type<tc>, window_params = [{transform_indices = @transform_0, window_bounds = array<i64: 4>}, {transform_indices = @transform_1, window_bounds = array<i64: 1, 1024, 512>}, {transform_indices = @transform_2, window_bounds = array<i64: 1, 1024, 512>}, {transform_indices = @transform_3, window_bounds = array<i64: 1, 512, 512>}, {transform_indices = @transform_4, window_bounds = array<i64: 1, 1, 512>}, {transform_indices = @transform_5, window_bounds = array<i64: 1, 1, 512>}, {transform_indices = @transform_6, window_bounds = array<i64: 1, 1, 512>}, {transform_indices = @transform_7, window_bounds = array<i64: 1, 512, 2048>}, {transform_indices = @transform_8, window_bounds = array<i64: 1, 1, 2048>}, {transform_indices = @transform_9, window_bounds = array<i64: 1, 2048, 512>}, {transform_indices = @transform_10, window_bounds = array<i64: 1, 1, 512>}, {transform_indices = @transform_11, window_bounds = array<i64: 1, 512, 512>}, {transform_indices = @transform_12, window_bounds = array<i64: 1, 512, 512>}, {transform_indices = @transform_13, window_bounds = array<i64: 1, 512, 512>}, {transform_indices = @transform_14, window_bounds = array<i64: 1, 1, 512>}, {transform_indices = @transform_15, window_bounds = array<i64: 1, 1, 512>}, {transform_indices = @transform_16, window_bounds = array<i64: 1, 1, 512>}, {transform_indices = @transform_17, window_bounds = array<i64: 1, 1024, 512>}, {transform_indices = @transform_18, window_bounds = array<i64: 1, 1024, 1536>}]} {
    %get3A = arith.constant 0 : index
    %get3A_0 = arith.constant 0 : index
    %get3A_1 = arith.constant 0 : index
    %get3A_2 = vector.load %arg3[%get3A, %get3A_0, %get3A_1] : memref<1x1024x512xbf16, #tpu.memory_space<vmem>>, vector<1x1024x512xbf16>
    %get3A_3 = vector.shape_cast %get3A_2 : vector<1x1024x512xbf16> to vector<1024x512xbf16>
    %get3A_4 = arith.constant 0 : index
    %get3A_5 = arith.constant 0 : index
    %get3A_6 = arith.constant 0 : index
    %get3A_7 = vector.load %arg5[%get3A_4, %get3A_5, %get3A_6] : memref<1x512x512xf32, #tpu.memory_space<vmem>>, vector<1x512x512xf32>
    %get3A_8 = vector.shape_cast %get3A_7 : vector<1x512x512xf32> to vector<512x512xf32>
    %convert_element_type3A = arith.truncf %get3A_8 : vector<512x512xf32> to vector<512x512xbf16>
    %dot_general3A = arith.constant dense<0.000000e+00> : vector<1024x512xf32>
    %dot_general3A_9 = tpu.matmul %get3A_3, %convert_element_type3A, %dot_general3A {dimension_numbers = #tpu.dot_dimension_numbers<[1], [0], [0], [1], [0, 0, 1, 1], [], []>, transpose_lhs_hint = false} : vector<1024x512xbf16>, vector<512x512xbf16>, vector<1024x512xf32> -> vector<1024x512xf32>
    %get3A_10 = arith.constant 0 : index
    %get3A_11 = arith.constant 0 : index
    %get3A_12 = arith.constant 0 : index
    %get3A_13 = vector.load %arg6[%get3A_10, %get3A_11, %get3A_12] : memref<1x1x512xf32, #tpu.memory_space<vmem>>, vector<1x1x512xf32>
    %get3A_14 = vector.shape_cast %get3A_13 : vector<1x1x512xf32> to vector<1x512xf32>
    %add3A = vector.broadcast %get3A_14 : vector<1x512xf32> to vector<1024x512xf32>
    %add3A_15 = arith.addf %dot_general3A_9, %add3A : vector<1024x512xf32>
    %get3A_16 = arith.constant 0 : index
    %get3A_17 = arith.constant 0 : index
    %get3A_18 = arith.constant 0 : index
    %get3A_19 = vector.load %arg4[%get3A_16, %get3A_17, %get3A_18] : memref<1x1024x512xf32, #tpu.memory_space<vmem>>, vector<1x1024x512xf32>
    %get3A_20 = vector.shape_cast %get3A_19 : vector<1x1024x512xf32> to vector<1024x512xf32>
    %add3A_21 = arith.addf %add3A_15, %get3A_20 : vector<1024x512xf32>
    %get3A_22 = arith.constant 0 : index
    %get3A_23 = arith.constant 0 : index
    %get3A_24 = arith.constant 0 : index
    %get3A_25 = vector.load %arg7[%get3A_22, %get3A_23, %get3A_24] : memref<1x1x512xf32, #tpu.memory_space<vmem>>, vector<1x1x512xf32>
    %get3A_26 = vector.shape_cast %get3A_25 : vector<1x1x512xf32> to vector<1x512xf32>
    %get3A_27 = arith.constant 0 : index
    %get3A_28 = arith.constant 0 : index
    %get3A_29 = arith.constant 0 : index
    %get3A_30 = vector.load %arg8[%get3A_27, %get3A_28, %get3A_29] : memref<1x1x512xf32, #tpu.memory_space<vmem>>, vector<1x1x512xf32>
    %get3A_31 = vector.shape_cast %get3A_30 : vector<1x1x512xf32> to vector<1x512xf32>
    %reduce_sum3A = arith.constant dense<0.000000e+00> : vector<1024xf32>
    %reduce_sum3A_32 = vector.multi_reduction <add>, %add3A_21, %reduce_sum3A [1] : vector<1024x512xf32> to vector<1024xf32>
    %broadcast_in_dim3A = vector.shape_cast %reduce_sum3A_32 : vector<1024xf32> to vector<1024x1xf32>
    %div3A = arith.constant 5.120000e+02 : f32
    %div3A_33 = vector.broadcast %div3A : f32 to vector<1024x1xf32>
    %div3A_34 = arith.divf %broadcast_in_dim3A, %div3A_33 : vector<1024x1xf32>
    %sub3A = vector.broadcast %div3A_34 : vector<1024x1xf32> to vector<1024x512xf32>
    %sub3A_35 = arith.subf %add3A_21, %sub3A : vector<1024x512xf32>
    %mul3A = arith.mulf %sub3A_35, %sub3A_35 : vector<1024x512xf32>
    %reduce_sum3A_36 = arith.constant dense<0.000000e+00> : vector<1024xf32>
    %reduce_sum3A_37 = vector.multi_reduction <add>, %mul3A, %reduce_sum3A_36 [1] : vector<1024x512xf32> to vector<1024xf32>
    %broadcast_in_dim3A_38 = vector.shape_cast %reduce_sum3A_37 : vector<1024xf32> to vector<1024x1xf32>
    %div3A_39 = arith.constant 5.120000e+02 : f32
    %div3A_40 = vector.broadcast %div3A_39 : f32 to vector<1024x1xf32>
    %div3A_41 = arith.divf %broadcast_in_dim3A_38, %div3A_40 : vector<1024x1xf32>
    %add3A_42 = arith.constant 9.99999974E-6 : f32
    %add3A_43 = vector.broadcast %add3A_42 : f32 to vector<1024x1xf32>
    %add3A_44 = arith.addf %div3A_41, %add3A_43 : vector<1024x1xf32>
    %rsqrt3A = math.rsqrt %add3A_44 : vector<1024x1xf32>
    %mul3A_45 = vector.broadcast %rsqrt3A : vector<1024x1xf32> to vector<1024x512xf32>
    %mul3A_46 = arith.mulf %sub3A_35, %mul3A_45 : vector<1024x512xf32>
    %mul3A_47 = vector.broadcast %get3A_26 : vector<1x512xf32> to vector<1024x512xf32>
    %mul3A_48 = arith.mulf %mul3A_46, %mul3A_47 : vector<1024x512xf32>
    %add3A_49 = vector.broadcast %get3A_31 : vector<1x512xf32> to vector<1024x512xf32>
    %add3A_50 = arith.addf %mul3A_48, %add3A_49 : vector<1024x512xf32>
    %convert_element_type3A_51 = arith.truncf %add3A_50 : vector<1024x512xf32> to vector<1024x512xbf16>
    %get3A_52 = arith.constant 0 : index
    %get3A_53 = arith.constant 0 : index
    %get3A_54 = arith.constant 0 : index
    %get3A_55 = vector.load %arg9[%get3A_52, %get3A_53, %get3A_54] : memref<1x512x2048xf32, #tpu.memory_space<vmem>>, vector<1x512x2048xf32>
    %get3A_56 = vector.shape_cast %get3A_55 : vector<1x512x2048xf32> to vector<512x2048xf32>
    %convert_element_type3A_57 = arith.truncf %get3A_56 : vector<512x2048xf32> to vector<512x2048xbf16>
    %dot_general3A_58 = arith.constant dense<0.000000e+00> : vector<1024x2048xf32>
    %dot_general3A_59 = tpu.matmul %convert_element_type3A_51, %convert_element_type3A_57, %dot_general3A_58 {dimension_numbers = #tpu.dot_dimension_numbers<[1], [0], [0], [1], [0, 0, 1, 1], [], []>, transpose_lhs_hint = false} : vector<1024x512xbf16>, vector<512x2048xbf16>, vector<1024x2048xf32> -> vector<1024x2048xf32>
    %get3A_60 = arith.constant 0 : index
    %get3A_61 = arith.constant 0 : index
    %get3A_62 = arith.constant 0 : index
    %get3A_63 = vector.load %arg10[%get3A_60, %get3A_61, %get3A_62] : memref<1x1x2048xf32, #tpu.memory_space<vmem>>, vector<1x1x2048xf32>
    %get3A_64 = vector.shape_cast %get3A_63 : vector<1x1x2048xf32> to vector<1x2048xf32>
    %add3A_65 = vector.broadcast %get3A_64 : vector<1x2048xf32> to vector<1024x2048xf32>
    %add3A_66 = arith.addf %dot_general3A_59, %add3A_65 : vector<1024x2048xf32>
    %mul3A_67 = arith.constant 5.000000e-01 : f32
    %mul3A_68 = vector.broadcast %mul3A_67 : f32 to vector<1024x2048xf32>
    %mul3A_69 = arith.mulf %mul3A_68, %add3A_66 : vector<1024x2048xf32>
    %mul3A_70 = arith.constant 0.707106769 : f32
    %mul3A_71 = vector.broadcast %mul3A_70 : f32 to vector<1024x2048xf32>
    %mul3A_72 = arith.mulf %add3A_66, %mul3A_71 : vector<1024x2048xf32>
    %erf3A = math.erf %mul3A_72 : vector<1024x2048xf32>
    %add3A_73 = arith.constant 1.000000e+00 : f32
    %add3A_74 = vector.broadcast %add3A_73 : f32 to vector<1024x2048xf32>
    %add3A_75 = arith.addf %add3A_74, %erf3A : vector<1024x2048xf32>
    %mul3A_76 = arith.mulf %mul3A_69, %add3A_75 : vector<1024x2048xf32>
    %convert_element_type3A_77 = arith.truncf %mul3A_76 : vector<1024x2048xf32> to vector<1024x2048xbf16>
    %get3A_78 = arith.constant 0 : index
    %get3A_79 = arith.constant 0 : index
    %get3A_80 = arith.constant 0 : index
    %get3A_81 = vector.load %arg11[%get3A_78, %get3A_79, %get3A_80] : memref<1x2048x512xf32, #tpu.memory_space<vmem>>, vector<1x2048x512xf32>
    %get3A_82 = vector.shape_cast %get3A_81 : vector<1x2048x512xf32> to vector<2048x512xf32>
    %convert_element_type3A_83 = arith.truncf %get3A_82 : vector<2048x512xf32> to vector<2048x512xbf16>
    %dot_general3A_84 = arith.constant dense<0.000000e+00> : vector<1024x512xf32>
    %dot_general3A_85 = tpu.matmul %convert_element_type3A_77, %convert_element_type3A_83, %dot_general3A_84 {dimension_numbers = #tpu.dot_dimension_numbers<[1], [0], [0], [1], [0, 0, 1, 1], [], []>, transpose_lhs_hint = false} : vector<1024x2048xbf16>, vector<2048x512xbf16>, vector<1024x512xf32> -> vector<1024x512xf32>
    %get3A_86 = arith.constant 0 : index
    %get3A_87 = arith.constant 0 : index
    %get3A_88 = arith.constant 0 : index
    %get3A_89 = vector.load %arg12[%get3A_86, %get3A_87, %get3A_88] : memref<1x1x512xf32, #tpu.memory_space<vmem>>, vector<1x1x512xf32>
    %get3A_90 = vector.shape_cast %get3A_89 : vector<1x1x512xf32> to vector<1x512xf32>
    %add3A_91 = vector.broadcast %get3A_90 : vector<1x512xf32> to vector<1024x512xf32>
    %add3A_92 = arith.addf %dot_general3A_85, %add3A_91 : vector<1024x512xf32>
    %add3A_93 = arith.addf %add3A_92, %add3A_50 : vector<1024x512xf32>
    %get3A_94 = arith.constant 0 : index
    %get3A_95 = arith.constant 0 : index
    %get3A_96 = arith.constant 0 : index
    %get3A_97 = vector.load %arg7[%get3A_94, %get3A_95, %get3A_96] : memref<1x1x512xf32, #tpu.memory_space<vmem>>, vector<1x1x512xf32>
    %get3A_98 = vector.shape_cast %get3A_97 : vector<1x1x512xf32> to vector<1x512xf32>
    %get3A_99 = arith.constant 0 : index
    %get3A_100 = arith.constant 0 : index
    %get3A_101 = arith.constant 0 : index
    %get3A_102 = vector.load %arg8[%get3A_99, %get3A_100, %get3A_101] : memref<1x1x512xf32, #tpu.memory_space<vmem>>, vector<1x1x512xf32>
    %get3A_103 = vector.shape_cast %get3A_102 : vector<1x1x512xf32> to vector<1x512xf32>
    %reduce_sum3A_104 = arith.constant dense<0.000000e+00> : vector<1024xf32>
    %reduce_sum3A_105 = vector.multi_reduction <add>, %add3A_93, %reduce_sum3A_104 [1] : vector<1024x512xf32> to vector<1024xf32>
    %broadcast_in_dim3A_106 = vector.shape_cast %reduce_sum3A_105 : vector<1024xf32> to vector<1024x1xf32>
    %div3A_107 = arith.constant 5.120000e+02 : f32
    %div3A_108 = vector.broadcast %div3A_107 : f32 to vector<1024x1xf32>
    %div3A_109 = arith.divf %broadcast_in_dim3A_106, %div3A_108 : vector<1024x1xf32>
    %sub3A_110 = vector.broadcast %div3A_109 : vector<1024x1xf32> to vector<1024x512xf32>
    %sub3A_111 = arith.subf %add3A_93, %sub3A_110 : vector<1024x512xf32>
    %mul3A_112 = arith.mulf %sub3A_111, %sub3A_111 : vector<1024x512xf32>
    %reduce_sum3A_113 = arith.constant dense<0.000000e+00> : vector<1024xf32>
    %reduce_sum3A_114 = vector.multi_reduction <add>, %mul3A_112, %reduce_sum3A_113 [1] : vector<1024x512xf32> to vector<1024xf32>
    %broadcast_in_dim3A_115 = vector.shape_cast %reduce_sum3A_114 : vector<1024xf32> to vector<1024x1xf32>
    %div3A_116 = arith.constant 5.120000e+02 : f32
    %div3A_117 = vector.broadcast %div3A_116 : f32 to vector<1024x1xf32>
    %div3A_118 = arith.divf %broadcast_in_dim3A_115, %div3A_117 : vector<1024x1xf32>
    %add3A_119 = arith.constant 9.99999974E-6 : f32
    %add3A_120 = vector.broadcast %add3A_119 : f32 to vector<1024x1xf32>
    %add3A_121 = arith.addf %div3A_118, %add3A_120 : vector<1024x1xf32>
    %rsqrt3A_122 = math.rsqrt %add3A_121 : vector<1024x1xf32>
    %mul3A_123 = vector.broadcast %rsqrt3A_122 : vector<1024x1xf32> to vector<1024x512xf32>
    %mul3A_124 = arith.mulf %sub3A_111, %mul3A_123 : vector<1024x512xf32>
    %mul3A_125 = vector.broadcast %get3A_98 : vector<1x512xf32> to vector<1024x512xf32>
    %mul3A_126 = arith.mulf %mul3A_124, %mul3A_125 : vector<1024x512xf32>
    %add3A_127 = vector.broadcast %get3A_103 : vector<1x512xf32> to vector<1024x512xf32>
    %add3A_128 = arith.addf %mul3A_126, %add3A_127 : vector<1024x512xf32>
    %swap3A = arith.constant 0 : index
    %swap3A_129 = arith.constant 0 : index
    %swap3A_130 = arith.constant 0 : index
    %swap3A_131 = vector.load %arg19[%swap3A, %swap3A_129, %swap3A_130] : memref<1x1024x512xf32, #tpu.memory_space<vmem>>, vector<1x1024x512xf32>
    %swap3A_132 = vector.shape_cast %swap3A_131 : vector<1x1024x512xf32> to vector<1024x512xf32>
    %swap3A_133 = vector.shape_cast %add3A_128 : vector<1024x512xf32> to vector<1x1024x512xf32>
    tpu.vector_store %arg19[%swap3A, %swap3A_129, %swap3A_130], %swap3A_133 {strides = array<i32>} : memref<1x1024x512xf32, #tpu.memory_space<vmem>>, vector<1x1024x512xf32>,
    %convert_element_type3A_134 = arith.truncf %add3A_128 : vector<1024x512xf32> to vector<1024x512xbf16>
    %get3A_135 = arith.constant 2 : index
    %get3A_136 = memref.load %arg2[%get3A_135] : memref<4xf32, #tpu.memory_space<smem>>
    %abs3A = math.absf %get3A_136 : f32
    %mul3A_137 = arith.constant 8.000000e+00 : f32
    %mul3A_138 = arith.mulf %mul3A_137, %abs3A : f32
    %div3A_139 = arith.constant 1.000000e+00 : f32
    %div3A_140 = arith.divf %div3A_139, %mul3A_138 : f32
    %get3A_141 = arith.constant 0 : index
    %get3A_142 = arith.constant 0 : index
    %get3A_143 = arith.constant 0 : index
    %get3A_144 = vector.load %arg13[%get3A_141, %get3A_142, %get3A_143] : memref<1x512x512xf32, #tpu.memory_space<vmem>>, vector<1x512x512xf32>
    %get3A_145 = vector.shape_cast %get3A_144 : vector<1x512x512xf32> to vector<512x512xf32>
    %convert_element_type3A_146 = arith.truncf %get3A_145 : vector<512x512xf32> to vector<512x512xbf16>
    %dot_general3A_147 = arith.constant dense<0.000000e+00> : vector<1024x512xf32>
    %dot_general3A_148 = tpu.matmul %convert_element_type3A_134, %convert_element_type3A_146, %dot_general3A_147 {dimension_numbers = #tpu.dot_dimension_numbers<[1], [0], [0], [1], [0, 0, 1, 1], [], []>, transpose_lhs_hint = false} : vector<1024x512xbf16>, vector<512x512xbf16>, vector<1024x512xf32> -> vector<1024x512xf32>
    %get3A_149 = arith.constant 0 : index
    %get3A_150 = arith.constant 0 : index
    %get3A_151 = arith.constant 0 : index
    %get3A_152 = vector.load %arg16[%get3A_149, %get3A_150, %get3A_151] : memref<1x1x512xf32, #tpu.memory_space<vmem>>, vector<1x1x512xf32>
    %get3A_153 = vector.shape_cast %get3A_152 : vector<1x1x512xf32> to vector<1x512xf32>
    %add3A_154 = vector.broadcast %get3A_153 : vector<1x512xf32> to vector<1024x512xf32>
    %add3A_155 = arith.addf %dot_general3A_148, %add3A_154 : vector<1024x512xf32>
    %mul3A_156 = vector.broadcast %div3A_140 : f32 to vector<1024x512xf32>
    %mul3A_157 = arith.mulf %add3A_155, %mul3A_156 : vector<1024x512xf32>
    %convert_element_type3A_158 = arith.truncf %mul3A_157 : vector<1024x512xf32> to vector<1024x512xbf16>
    %swap3A_159 = arith.constant 0 : index
    %swap3A_160 = arith.constant 0 : index
    %swap3A_161 = arith.constant 0 : index
    %swap3A_162 = vector.load %arg20[%swap3A_159, %swap3A_160, %swap3A_161] : memref<1x1024x1536xbf16, #tpu.memory_space<vmem>>, vector<1x1024x512xbf16>
    %swap3A_163 = vector.shape_cast %swap3A_162 : vector<1x1024x512xbf16> to vector<1024x512xbf16>
    %swap3A_164 = vector.shape_cast %convert_element_type3A_158 : vector<1024x512xbf16> to vector<1x1024x512xbf16>
    tpu.vector_store %arg20[%swap3A_159, %swap3A_160, %swap3A_161], %swap3A_164 {strides = array<i32>} : memref<1x1024x1536xbf16, #tpu.memory_space<vmem>>, vector<1x1024x512xbf16>,
    %get3A_165 = arith.constant 0 : index
    %get3A_166 = arith.constant 0 : index
    %get3A_167 = arith.constant 0 : index
    %get3A_168 = vector.load %arg14[%get3A_165, %get3A_166, %get3A_167] : memref<1x512x512xf32, #tpu.memory_space<vmem>>, vector<1x512x512xf32>
    %get3A_169 = vector.shape_cast %get3A_168 : vector<1x512x512xf32> to vector<512x512xf32>
    %convert_element_type3A_170 = arith.truncf %get3A_169 : vector<512x512xf32> to vector<512x512xbf16>
    %dot_general3A_171 = arith.constant dense<0.000000e+00> : vector<1024x512xf32>
    %dot_general3A_172 = tpu.matmul %convert_element_type3A_134, %convert_element_type3A_170, %dot_general3A_171 {dimension_numbers = #tpu.dot_dimension_numbers<[1], [0], [0], [1], [0, 0, 1, 1], [], []>, transpose_lhs_hint = false} : vector<1024x512xbf16>, vector<512x512xbf16>, vector<1024x512xf32> -> vector<1024x512xf32>
    %get3A_173 = arith.constant 0 : index
    %get3A_174 = arith.constant 0 : index
    %get3A_175 = arith.constant 0 : index
    %get3A_176 = vector.load %arg17[%get3A_173, %get3A_174, %get3A_175] : memref<1x1x512xf32, #tpu.memory_space<vmem>>, vector<1x1x512xf32>
    %get3A_177 = vector.shape_cast %get3A_176 : vector<1x1x512xf32> to vector<1x512xf32>
    %add3A_178 = vector.broadcast %get3A_177 : vector<1x512xf32> to vector<1024x512xf32>
    %add3A_179 = arith.addf %dot_general3A_172, %add3A_178 : vector<1024x512xf32>
    %convert_element_type3A_180 = arith.truncf %add3A_179 : vector<1024x512xf32> to vector<1024x512xbf16>
    %swap3A_181 = arith.constant 0 : index
    %swap3A_182 = arith.constant 0 : index
    %swap3A_183 = arith.constant 512 : index
    %swap3A_184 = vector.load %arg20[%swap3A_181, %swap3A_182, %swap3A_183] : memref<1x1024x1536xbf16, #tpu.memory_space<vmem>>, vector<1x1024x512xbf16>
    %swap3A_185 = vector.shape_cast %swap3A_184 : vector<1x1024x512xbf16> to vector<1024x512xbf16>
    %swap3A_186 = vector.shape_cast %convert_element_type3A_180 : vector<1024x512xbf16> to vector<1x1024x512xbf16>
    tpu.vector_store %arg20[%swap3A_181, %swap3A_182, %swap3A_183], %swap3A_186 {strides = array<i32>} : memref<1x1024x1536xbf16, #tpu.memory_space<vmem>>, vector<1x1024x512xbf16>,
    %get3A_187 = arith.constant 0 : index
    %get3A_188 = arith.constant 0 : index
    %get3A_189 = arith.constant 0 : index
    %get3A_190 = vector.load %arg15[%get3A_187, %get3A_188, %get3A_189] : memref<1x512x512xf32, #tpu.memory_space<vmem>>, vector<1x512x512xf32>
    %get3A_191 = vector.shape_cast %get3A_190 : vector<1x512x512xf32> to vector<512x512xf32>
    %convert_element_type3A_192 = arith.truncf %get3A_191 : vector<512x512xf32> to vector<512x512xbf16>
    %dot_general3A_193 = arith.constant dense<0.000000e+00> : vector<1024x512xf32>
    %dot_general3A_194 = tpu.matmul %convert_element_type3A_134, %convert_element_type3A_192, %dot_general3A_193 {dimension_numbers = #tpu.dot_dimension_numbers<[1], [0], [0], [1], [0, 0, 1, 1], [], []>, transpose_lhs_hint = false} : vector<1024x512xbf16>, vector<512x512xbf16>, vector<1024x512xf32> -> vector<1024x512xf32>
    %get3A_195 = arith.constant 0 : index
    %get3A_196 = arith.constant 0 : index
    %get3A_197 = arith.constant 0 : index
    %get3A_198 = vector.load %arg18[%get3A_195, %get3A_196, %get3A_197] : memref<1x1x512xf32, #tpu.memory_space<vmem>>, vector<1x1x512xf32>
    %get3A_199 = vector.shape_cast %get3A_198 : vector<1x1x512xf32> to vector<1x512xf32>
    %add3A_200 = vector.broadcast %get3A_199 : vector<1x512xf32> to vector<1024x512xf32>
    %add3A_201 = arith.addf %dot_general3A_194, %add3A_200 : vector<1024x512xf32>
    %convert_element_type3A_202 = arith.truncf %add3A_201 : vector<1024x512xf32> to vector<1024x512xbf16>
    %swap3A_203 = arith.constant 0 : index
    %swap3A_204 = arith.constant 0 : index
    %swap3A_205 = arith.constant 1024 : index
    %swap3A_206 = vector.load %arg20[%swap3A_203, %swap3A_204, %swap3A_205] : memref<1x1024x1536xbf16, #tpu.memory_space<vmem>>, vector<1x1024x512xbf16>
    %swap3A_207 = vector.shape_cast %swap3A_206 : vector<1x1024x512xbf16> to vector<1024x512xbf16>
    %swap3A_208 = vector.shape_cast %convert_element_type3A_202 : vector<1024x512xbf16> to vector<1x1024x512xbf16>
    tpu.vector_store %arg20[%swap3A_203, %swap3A_204, %swap3A_205], %swap3A_208 {strides = array<i32>} : memref<1x1024x1536xbf16, #tpu.memory_space<vmem>>, vector<1x1024x512xbf16>,
    return
  }
  func.func @transform_0(%arg0: i32, %arg1: i32) -> i32 {
    %c0_i32 = arith.constant 0 : i32
    %c0_i32_0 = arith.constant 0 : i32
    return %c0_i32 : i32
  }
  func.func @transform_1(%arg0: i32, %arg1: i32) -> (i32, i32, i32) {
    %c0_i32 = arith.constant 0 : i32
    %c0_i32_0 = arith.constant 0 : i32
    return %arg0, %arg1, %c0_i32 : i32, i32, i32
  }
  func.func @transform_2(%arg0: i32, %arg1: i32) -> (i32, i32, i32) {
    %c0_i32 = arith.constant 0 : i32
    %c0_i32_0 = arith.constant 0 : i32
    return %arg0, %arg1, %c0_i32 : i32, i32, i32
  }
  func.func @transform_3(%arg0: i32, %arg1: i32) -> (i32, i32, i32) {
    %c1_i32 = arith.constant 1 : i32
    %c0_i32 = arith.constant 0 : i32
    %c0_i32_0 = arith.constant 0 : i32
    %c0_i32_1 = arith.constant 0 : i32
    return %c1_i32, %c0_i32, %c0_i32_0 : i32, i32, i32
  }
  func.func @transform_4(%arg0: i32, %arg1: i32) -> (i32, i32, i32) {
    %c1_i32 = arith.constant 1 : i32
    %c0_i32 = arith.constant 0 : i32
    %c0_i32_0 = arith.constant 0 : i32
    %c0_i32_1 = arith.constant 0 : i32
    return %c1_i32, %c0_i32, %c0_i32_0 : i32, i32, i32
  }
  func.func @transform_5(%arg0: i32, %arg1: i32) -> (i32, i32, i32) {
    %c1_i32 = arith.constant 1 : i32
    %c0_i32 = arith.constant 0 : i32
    %c0_i32_0 = arith.constant 0 : i32
    %c0_i32_1 = arith.constant 0 : i32
    return %c1_i32, %c0_i32, %c0_i32_0 : i32, i32, i32
  }
  func.func @transform_6(%arg0: i32, %arg1: i32) -> (i32, i32, i32) {
    %c1_i32 = arith.constant 1 : i32
    %c0_i32 = arith.constant 0 : i32
    %c0_i32_0 = arith.constant 0 : i32
    %c0_i32_1 = arith.constant 0 : i32
    return %c1_i32, %c0_i32, %c0_i32_0 : i32, i32, i32
  }
  func.func @transform_7(%arg0: i32, %arg1: i32) -> (i32, i32, i32) {
    %c1_i32 = arith.constant 1 : i32
    %c0_i32 = arith.constant 0 : i32
    %c0_i32_0 = arith.constant 0 : i32
    %c0_i32_1 = arith.constant 0 : i32
    return %c1_i32, %c0_i32, %c0_i32_0 : i32, i32, i32
  }
  func.func @transform_8(%arg0: i32, %arg1: i32) -> (i32, i32, i32) {
    %c1_i32 = arith.constant 1 : i32
    %c0_i32 = arith.constant 0 : i32
    %c0_i32_0 = arith.constant 0 : i32
    %c0_i32_1 = arith.constant 0 : i32
    return %c1_i32, %c0_i32, %c0_i32_0 : i32, i32, i32
  }
  func.func @transform_9(%arg0: i32, %arg1: i32) -> (i32, i32, i32) {
    %c1_i32 = arith.constant 1 : i32
    %c0_i32 = arith.constant 0 : i32
    %c0_i32_0 = arith.constant 0 : i32
    %c0_i32_1 = arith.constant 0 : i32
    return %c1_i32, %c0_i32, %c0_i32_0 : i32, i32, i32
  }
  func.func @transform_10(%arg0: i32, %arg1: i32) -> (i32, i32, i32) {
    %c1_i32 = arith.constant 1 : i32
    %c0_i32 = arith.constant 0 : i32
    %c0_i32_0 = arith.constant 0 : i32
    %c0_i32_1 = arith.constant 0 : i32
    return %c1_i32, %c0_i32, %c0_i32_0 : i32, i32, i32
  }
  func.func @transform_11(%arg0: i32, %arg1: i32) -> (i32, i32, i32) {
    %c2_i32 = arith.constant 2 : i32
    %c0_i32 = arith.constant 0 : i32
    %c0_i32_0 = arith.constant 0 : i32
    %c0_i32_1 = arith.constant 0 : i32
    return %c2_i32, %c0_i32, %c0_i32_0 : i32, i32, i32
  }
  func.func @transform_12(%arg0: i32, %arg1: i32) -> (i32, i32, i32) {
    %c2_i32 = arith.constant 2 : i32
    %c0_i32 = arith.constant 0 : i32
    %c0_i32_0 = arith.constant 0 : i32
    %c0_i32_1 = arith.constant 0 : i32
    return %c2_i32, %c0_i32, %c0_i32_0 : i32, i32, i32
  }
  func.func @transform_13(%arg0: i32, %arg1: i32) -> (i32, i32, i32) {
    %c2_i32 = arith.constant 2 : i32
    %c0_i32 = arith.constant 0 : i32
    %c0_i32_0 = arith.constant 0 : i32
    %c0_i32_1 = arith.constant 0 : i32
    return %c2_i32, %c0_i32, %c0_i32_0 : i32, i32, i32
  }
  func.func @transform_14(%arg0: i32, %arg1: i32) -> (i32, i32, i32) {
    %c2_i32 = arith.constant 2 : i32
    %c0_i32 = arith.constant 0 : i32
    %c0_i32_0 = arith.constant 0 : i32
    %c0_i32_1 = arith.constant 0 : i32
    return %c2_i32, %c0_i32, %c0_i32_0 : i32, i32, i32
  }
  func.func @transform_15(%arg0: i32, %arg1: i32) -> (i32, i32, i32) {
    %c2_i32 = arith.constant 2 : i32
    %c0_i32 = arith.constant 0 : i32
    %c0_i32_0 = arith.constant 0 : i32
    %c0_i32_1 = arith.constant 0 : i32
    return %c2_i32, %c0_i32, %c0_i32_0 : i32, i32, i32
  }
  func.func @transform_16(%arg0: i32, %arg1: i32) -> (i32, i32, i32) {
    %c2_i32 = arith.constant 2 : i32
    %c0_i32 = arith.constant 0 : i32
    %c0_i32_0 = arith.constant 0 : i32
    %c0_i32_1 = arith.constant 0 : i32
    return %c2_i32, %c0_i32, %c0_i32_0 : i32, i32, i32
  }
  func.func @transform_17(%arg0: i32, %arg1: i32) -> (i32, i32, i32) {
    %c0_i32 = arith.constant 0 : i32
    %c0_i32_0 = arith.constant 0 : i32
    return %arg0, %arg1, %c0_i32 : i32, i32, i32
  }
  func.func @transform_18(%arg0: i32, %arg1: i32) -> (i32, i32, i32) {
    %c0_i32 = arith.constant 0 : i32
    %c0_i32_0 = arith.constant 0 : i32
    return %arg0, %arg1, %c0_i32 : i32, i32, i32
  }
}

module attributes {stable_mosaic.version = 14 : i64} {
  func.func @_ffn_qkv_body(%arg0: i32, %arg1: i32, %arg2: memref<4xf32, #tpu.memory_space<smem>>, %arg3: memref<1x1024x512xbf16, #tpu.memory_space<vmem>>, %arg4: memref<1x1024x512xf32, #tpu.memory_space<vmem>>, %arg5: memref<1x512x512xf32, #tpu.memory_space<vmem>>, %arg6: memref<1x1x512xf32, #tpu.memory_space<vmem>>, %arg7: memref<1x1x512xf32, #tpu.memory_space<vmem>>, %arg8: memref<1x1x512xf32, #tpu.memory_space<vmem>>, %arg9: memref<1x512x2048xf32, #tpu.memory_space<vmem>>, %arg10: memref<1x1x2048xf32, #tpu.memory_space<vmem>>, %arg11: memref<1x2048x512xf32, #tpu.memory_space<vmem>>, %arg12: memref<1x1x512xf32, #tpu.memory_space<vmem>>, %arg13: memref<1x512x512xf32, #tpu.memory_space<vmem>>, %arg14: memref<1x512x512xf32, #tpu.memory_space<vmem>>, %arg15: memref<1x512x512xf32, #tpu.memory_space<vmem>>, %arg16: memref<1x1x512xf32, #tpu.memory_space<vmem>>, %arg17: memref<1x1x512xf32, #tpu.memory_space<vmem>>, %arg18: memref<1x1x512xf32, #tpu.memory_space<vmem>>, %arg19: memref<1x1024x512xf32, #tpu.memory_space<vmem>>, %arg20: memref<1x1024x1536xbf16, #tpu.memory_space<vmem>>) attributes {dimension_semantics = [#tpu.dimension_semantics<arbitrary>, #tpu.dimension_semantics<arbitrary>], iteration_bounds = array<i64: 4, 2>, scalar_prefetch = 0 : i64, scratch_operands = 0 : i64, tpu.core_type = #tpu.core_type<tc>, window_params = [{transform_indices = @transform_0, window_bounds = array<i64: 4>}, {transform_indices = @transform_1, window_bounds = array<i64: 1, 1024, 512>}, {transform_indices = @transform_2, window_bounds = array<i64: 1, 1024, 512>}, {transform_indices = @transform_3, window_bounds = array<i64: 1, 512, 512>}, {transform_indices = @transform_4, window_bounds = array<i64: 1, 1, 512>}, {transform_indices = @transform_5, window_bounds = array<i64: 1, 1, 512>}, {transform_indices = @transform_6, window_bounds = array<i64: 1, 1, 512>}, {transform_indices = @transform_7, window_bounds = array<i64: 1, 512, 2048>}, {transform_indices = @transform_8, window_bounds = array<i64: 1, 1, 2048>}, {transform_indices = @transform_9, window_bounds = array<i64: 1, 2048, 512>}, {transform_indices = @transform_10, window_bounds = array<i64: 1, 1, 512>}, {transform_indices = @transform_11, window_bounds = array<i64: 1, 512, 512>}, {transform_indices = @transform_12, window_bounds = array<i64: 1, 512, 512>}, {transform_indices = @transform_13, window_bounds = array<i64: 1, 512, 512>}, {transform_indices = @transform_14, window_bounds = array<i64: 1, 1, 512>}, {transform_indices = @transform_15, window_bounds = array<i64: 1, 1, 512>}, {transform_indices = @transform_16, window_bounds = array<i64: 1, 1, 512>}, {transform_indices = @transform_17, window_bounds = array<i64: 1, 1024, 512>}, {transform_indices = @transform_18, window_bounds = array<i64: 1, 1024, 1536>}]} {
    %get3A = arith.constant 0 : index
    %get3A_0 = arith.constant 0 : index
    %get3A_1 = arith.constant 0 : index
    %get3A_2 = vector.load %arg3[%get3A, %get3A_0, %get3A_1] : memref<1x1024x512xbf16, #tpu.memory_space<vmem>>, vector<1x1024x512xbf16>
    %get3A_3 = vector.shape_cast %get3A_2 : vector<1x1024x512xbf16> to vector<1024x512xbf16>
    %get3A_4 = arith.constant 0 : index
    %get3A_5 = arith.constant 0 : index
    %get3A_6 = arith.constant 0 : index
    %get3A_7 = vector.load %arg5[%get3A_4, %get3A_5, %get3A_6] : memref<1x512x512xf32, #tpu.memory_space<vmem>>, vector<1x512x512xf32>
    %get3A_8 = vector.shape_cast %get3A_7 : vector<1x512x512xf32> to vector<512x512xf32>
    %convert_element_type3A = arith.truncf %get3A_8 : vector<512x512xf32> to vector<512x512xbf16>
    %dot_general3A = arith.constant dense<0.000000e+00> : vector<1024x512xf32>
    %dot_general3A_9 = tpu.matmul %get3A_3, %convert_element_type3A, %dot_general3A {dimension_numbers = #tpu.dot_dimension_numbers<[1], [0], [0], [1], [0, 0, 1, 1], [], []>, transpose_lhs_hint = false} : vector<1024x512xbf16>, vector<512x512xbf16>, vector<1024x512xf32> -> vector<1024x512xf32>
    %get3A_10 = arith.constant 0 : index
    %get3A_11 = arith.constant 0 : index
    %get3A_12 = arith.constant 0 : index
    %get3A_13 = vector.load %arg6[%get3A_10, %get3A_11, %get3A_12] : memref<1x1x512xf32, #tpu.memory_space<vmem>>, vector<1x1x512xf32>
    %get3A_14 = vector.shape_cast %get3A_13 : vector<1x1x512xf32> to vector<1x512xf32>
    %add3A = vector.broadcast %get3A_14 : vector<1x512xf32> to vector<1024x512xf32>
    %add3A_15 = arith.addf %dot_general3A_9, %add3A : vector<1024x512xf32>
    %get3A_16 = arith.constant 0 : index
    %get3A_17 = arith.constant 0 : index
    %get3A_18 = arith.constant 0 : index
    %get3A_19 = vector.load %arg4[%get3A_16, %get3A_17, %get3A_18] : memref<1x1024x512xf32, #tpu.memory_space<vmem>>, vector<1x1024x512xf32>
    %get3A_20 = vector.shape_cast %get3A_19 : vector<1x1024x512xf32> to vector<1024x512xf32>
    %add3A_21 = arith.addf %add3A_15, %get3A_20 : vector<1024x512xf32>
    %get3A_22 = arith.constant 0 : index
    %get3A_23 = arith.constant 0 : index
    %get3A_24 = arith.constant 0 : index
    %get3A_25 = vector.load %arg7[%get3A_22, %get3A_23, %get3A_24] : memref<1x1x512xf32, #tpu.memory_space<vmem>>, vector<1x1x512xf32>
    %get3A_26 = vector.shape_cast %get3A_25 : vector<1x1x512xf32> to vector<1x512xf32>
    %get3A_27 = arith.constant 0 : index
    %get3A_28 = arith.constant 0 : index
    %get3A_29 = arith.constant 0 : index
    %get3A_30 = vector.load %arg8[%get3A_27, %get3A_28, %get3A_29] : memref<1x1x512xf32, #tpu.memory_space<vmem>>, vector<1x1x512xf32>
    %get3A_31 = vector.shape_cast %get3A_30 : vector<1x1x512xf32> to vector<1x512xf32>
    %reduce_sum3A = arith.constant dense<0.000000e+00> : vector<1024xf32>
    %reduce_sum3A_32 = vector.multi_reduction <add>, %add3A_21, %reduce_sum3A [1] : vector<1024x512xf32> to vector<1024xf32>
    %broadcast_in_dim3A = vector.shape_cast %reduce_sum3A_32 : vector<1024xf32> to vector<1024x1xf32>
    %div3A = arith.constant 5.120000e+02 : f32
    %div3A_33 = vector.broadcast %div3A : f32 to vector<1024x1xf32>
    %div3A_34 = arith.divf %broadcast_in_dim3A, %div3A_33 : vector<1024x1xf32>
    %sub3A = vector.broadcast %div3A_34 : vector<1024x1xf32> to vector<1024x512xf32>
    %sub3A_35 = arith.subf %add3A_21, %sub3A : vector<1024x512xf32>
    %mul3A = arith.mulf %sub3A_35, %sub3A_35 : vector<1024x512xf32>
    %reduce_sum3A_36 = arith.constant dense<0.000000e+00> : vector<1024xf32>
    %reduce_sum3A_37 = vector.multi_reduction <add>, %mul3A, %reduce_sum3A_36 [1] : vector<1024x512xf32> to vector<1024xf32>
    %broadcast_in_dim3A_38 = vector.shape_cast %reduce_sum3A_37 : vector<1024xf32> to vector<1024x1xf32>
    %div3A_39 = arith.constant 5.120000e+02 : f32
    %div3A_40 = vector.broadcast %div3A_39 : f32 to vector<1024x1xf32>
    %div3A_41 = arith.divf %broadcast_in_dim3A_38, %div3A_40 : vector<1024x1xf32>
    %add3A_42 = arith.constant 9.99999974E-6 : f32
    %add3A_43 = vector.broadcast %add3A_42 : f32 to vector<1024x1xf32>
    %add3A_44 = arith.addf %div3A_41, %add3A_43 : vector<1024x1xf32>
    %rsqrt3A = math.rsqrt %add3A_44 : vector<1024x1xf32>
    %mul3A_45 = vector.broadcast %rsqrt3A : vector<1024x1xf32> to vector<1024x512xf32>
    %mul3A_46 = arith.mulf %sub3A_35, %mul3A_45 : vector<1024x512xf32>
    %mul3A_47 = vector.broadcast %get3A_26 : vector<1x512xf32> to vector<1024x512xf32>
    %mul3A_48 = arith.mulf %mul3A_46, %mul3A_47 : vector<1024x512xf32>
    %add3A_49 = vector.broadcast %get3A_31 : vector<1x512xf32> to vector<1024x512xf32>
    %add3A_50 = arith.addf %mul3A_48, %add3A_49 : vector<1024x512xf32>
    %convert_element_type3A_51 = arith.truncf %add3A_50 : vector<1024x512xf32> to vector<1024x512xbf16>
    %get3A_52 = arith.constant 0 : index
    %get3A_53 = arith.constant 0 : index
    %get3A_54 = arith.constant 0 : index
    %get3A_55 = vector.load %arg9[%get3A_52, %get3A_53, %get3A_54] : memref<1x512x2048xf32, #tpu.memory_space<vmem>>, vector<1x512x2048xf32>
    %get3A_56 = vector.shape_cast %get3A_55 : vector<1x512x2048xf32> to vector<512x2048xf32>
    %convert_element_type3A_57 = arith.truncf %get3A_56 : vector<512x2048xf32> to vector<512x2048xbf16>
    %dot_general3A_58 = arith.constant dense<0.000000e+00> : vector<1024x2048xf32>
    %dot_general3A_59 = tpu.matmul %convert_element_type3A_51, %convert_element_type3A_57, %dot_general3A_58 {dimension_numbers = #tpu.dot_dimension_numbers<[1], [0], [0], [1], [0, 0, 1, 1], [], []>, transpose_lhs_hint = false} : vector<1024x512xbf16>, vector<512x2048xbf16>, vector<1024x2048xf32> -> vector<1024x2048xf32>
    %get3A_60 = arith.constant 0 : index
    %get3A_61 = arith.constant 0 : index
    %get3A_62 = arith.constant 0 : index
    %get3A_63 = vector.load %arg10[%get3A_60, %get3A_61, %get3A_62] : memref<1x1x2048xf32, #tpu.memory_space<vmem>>, vector<1x1x2048xf32>
    %get3A_64 = vector.shape_cast %get3A_63 : vector<1x1x2048xf32> to vector<1x2048xf32>
    %add3A_65 = vector.broadcast %get3A_64 : vector<1x2048xf32> to vector<1024x2048xf32>
    %add3A_66 = arith.addf %dot_general3A_59, %add3A_65 : vector<1024x2048xf32>
    %mul3A_67 = arith.constant 5.000000e-01 : f32
    %mul3A_68 = vector.broadcast %mul3A_67 : f32 to vector<1024x2048xf32>
    %mul3A_69 = arith.mulf %mul3A_68, %add3A_66 : vector<1024x2048xf32>
    %mul3A_70 = arith.constant 0.707106769 : f32
    %mul3A_71 = vector.broadcast %mul3A_70 : f32 to vector<1024x2048xf32>
    %mul3A_72 = arith.mulf %add3A_66, %mul3A_71 : vector<1024x2048xf32>
    %erf3A = math.erf %mul3A_72 : vector<1024x2048xf32>
    %add3A_73 = arith.constant 1.000000e+00 : f32
    %add3A_74 = vector.broadcast %add3A_73 : f32 to vector<1024x2048xf32>
    %add3A_75 = arith.addf %add3A_74, %erf3A : vector<1024x2048xf32>
    %mul3A_76 = arith.mulf %mul3A_69, %add3A_75 : vector<1024x2048xf32>
    %convert_element_type3A_77 = arith.truncf %mul3A_76 : vector<1024x2048xf32> to vector<1024x2048xbf16>
    %get3A_78 = arith.constant 0 : index
    %get3A_79 = arith.constant 0 : index
    %get3A_80 = arith.constant 0 : index
    %get3A_81 = vector.load %arg11[%get3A_78, %get3A_79, %get3A_80] : memref<1x2048x512xf32, #tpu.memory_space<vmem>>, vector<1x2048x512xf32>
    %get3A_82 = vector.shape_cast %get3A_81 : vector<1x2048x512xf32> to vector<2048x512xf32>
    %convert_element_type3A_83 = arith.truncf %get3A_82 : vector<2048x512xf32> to vector<2048x512xbf16>
    %dot_general3A_84 = arith.constant dense<0.000000e+00> : vector<1024x512xf32>
    %dot_general3A_85 = tpu.matmul %convert_element_type3A_77, %convert_element_type3A_83, %dot_general3A_84 {dimension_numbers = #tpu.dot_dimension_numbers<[1], [0], [0], [1], [0, 0, 1, 1], [], []>, transpose_lhs_hint = false} : vector<1024x2048xbf16>, vector<2048x512xbf16>, vector<1024x512xf32> -> vector<1024x512xf32>
    %get3A_86 = arith.constant 0 : index
    %get3A_87 = arith.constant 0 : index
    %get3A_88 = arith.constant 0 : index
    %get3A_89 = vector.load %arg12[%get3A_86, %get3A_87, %get3A_88] : memref<1x1x512xf32, #tpu.memory_space<vmem>>, vector<1x1x512xf32>
    %get3A_90 = vector.shape_cast %get3A_89 : vector<1x1x512xf32> to vector<1x512xf32>
    %add3A_91 = vector.broadcast %get3A_90 : vector<1x512xf32> to vector<1024x512xf32>
    %add3A_92 = arith.addf %dot_general3A_85, %add3A_91 : vector<1024x512xf32>
    %add3A_93 = arith.addf %add3A_92, %add3A_50 : vector<1024x512xf32>
    %get3A_94 = arith.constant 0 : index
    %get3A_95 = arith.constant 0 : index
    %get3A_96 = arith.constant 0 : index
    %get3A_97 = vector.load %arg7[%get3A_94, %get3A_95, %get3A_96] : memref<1x1x512xf32, #tpu.memory_space<vmem>>, vector<1x1x512xf32>
    %get3A_98 = vector.shape_cast %get3A_97 : vector<1x1x512xf32> to vector<1x512xf32>
    %get3A_99 = arith.constant 0 : index
    %get3A_100 = arith.constant 0 : index
    %get3A_101 = arith.constant 0 : index
    %get3A_102 = vector.load %arg8[%get3A_99, %get3A_100, %get3A_101] : memref<1x1x512xf32, #tpu.memory_space<vmem>>, vector<1x1x512xf32>
    %get3A_103 = vector.shape_cast %get3A_102 : vector<1x1x512xf32> to vector<1x512xf32>
    %reduce_sum3A_104 = arith.constant dense<0.000000e+00> : vector<1024xf32>
    %reduce_sum3A_105 = vector.multi_reduction <add>, %add3A_93, %reduce_sum3A_104 [1] : vector<1024x512xf32> to vector<1024xf32>
    %broadcast_in_dim3A_106 = vector.shape_cast %reduce_sum3A_105 : vector<1024xf32> to vector<1024x1xf32>
    %div3A_107 = arith.constant 5.120000e+02 : f32
    %div3A_108 = vector.broadcast %div3A_107 : f32 to vector<1024x1xf32>
    %div3A_109 = arith.divf %broadcast_in_dim3A_106, %div3A_108 : vector<1024x1xf32>
    %sub3A_110 = vector.broadcast %div3A_109 : vector<1024x1xf32> to vector<1024x512xf32>
    %sub3A_111 = arith.subf %add3A_93, %sub3A_110 : vector<1024x512xf32>
    %mul3A_112 = arith.mulf %sub3A_111, %sub3A_111 : vector<1024x512xf32>
    %reduce_sum3A_113 = arith.constant dense<0.000000e+00> : vector<1024xf32>
    %reduce_sum3A_114 = vector.multi_reduction <add>, %mul3A_112, %reduce_sum3A_113 [1] : vector<1024x512xf32> to vector<1024xf32>
    %broadcast_in_dim3A_115 = vector.shape_cast %reduce_sum3A_114 : vector<1024xf32> to vector<1024x1xf32>
    %div3A_116 = arith.constant 5.120000e+02 : f32
    %div3A_117 = vector.broadcast %div3A_116 : f32 to vector<1024x1xf32>
    %div3A_118 = arith.divf %broadcast_in_dim3A_115, %div3A_117 : vector<1024x1xf32>
    %add3A_119 = arith.constant 9.99999974E-6 : f32
    %add3A_120 = vector.broadcast %add3A_119 : f32 to vector<1024x1xf32>
    %add3A_121 = arith.addf %div3A_118, %add3A_120 : vector<1024x1xf32>
    %rsqrt3A_122 = math.rsqrt %add3A_121 : vector<1024x1xf32>
    %mul3A_123 = vector.broadcast %rsqrt3A_122 : vector<1024x1xf32> to vector<1024x512xf32>
    %mul3A_124 = arith.mulf %sub3A_111, %mul3A_123 : vector<1024x512xf32>
    %mul3A_125 = vector.broadcast %get3A_98 : vector<1x512xf32> to vector<1024x512xf32>
    %mul3A_126 = arith.mulf %mul3A_124, %mul3A_125 : vector<1024x512xf32>
    %add3A_127 = vector.broadcast %get3A_103 : vector<1x512xf32> to vector<1024x512xf32>
    %add3A_128 = arith.addf %mul3A_126, %add3A_127 : vector<1024x512xf32>
    %swap3A = arith.constant 0 : index
    %swap3A_129 = arith.constant 0 : index
    %swap3A_130 = arith.constant 0 : index
    %swap3A_131 = vector.load %arg19[%swap3A, %swap3A_129, %swap3A_130] : memref<1x1024x512xf32, #tpu.memory_space<vmem>>, vector<1x1024x512xf32>
    %swap3A_132 = vector.shape_cast %swap3A_131 : vector<1x1024x512xf32> to vector<1024x512xf32>
    %swap3A_133 = vector.shape_cast %add3A_128 : vector<1024x512xf32> to vector<1x1024x512xf32>
    tpu.vector_store %arg19[%swap3A, %swap3A_129, %swap3A_130], %swap3A_133 {strides = array<i32>} : memref<1x1024x512xf32, #tpu.memory_space<vmem>>, vector<1x1024x512xf32>,
    %convert_element_type3A_134 = arith.truncf %add3A_128 : vector<1024x512xf32> to vector<1024x512xbf16>
    %get3A_135 = arith.constant 3 : index
    %get3A_136 = memref.load %arg2[%get3A_135] : memref<4xf32, #tpu.memory_space<smem>>
    %abs3A = math.absf %get3A_136 : f32
    %mul3A_137 = arith.constant 8.000000e+00 : f32
    %mul3A_138 = arith.mulf %mul3A_137, %abs3A : f32
    %div3A_139 = arith.constant 1.000000e+00 : f32
    %div3A_140 = arith.divf %div3A_139, %mul3A_138 : f32
    %get3A_141 = arith.constant 0 : index
    %get3A_142 = arith.constant 0 : index
    %get3A_143 = arith.constant 0 : index
    %get3A_144 = vector.load %arg13[%get3A_141, %get3A_142, %get3A_143] : memref<1x512x512xf32, #tpu.memory_space<vmem>>, vector<1x512x512xf32>
    %get3A_145 = vector.shape_cast %get3A_144 : vector<1x512x512xf32> to vector<512x512xf32>
    %convert_element_type3A_146 = arith.truncf %get3A_145 : vector<512x512xf32> to vector<512x512xbf16>
    %dot_general3A_147 = arith.constant dense<0.000000e+00> : vector<1024x512xf32>
    %dot_general3A_148 = tpu.matmul %convert_element_type3A_134, %convert_element_type3A_146, %dot_general3A_147 {dimension_numbers = #tpu.dot_dimension_numbers<[1], [0], [0], [1], [0, 0, 1, 1], [], []>, transpose_lhs_hint = false} : vector<1024x512xbf16>, vector<512x512xbf16>, vector<1024x512xf32> -> vector<1024x512xf32>
    %get3A_149 = arith.constant 0 : index
    %get3A_150 = arith.constant 0 : index
    %get3A_151 = arith.constant 0 : index
    %get3A_152 = vector.load %arg16[%get3A_149, %get3A_150, %get3A_151] : memref<1x1x512xf32, #tpu.memory_space<vmem>>, vector<1x1x512xf32>
    %get3A_153 = vector.shape_cast %get3A_152 : vector<1x1x512xf32> to vector<1x512xf32>
    %add3A_154 = vector.broadcast %get3A_153 : vector<1x512xf32> to vector<1024x512xf32>
    %add3A_155 = arith.addf %dot_general3A_148, %add3A_154 : vector<1024x512xf32>
    %mul3A_156 = vector.broadcast %div3A_140 : f32 to vector<1024x512xf32>
    %mul3A_157 = arith.mulf %add3A_155, %mul3A_156 : vector<1024x512xf32>
    %convert_element_type3A_158 = arith.truncf %mul3A_157 : vector<1024x512xf32> to vector<1024x512xbf16>
    %swap3A_159 = arith.constant 0 : index
    %swap3A_160 = arith.constant 0 : index
    %swap3A_161 = arith.constant 0 : index
    %swap3A_162 = vector.load %arg20[%swap3A_159, %swap3A_160, %swap3A_161] : memref<1x1024x1536xbf16, #tpu.memory_space<vmem>>, vector<1x1024x512xbf16>
    %swap3A_163 = vector.shape_cast %swap3A_162 : vector<1x1024x512xbf16> to vector<1024x512xbf16>
    %swap3A_164 = vector.shape_cast %convert_element_type3A_158 : vector<1024x512xbf16> to vector<1x1024x512xbf16>
    tpu.vector_store %arg20[%swap3A_159, %swap3A_160, %swap3A_161], %swap3A_164 {strides = array<i32>} : memref<1x1024x1536xbf16, #tpu.memory_space<vmem>>, vector<1x1024x512xbf16>,
    %get3A_165 = arith.constant 0 : index
    %get3A_166 = arith.constant 0 : index
    %get3A_167 = arith.constant 0 : index
    %get3A_168 = vector.load %arg14[%get3A_165, %get3A_166, %get3A_167] : memref<1x512x512xf32, #tpu.memory_space<vmem>>, vector<1x512x512xf32>
    %get3A_169 = vector.shape_cast %get3A_168 : vector<1x512x512xf32> to vector<512x512xf32>
    %convert_element_type3A_170 = arith.truncf %get3A_169 : vector<512x512xf32> to vector<512x512xbf16>
    %dot_general3A_171 = arith.constant dense<0.000000e+00> : vector<1024x512xf32>
    %dot_general3A_172 = tpu.matmul %convert_element_type3A_134, %convert_element_type3A_170, %dot_general3A_171 {dimension_numbers = #tpu.dot_dimension_numbers<[1], [0], [0], [1], [0, 0, 1, 1], [], []>, transpose_lhs_hint = false} : vector<1024x512xbf16>, vector<512x512xbf16>, vector<1024x512xf32> -> vector<1024x512xf32>
    %get3A_173 = arith.constant 0 : index
    %get3A_174 = arith.constant 0 : index
    %get3A_175 = arith.constant 0 : index
    %get3A_176 = vector.load %arg17[%get3A_173, %get3A_174, %get3A_175] : memref<1x1x512xf32, #tpu.memory_space<vmem>>, vector<1x1x512xf32>
    %get3A_177 = vector.shape_cast %get3A_176 : vector<1x1x512xf32> to vector<1x512xf32>
    %add3A_178 = vector.broadcast %get3A_177 : vector<1x512xf32> to vector<1024x512xf32>
    %add3A_179 = arith.addf %dot_general3A_172, %add3A_178 : vector<1024x512xf32>
    %convert_element_type3A_180 = arith.truncf %add3A_179 : vector<1024x512xf32> to vector<1024x512xbf16>
    %swap3A_181 = arith.constant 0 : index
    %swap3A_182 = arith.constant 0 : index
    %swap3A_183 = arith.constant 512 : index
    %swap3A_184 = vector.load %arg20[%swap3A_181, %swap3A_182, %swap3A_183] : memref<1x1024x1536xbf16, #tpu.memory_space<vmem>>, vector<1x1024x512xbf16>
    %swap3A_185 = vector.shape_cast %swap3A_184 : vector<1x1024x512xbf16> to vector<1024x512xbf16>
    %swap3A_186 = vector.shape_cast %convert_element_type3A_180 : vector<1024x512xbf16> to vector<1x1024x512xbf16>
    tpu.vector_store %arg20[%swap3A_181, %swap3A_182, %swap3A_183], %swap3A_186 {strides = array<i32>} : memref<1x1024x1536xbf16, #tpu.memory_space<vmem>>, vector<1x1024x512xbf16>,
    %get3A_187 = arith.constant 0 : index
    %get3A_188 = arith.constant 0 : index
    %get3A_189 = arith.constant 0 : index
    %get3A_190 = vector.load %arg15[%get3A_187, %get3A_188, %get3A_189] : memref<1x512x512xf32, #tpu.memory_space<vmem>>, vector<1x512x512xf32>
    %get3A_191 = vector.shape_cast %get3A_190 : vector<1x512x512xf32> to vector<512x512xf32>
    %convert_element_type3A_192 = arith.truncf %get3A_191 : vector<512x512xf32> to vector<512x512xbf16>
    %dot_general3A_193 = arith.constant dense<0.000000e+00> : vector<1024x512xf32>
    %dot_general3A_194 = tpu.matmul %convert_element_type3A_134, %convert_element_type3A_192, %dot_general3A_193 {dimension_numbers = #tpu.dot_dimension_numbers<[1], [0], [0], [1], [0, 0, 1, 1], [], []>, transpose_lhs_hint = false} : vector<1024x512xbf16>, vector<512x512xbf16>, vector<1024x512xf32> -> vector<1024x512xf32>
    %get3A_195 = arith.constant 0 : index
    %get3A_196 = arith.constant 0 : index
    %get3A_197 = arith.constant 0 : index
    %get3A_198 = vector.load %arg18[%get3A_195, %get3A_196, %get3A_197] : memref<1x1x512xf32, #tpu.memory_space<vmem>>, vector<1x1x512xf32>
    %get3A_199 = vector.shape_cast %get3A_198 : vector<1x1x512xf32> to vector<1x512xf32>
    %add3A_200 = vector.broadcast %get3A_199 : vector<1x512xf32> to vector<1024x512xf32>
    %add3A_201 = arith.addf %dot_general3A_194, %add3A_200 : vector<1024x512xf32>
    %convert_element_type3A_202 = arith.truncf %add3A_201 : vector<1024x512xf32> to vector<1024x512xbf16>
    %swap3A_203 = arith.constant 0 : index
    %swap3A_204 = arith.constant 0 : index
    %swap3A_205 = arith.constant 1024 : index
    %swap3A_206 = vector.load %arg20[%swap3A_203, %swap3A_204, %swap3A_205] : memref<1x1024x1536xbf16, #tpu.memory_space<vmem>>, vector<1x1024x512xbf16>
    %swap3A_207 = vector.shape_cast %swap3A_206 : vector<1x1024x512xbf16> to vector<1024x512xbf16>
    %swap3A_208 = vector.shape_cast %convert_element_type3A_202 : vector<1024x512xbf16> to vector<1x1024x512xbf16>
    tpu.vector_store %arg20[%swap3A_203, %swap3A_204, %swap3A_205], %swap3A_208 {strides = array<i32>} : memref<1x1024x1536xbf16, #tpu.memory_space<vmem>>, vector<1x1024x512xbf16>,
    return
  }
  func.func @transform_0(%arg0: i32, %arg1: i32) -> i32 {
    %c0_i32 = arith.constant 0 : i32
    %c0_i32_0 = arith.constant 0 : i32
    return %c0_i32 : i32
  }
  func.func @transform_1(%arg0: i32, %arg1: i32) -> (i32, i32, i32) {
    %c0_i32 = arith.constant 0 : i32
    %c0_i32_0 = arith.constant 0 : i32
    return %arg0, %arg1, %c0_i32 : i32, i32, i32
  }
  func.func @transform_2(%arg0: i32, %arg1: i32) -> (i32, i32, i32) {
    %c0_i32 = arith.constant 0 : i32
    %c0_i32_0 = arith.constant 0 : i32
    return %arg0, %arg1, %c0_i32 : i32, i32, i32
  }
  func.func @transform_3(%arg0: i32, %arg1: i32) -> (i32, i32, i32) {
    %c2_i32 = arith.constant 2 : i32
    %c0_i32 = arith.constant 0 : i32
    %c0_i32_0 = arith.constant 0 : i32
    %c0_i32_1 = arith.constant 0 : i32
    return %c2_i32, %c0_i32, %c0_i32_0 : i32, i32, i32
  }
  func.func @transform_4(%arg0: i32, %arg1: i32) -> (i32, i32, i32) {
    %c2_i32 = arith.constant 2 : i32
    %c0_i32 = arith.constant 0 : i32
    %c0_i32_0 = arith.constant 0 : i32
    %c0_i32_1 = arith.constant 0 : i32
    return %c2_i32, %c0_i32, %c0_i32_0 : i32, i32, i32
  }
  func.func @transform_5(%arg0: i32, %arg1: i32) -> (i32, i32, i32) {
    %c2_i32 = arith.constant 2 : i32
    %c0_i32 = arith.constant 0 : i32
    %c0_i32_0 = arith.constant 0 : i32
    %c0_i32_1 = arith.constant 0 : i32
    return %c2_i32, %c0_i32, %c0_i32_0 : i32, i32, i32
  }
  func.func @transform_6(%arg0: i32, %arg1: i32) -> (i32, i32, i32) {
    %c2_i32 = arith.constant 2 : i32
    %c0_i32 = arith.constant 0 : i32
    %c0_i32_0 = arith.constant 0 : i32
    %c0_i32_1 = arith.constant 0 : i32
    return %c2_i32, %c0_i32, %c0_i32_0 : i32, i32, i32
  }
  func.func @transform_7(%arg0: i32, %arg1: i32) -> (i32, i32, i32) {
    %c2_i32 = arith.constant 2 : i32
    %c0_i32 = arith.constant 0 : i32
    %c0_i32_0 = arith.constant 0 : i32
    %c0_i32_1 = arith.constant 0 : i32
    return %c2_i32, %c0_i32, %c0_i32_0 : i32, i32, i32
  }
  func.func @transform_8(%arg0: i32, %arg1: i32) -> (i32, i32, i32) {
    %c2_i32 = arith.constant 2 : i32
    %c0_i32 = arith.constant 0 : i32
    %c0_i32_0 = arith.constant 0 : i32
    %c0_i32_1 = arith.constant 0 : i32
    return %c2_i32, %c0_i32, %c0_i32_0 : i32, i32, i32
  }
  func.func @transform_9(%arg0: i32, %arg1: i32) -> (i32, i32, i32) {
    %c2_i32 = arith.constant 2 : i32
    %c0_i32 = arith.constant 0 : i32
    %c0_i32_0 = arith.constant 0 : i32
    %c0_i32_1 = arith.constant 0 : i32
    return %c2_i32, %c0_i32, %c0_i32_0 : i32, i32, i32
  }
  func.func @transform_10(%arg0: i32, %arg1: i32) -> (i32, i32, i32) {
    %c2_i32 = arith.constant 2 : i32
    %c0_i32 = arith.constant 0 : i32
    %c0_i32_0 = arith.constant 0 : i32
    %c0_i32_1 = arith.constant 0 : i32
    return %c2_i32, %c0_i32, %c0_i32_0 : i32, i32, i32
  }
  func.func @transform_11(%arg0: i32, %arg1: i32) -> (i32, i32, i32) {
    %c3_i32 = arith.constant 3 : i32
    %c0_i32 = arith.constant 0 : i32
    %c0_i32_0 = arith.constant 0 : i32
    %c0_i32_1 = arith.constant 0 : i32
    return %c3_i32, %c0_i32, %c0_i32_0 : i32, i32, i32
  }
  func.func @transform_12(%arg0: i32, %arg1: i32) -> (i32, i32, i32) {
    %c3_i32 = arith.constant 3 : i32
    %c0_i32 = arith.constant 0 : i32
    %c0_i32_0 = arith.constant 0 : i32
    %c0_i32_1 = arith.constant 0 : i32
    return %c3_i32, %c0_i32, %c0_i32_0 : i32, i32, i32
  }
  func.func @transform_13(%arg0: i32, %arg1: i32) -> (i32, i32, i32) {
    %c3_i32 = arith.constant 3 : i32
    %c0_i32 = arith.constant 0 : i32
    %c0_i32_0 = arith.constant 0 : i32
    %c0_i32_1 = arith.constant 0 : i32
    return %c3_i32, %c0_i32, %c0_i32_0 : i32, i32, i32
  }
  func.func @transform_14(%arg0: i32, %arg1: i32) -> (i32, i32, i32) {
    %c3_i32 = arith.constant 3 : i32
    %c0_i32 = arith.constant 0 : i32
    %c0_i32_0 = arith.constant 0 : i32
    %c0_i32_1 = arith.constant 0 : i32
    return %c3_i32, %c0_i32, %c0_i32_0 : i32, i32, i32
  }
  func.func @transform_15(%arg0: i32, %arg1: i32) -> (i32, i32, i32) {
    %c3_i32 = arith.constant 3 : i32
    %c0_i32 = arith.constant 0 : i32
    %c0_i32_0 = arith.constant 0 : i32
    %c0_i32_1 = arith.constant 0 : i32
    return %c3_i32, %c0_i32, %c0_i32_0 : i32, i32, i32
  }
  func.func @transform_16(%arg0: i32, %arg1: i32) -> (i32, i32, i32) {
    %c3_i32 = arith.constant 3 : i32
    %c0_i32 = arith.constant 0 : i32
    %c0_i32_0 = arith.constant 0 : i32
    %c0_i32_1 = arith.constant 0 : i32
    return %c3_i32, %c0_i32, %c0_i32_0 : i32, i32, i32
  }
  func.func @transform_17(%arg0: i32, %arg1: i32) -> (i32, i32, i32) {
    %c0_i32 = arith.constant 0 : i32
    %c0_i32_0 = arith.constant 0 : i32
    return %arg0, %arg1, %c0_i32 : i32, i32, i32
  }
  func.func @transform_18(%arg0: i32, %arg1: i32) -> (i32, i32, i32) {
    %c0_i32 = arith.constant 0 : i32
    %c0_i32_0 = arith.constant 0 : i32
    return %arg0, %arg1, %c0_i32 : i32, i32, i32
  }
}

module attributes {stable_mosaic.version = 14 : i64} {
  func.func @_ffn_final_body(%arg0: i32, %arg1: i32, %arg2: memref<1x1024x512xbf16, #tpu.memory_space<vmem>>, %arg3: memref<1x1024x512xf32, #tpu.memory_space<vmem>>, %arg4: memref<1x512x512xf32, #tpu.memory_space<vmem>>, %arg5: memref<1x1x512xf32, #tpu.memory_space<vmem>>, %arg6: memref<1x1x512xf32, #tpu.memory_space<vmem>>, %arg7: memref<1x1x512xf32, #tpu.memory_space<vmem>>, %arg8: memref<1x512x2048xf32, #tpu.memory_space<vmem>>, %arg9: memref<1x1x2048xf32, #tpu.memory_space<vmem>>, %arg10: memref<1x2048x512xf32, #tpu.memory_space<vmem>>, %arg11: memref<1x1x512xf32, #tpu.memory_space<vmem>>, %arg12: memref<512x256xf32, #tpu.memory_space<vmem>>, %arg13: memref<1x256xf32, #tpu.memory_space<vmem>>, %arg14: memref<512x256xf32, #tpu.memory_space<vmem>>, %arg15: memref<1x256xf32, #tpu.memory_space<vmem>>, %arg16: memref<1x1024x256xf32, #tpu.memory_space<vmem>>, %arg17: memref<1x1024x256xf32, #tpu.memory_space<vmem>>) attributes {dimension_semantics = [#tpu.dimension_semantics<arbitrary>, #tpu.dimension_semantics<arbitrary>], iteration_bounds = array<i64: 4, 2>, scalar_prefetch = 0 : i64, scratch_operands = 0 : i64, tpu.core_type = #tpu.core_type<tc>, window_params = [{transform_indices = @transform_0, window_bounds = array<i64: 1, 1024, 512>}, {transform_indices = @transform_1, window_bounds = array<i64: 1, 1024, 512>}, {transform_indices = @transform_2, window_bounds = array<i64: 1, 512, 512>}, {transform_indices = @transform_3, window_bounds = array<i64: 1, 1, 512>}, {transform_indices = @transform_4, window_bounds = array<i64: 1, 1, 512>}, {transform_indices = @transform_5, window_bounds = array<i64: 1, 1, 512>}, {transform_indices = @transform_6, window_bounds = array<i64: 1, 512, 2048>}, {transform_indices = @transform_7, window_bounds = array<i64: 1, 1, 2048>}, {transform_indices = @transform_8, window_bounds = array<i64: 1, 2048, 512>}, {transform_indices = @transform_9, window_bounds = array<i64: 1, 1, 512>}, {pipeline_mode = #tpu.pipeline_mode<synchronous>, transform_indices = @transform_10, window_bounds = array<i64: 512, 256>}, {pipeline_mode = #tpu.pipeline_mode<synchronous>, transform_indices = @transform_11, window_bounds = array<i64: 1, 256>}, {pipeline_mode = #tpu.pipeline_mode<synchronous>, transform_indices = @transform_12, window_bounds = array<i64: 512, 256>}, {pipeline_mode = #tpu.pipeline_mode<synchronous>, transform_indices = @transform_13, window_bounds = array<i64: 1, 256>}, {transform_indices = @transform_14, window_bounds = array<i64: 1, 1024, 256>}, {transform_indices = @transform_15, window_bounds = array<i64: 1, 1024, 256>}]} {
    %get3A = arith.constant 0 : index
    %get3A_0 = arith.constant 0 : index
    %get3A_1 = arith.constant 0 : index
    %get3A_2 = vector.load %arg2[%get3A, %get3A_0, %get3A_1] : memref<1x1024x512xbf16, #tpu.memory_space<vmem>>, vector<1x1024x512xbf16>
    %get3A_3 = vector.shape_cast %get3A_2 : vector<1x1024x512xbf16> to vector<1024x512xbf16>
    %get3A_4 = arith.constant 0 : index
    %get3A_5 = arith.constant 0 : index
    %get3A_6 = arith.constant 0 : index
    %get3A_7 = vector.load %arg4[%get3A_4, %get3A_5, %get3A_6] : memref<1x512x512xf32, #tpu.memory_space<vmem>>, vector<1x512x512xf32>
    %get3A_8 = vector.shape_cast %get3A_7 : vector<1x512x512xf32> to vector<512x512xf32>
    %convert_element_type3A = arith.truncf %get3A_8 : vector<512x512xf32> to vector<512x512xbf16>
    %dot_general3A = arith.constant dense<0.000000e+00> : vector<1024x512xf32>
    %dot_general3A_9 = tpu.matmul %get3A_3, %convert_element_type3A, %dot_general3A {dimension_numbers = #tpu.dot_dimension_numbers<[1], [0], [0], [1], [0, 0, 1, 1], [], []>, transpose_lhs_hint = false} : vector<1024x512xbf16>, vector<512x512xbf16>, vector<1024x512xf32> -> vector<1024x512xf32>
    %get3A_10 = arith.constant 0 : index
    %get3A_11 = arith.constant 0 : index
    %get3A_12 = arith.constant 0 : index
    %get3A_13 = vector.load %arg5[%get3A_10, %get3A_11, %get3A_12] : memref<1x1x512xf32, #tpu.memory_space<vmem>>, vector<1x1x512xf32>
    %get3A_14 = vector.shape_cast %get3A_13 : vector<1x1x512xf32> to vector<1x512xf32>
    %add3A = vector.broadcast %get3A_14 : vector<1x512xf32> to vector<1024x512xf32>
    %add3A_15 = arith.addf %dot_general3A_9, %add3A : vector<1024x512xf32>
    %get3A_16 = arith.constant 0 : index
    %get3A_17 = arith.constant 0 : index
    %get3A_18 = arith.constant 0 : index
    %get3A_19 = vector.load %arg3[%get3A_16, %get3A_17, %get3A_18] : memref<1x1024x512xf32, #tpu.memory_space<vmem>>, vector<1x1024x512xf32>
    %get3A_20 = vector.shape_cast %get3A_19 : vector<1x1024x512xf32> to vector<1024x512xf32>
    %add3A_21 = arith.addf %add3A_15, %get3A_20 : vector<1024x512xf32>
    %get3A_22 = arith.constant 0 : index
    %get3A_23 = arith.constant 0 : index
    %get3A_24 = arith.constant 0 : index
    %get3A_25 = vector.load %arg6[%get3A_22, %get3A_23, %get3A_24] : memref<1x1x512xf32, #tpu.memory_space<vmem>>, vector<1x1x512xf32>
    %get3A_26 = vector.shape_cast %get3A_25 : vector<1x1x512xf32> to vector<1x512xf32>
    %get3A_27 = arith.constant 0 : index
    %get3A_28 = arith.constant 0 : index
    %get3A_29 = arith.constant 0 : index
    %get3A_30 = vector.load %arg7[%get3A_27, %get3A_28, %get3A_29] : memref<1x1x512xf32, #tpu.memory_space<vmem>>, vector<1x1x512xf32>
    %get3A_31 = vector.shape_cast %get3A_30 : vector<1x1x512xf32> to vector<1x512xf32>
    %reduce_sum3A = arith.constant dense<0.000000e+00> : vector<1024xf32>
    %reduce_sum3A_32 = vector.multi_reduction <add>, %add3A_21, %reduce_sum3A [1] : vector<1024x512xf32> to vector<1024xf32>
    %broadcast_in_dim3A = vector.shape_cast %reduce_sum3A_32 : vector<1024xf32> to vector<1024x1xf32>
    %div3A = arith.constant 5.120000e+02 : f32
    %div3A_33 = vector.broadcast %div3A : f32 to vector<1024x1xf32>
    %div3A_34 = arith.divf %broadcast_in_dim3A, %div3A_33 : vector<1024x1xf32>
    %sub3A = vector.broadcast %div3A_34 : vector<1024x1xf32> to vector<1024x512xf32>
    %sub3A_35 = arith.subf %add3A_21, %sub3A : vector<1024x512xf32>
    %mul3A = arith.mulf %sub3A_35, %sub3A_35 : vector<1024x512xf32>
    %reduce_sum3A_36 = arith.constant dense<0.000000e+00> : vector<1024xf32>
    %reduce_sum3A_37 = vector.multi_reduction <add>, %mul3A, %reduce_sum3A_36 [1] : vector<1024x512xf32> to vector<1024xf32>
    %broadcast_in_dim3A_38 = vector.shape_cast %reduce_sum3A_37 : vector<1024xf32> to vector<1024x1xf32>
    %div3A_39 = arith.constant 5.120000e+02 : f32
    %div3A_40 = vector.broadcast %div3A_39 : f32 to vector<1024x1xf32>
    %div3A_41 = arith.divf %broadcast_in_dim3A_38, %div3A_40 : vector<1024x1xf32>
    %add3A_42 = arith.constant 9.99999974E-6 : f32
    %add3A_43 = vector.broadcast %add3A_42 : f32 to vector<1024x1xf32>
    %add3A_44 = arith.addf %div3A_41, %add3A_43 : vector<1024x1xf32>
    %rsqrt3A = math.rsqrt %add3A_44 : vector<1024x1xf32>
    %mul3A_45 = vector.broadcast %rsqrt3A : vector<1024x1xf32> to vector<1024x512xf32>
    %mul3A_46 = arith.mulf %sub3A_35, %mul3A_45 : vector<1024x512xf32>
    %mul3A_47 = vector.broadcast %get3A_26 : vector<1x512xf32> to vector<1024x512xf32>
    %mul3A_48 = arith.mulf %mul3A_46, %mul3A_47 : vector<1024x512xf32>
    %add3A_49 = vector.broadcast %get3A_31 : vector<1x512xf32> to vector<1024x512xf32>
    %add3A_50 = arith.addf %mul3A_48, %add3A_49 : vector<1024x512xf32>
    %convert_element_type3A_51 = arith.truncf %add3A_50 : vector<1024x512xf32> to vector<1024x512xbf16>
    %get3A_52 = arith.constant 0 : index
    %get3A_53 = arith.constant 0 : index
    %get3A_54 = arith.constant 0 : index
    %get3A_55 = vector.load %arg8[%get3A_52, %get3A_53, %get3A_54] : memref<1x512x2048xf32, #tpu.memory_space<vmem>>, vector<1x512x2048xf32>
    %get3A_56 = vector.shape_cast %get3A_55 : vector<1x512x2048xf32> to vector<512x2048xf32>
    %convert_element_type3A_57 = arith.truncf %get3A_56 : vector<512x2048xf32> to vector<512x2048xbf16>
    %dot_general3A_58 = arith.constant dense<0.000000e+00> : vector<1024x2048xf32>
    %dot_general3A_59 = tpu.matmul %convert_element_type3A_51, %convert_element_type3A_57, %dot_general3A_58 {dimension_numbers = #tpu.dot_dimension_numbers<[1], [0], [0], [1], [0, 0, 1, 1], [], []>, transpose_lhs_hint = false} : vector<1024x512xbf16>, vector<512x2048xbf16>, vector<1024x2048xf32> -> vector<1024x2048xf32>
    %get3A_60 = arith.constant 0 : index
    %get3A_61 = arith.constant 0 : index
    %get3A_62 = arith.constant 0 : index
    %get3A_63 = vector.load %arg9[%get3A_60, %get3A_61, %get3A_62] : memref<1x1x2048xf32, #tpu.memory_space<vmem>>, vector<1x1x2048xf32>
    %get3A_64 = vector.shape_cast %get3A_63 : vector<1x1x2048xf32> to vector<1x2048xf32>
    %add3A_65 = vector.broadcast %get3A_64 : vector<1x2048xf32> to vector<1024x2048xf32>
    %add3A_66 = arith.addf %dot_general3A_59, %add3A_65 : vector<1024x2048xf32>
    %mul3A_67 = arith.constant 5.000000e-01 : f32
    %mul3A_68 = vector.broadcast %mul3A_67 : f32 to vector<1024x2048xf32>
    %mul3A_69 = arith.mulf %mul3A_68, %add3A_66 : vector<1024x2048xf32>
    %mul3A_70 = arith.constant 0.707106769 : f32
    %mul3A_71 = vector.broadcast %mul3A_70 : f32 to vector<1024x2048xf32>
    %mul3A_72 = arith.mulf %add3A_66, %mul3A_71 : vector<1024x2048xf32>
    %erf3A = math.erf %mul3A_72 : vector<1024x2048xf32>
    %add3A_73 = arith.constant 1.000000e+00 : f32
    %add3A_74 = vector.broadcast %add3A_73 : f32 to vector<1024x2048xf32>
    %add3A_75 = arith.addf %add3A_74, %erf3A : vector<1024x2048xf32>
    %mul3A_76 = arith.mulf %mul3A_69, %add3A_75 : vector<1024x2048xf32>
    %convert_element_type3A_77 = arith.truncf %mul3A_76 : vector<1024x2048xf32> to vector<1024x2048xbf16>
    %get3A_78 = arith.constant 0 : index
    %get3A_79 = arith.constant 0 : index
    %get3A_80 = arith.constant 0 : index
    %get3A_81 = vector.load %arg10[%get3A_78, %get3A_79, %get3A_80] : memref<1x2048x512xf32, #tpu.memory_space<vmem>>, vector<1x2048x512xf32>
    %get3A_82 = vector.shape_cast %get3A_81 : vector<1x2048x512xf32> to vector<2048x512xf32>
    %convert_element_type3A_83 = arith.truncf %get3A_82 : vector<2048x512xf32> to vector<2048x512xbf16>
    %dot_general3A_84 = arith.constant dense<0.000000e+00> : vector<1024x512xf32>
    %dot_general3A_85 = tpu.matmul %convert_element_type3A_77, %convert_element_type3A_83, %dot_general3A_84 {dimension_numbers = #tpu.dot_dimension_numbers<[1], [0], [0], [1], [0, 0, 1, 1], [], []>, transpose_lhs_hint = false} : vector<1024x2048xbf16>, vector<2048x512xbf16>, vector<1024x512xf32> -> vector<1024x512xf32>
    %get3A_86 = arith.constant 0 : index
    %get3A_87 = arith.constant 0 : index
    %get3A_88 = arith.constant 0 : index
    %get3A_89 = vector.load %arg11[%get3A_86, %get3A_87, %get3A_88] : memref<1x1x512xf32, #tpu.memory_space<vmem>>, vector<1x1x512xf32>
    %get3A_90 = vector.shape_cast %get3A_89 : vector<1x1x512xf32> to vector<1x512xf32>
    %add3A_91 = vector.broadcast %get3A_90 : vector<1x512xf32> to vector<1024x512xf32>
    %add3A_92 = arith.addf %dot_general3A_85, %add3A_91 : vector<1024x512xf32>
    %add3A_93 = arith.addf %add3A_92, %add3A_50 : vector<1024x512xf32>
    %get3A_94 = arith.constant 0 : index
    %get3A_95 = arith.constant 0 : index
    %get3A_96 = arith.constant 0 : index
    %get3A_97 = vector.load %arg6[%get3A_94, %get3A_95, %get3A_96] : memref<1x1x512xf32, #tpu.memory_space<vmem>>, vector<1x1x512xf32>
    %get3A_98 = vector.shape_cast %get3A_97 : vector<1x1x512xf32> to vector<1x512xf32>
    %get3A_99 = arith.constant 0 : index
    %get3A_100 = arith.constant 0 : index
    %get3A_101 = arith.constant 0 : index
    %get3A_102 = vector.load %arg7[%get3A_99, %get3A_100, %get3A_101] : memref<1x1x512xf32, #tpu.memory_space<vmem>>, vector<1x1x512xf32>
    %get3A_103 = vector.shape_cast %get3A_102 : vector<1x1x512xf32> to vector<1x512xf32>
    %reduce_sum3A_104 = arith.constant dense<0.000000e+00> : vector<1024xf32>
    %reduce_sum3A_105 = vector.multi_reduction <add>, %add3A_93, %reduce_sum3A_104 [1] : vector<1024x512xf32> to vector<1024xf32>
    %broadcast_in_dim3A_106 = vector.shape_cast %reduce_sum3A_105 : vector<1024xf32> to vector<1024x1xf32>
    %div3A_107 = arith.constant 5.120000e+02 : f32
    %div3A_108 = vector.broadcast %div3A_107 : f32 to vector<1024x1xf32>
    %div3A_109 = arith.divf %broadcast_in_dim3A_106, %div3A_108 : vector<1024x1xf32>
    %sub3A_110 = vector.broadcast %div3A_109 : vector<1024x1xf32> to vector<1024x512xf32>
    %sub3A_111 = arith.subf %add3A_93, %sub3A_110 : vector<1024x512xf32>
    %mul3A_112 = arith.mulf %sub3A_111, %sub3A_111 : vector<1024x512xf32>
    %reduce_sum3A_113 = arith.constant dense<0.000000e+00> : vector<1024xf32>
    %reduce_sum3A_114 = vector.multi_reduction <add>, %mul3A_112, %reduce_sum3A_113 [1] : vector<1024x512xf32> to vector<1024xf32>
    %broadcast_in_dim3A_115 = vector.shape_cast %reduce_sum3A_114 : vector<1024xf32> to vector<1024x1xf32>
    %div3A_116 = arith.constant 5.120000e+02 : f32
    %div3A_117 = vector.broadcast %div3A_116 : f32 to vector<1024x1xf32>
    %div3A_118 = arith.divf %broadcast_in_dim3A_115, %div3A_117 : vector<1024x1xf32>
    %add3A_119 = arith.constant 9.99999974E-6 : f32
    %add3A_120 = vector.broadcast %add3A_119 : f32 to vector<1024x1xf32>
    %add3A_121 = arith.addf %div3A_118, %add3A_120 : vector<1024x1xf32>
    %rsqrt3A_122 = math.rsqrt %add3A_121 : vector<1024x1xf32>
    %mul3A_123 = vector.broadcast %rsqrt3A_122 : vector<1024x1xf32> to vector<1024x512xf32>
    %mul3A_124 = arith.mulf %sub3A_111, %mul3A_123 : vector<1024x512xf32>
    %mul3A_125 = vector.broadcast %get3A_98 : vector<1x512xf32> to vector<1024x512xf32>
    %mul3A_126 = arith.mulf %mul3A_124, %mul3A_125 : vector<1024x512xf32>
    %add3A_127 = vector.broadcast %get3A_103 : vector<1x512xf32> to vector<1024x512xf32>
    %add3A_128 = arith.addf %mul3A_126, %add3A_127 : vector<1024x512xf32>
    %convert_element_type3A_129 = arith.truncf %add3A_128 : vector<1024x512xf32> to vector<1024x512xbf16>
    %get3A_130 = arith.constant 0 : index
    %get3A_131 = arith.constant 0 : index
    %get3A_132 = vector.load %arg12[%get3A_130, %get3A_131] : memref<512x256xf32, #tpu.memory_space<vmem>>, vector<512x256xf32>
    %convert_element_type3A_133 = arith.truncf %get3A_132 : vector<512x256xf32> to vector<512x256xbf16>
    %dot_general3A_134 = arith.constant dense<0.000000e+00> : vector<1024x256xf32>
    %dot_general3A_135 = tpu.matmul %convert_element_type3A_129, %convert_element_type3A_133, %dot_general3A_134 {dimension_numbers = #tpu.dot_dimension_numbers<[1], [0], [0], [1], [0, 0, 1, 1], [], []>, transpose_lhs_hint = false} : vector<1024x512xbf16>, vector<512x256xbf16>, vector<1024x256xf32> -> vector<1024x256xf32>
    %get3A_136 = arith.constant 0 : index
    %get3A_137 = arith.constant 0 : index
    %get3A_138 = vector.load %arg13[%get3A_136, %get3A_137] : memref<1x256xf32, #tpu.memory_space<vmem>>, vector<1x256xf32>
    %add3A_139 = vector.broadcast %get3A_138 : vector<1x256xf32> to vector<1024x256xf32>
    %add3A_140 = arith.addf %dot_general3A_135, %add3A_139 : vector<1024x256xf32>
    %swap3A = arith.constant 0 : index
    %swap3A_141 = arith.constant 0 : index
    %swap3A_142 = arith.constant 0 : index
    %swap3A_143 = vector.load %arg16[%swap3A, %swap3A_141, %swap3A_142] : memref<1x1024x256xf32, #tpu.memory_space<vmem>>, vector<1x1024x256xf32>
    %swap3A_144 = vector.shape_cast %swap3A_143 : vector<1x1024x256xf32> to vector<1024x256xf32>
    %swap3A_145 = vector.shape_cast %add3A_140 : vector<1024x256xf32> to vector<1x1024x256xf32>
    tpu.vector_store %arg16[%swap3A, %swap3A_141, %swap3A_142], %swap3A_145 {strides = array<i32>} : memref<1x1024x256xf32, #tpu.memory_space<vmem>>, vector<1x1024x256xf32>,
    %get3A_146 = arith.constant 0 : index
    %get3A_147 = arith.constant 0 : index
    %get3A_148 = vector.load %arg14[%get3A_146, %get3A_147] : memref<512x256xf32, #tpu.memory_space<vmem>>, vector<512x256xf32>
    %convert_element_type3A_149 = arith.truncf %get3A_148 : vector<512x256xf32> to vector<512x256xbf16>
    %dot_general3A_150 = arith.constant dense<0.000000e+00> : vector<1024x256xf32>
    %dot_general3A_151 = tpu.matmul %convert_element_type3A_129, %convert_element_type3A_149, %dot_general3A_150 {dimension_numbers = #tpu.dot_dimension_numbers<[1], [0], [0], [1], [0, 0, 1, 1], [], []>, transpose_lhs_hint = false} : vector<1024x512xbf16>, vector<512x256xbf16>, vector<1024x256xf32> -> vector<1024x256xf32>
    %get3A_152 = arith.constant 0 : index
    %get3A_153 = arith.constant 0 : index
    %get3A_154 = vector.load %arg15[%get3A_152, %get3A_153] : memref<1x256xf32, #tpu.memory_space<vmem>>, vector<1x256xf32>
    %add3A_155 = vector.broadcast %get3A_154 : vector<1x256xf32> to vector<1024x256xf32>
    %add3A_156 = arith.addf %dot_general3A_151, %add3A_155 : vector<1024x256xf32>
    %swap3A_157 = arith.constant 0 : index
    %swap3A_158 = arith.constant 0 : index
    %swap3A_159 = arith.constant 0 : index
    %swap3A_160 = vector.load %arg17[%swap3A_157, %swap3A_158, %swap3A_159] : memref<1x1024x256xf32, #tpu.memory_space<vmem>>, vector<1x1024x256xf32>
    %swap3A_161 = vector.shape_cast %swap3A_160 : vector<1x1024x256xf32> to vector<1024x256xf32>
    %swap3A_162 = vector.shape_cast %add3A_156 : vector<1024x256xf32> to vector<1x1024x256xf32>
    tpu.vector_store %arg17[%swap3A_157, %swap3A_158, %swap3A_159], %swap3A_162 {strides = array<i32>} : memref<1x1024x256xf32, #tpu.memory_space<vmem>>, vector<1x1024x256xf32>,
    return
  }
  func.func @transform_0(%arg0: i32, %arg1: i32) -> (i32, i32, i32) {
    %c0_i32 = arith.constant 0 : i32
    %c0_i32_0 = arith.constant 0 : i32
    return %arg0, %arg1, %c0_i32 : i32, i32, i32
  }
  func.func @transform_1(%arg0: i32, %arg1: i32) -> (i32, i32, i32) {
    %c0_i32 = arith.constant 0 : i32
    %c0_i32_0 = arith.constant 0 : i32
    return %arg0, %arg1, %c0_i32 : i32, i32, i32
  }
  func.func @transform_2(%arg0: i32, %arg1: i32) -> (i32, i32, i32) {
    %c3_i32 = arith.constant 3 : i32
    %c0_i32 = arith.constant 0 : i32
    %c0_i32_0 = arith.constant 0 : i32
    %c0_i32_1 = arith.constant 0 : i32
    return %c3_i32, %c0_i32, %c0_i32_0 : i32, i32, i32
  }
  func.func @transform_3(%arg0: i32, %arg1: i32) -> (i32, i32, i32) {
    %c3_i32 = arith.constant 3 : i32
    %c0_i32 = arith.constant 0 : i32
    %c0_i32_0 = arith.constant 0 : i32
    %c0_i32_1 = arith.constant 0 : i32
    return %c3_i32, %c0_i32, %c0_i32_0 : i32, i32, i32
  }
  func.func @transform_4(%arg0: i32, %arg1: i32) -> (i32, i32, i32) {
    %c3_i32 = arith.constant 3 : i32
    %c0_i32 = arith.constant 0 : i32
    %c0_i32_0 = arith.constant 0 : i32
    %c0_i32_1 = arith.constant 0 : i32
    return %c3_i32, %c0_i32, %c0_i32_0 : i32, i32, i32
  }
  func.func @transform_5(%arg0: i32, %arg1: i32) -> (i32, i32, i32) {
    %c3_i32 = arith.constant 3 : i32
    %c0_i32 = arith.constant 0 : i32
    %c0_i32_0 = arith.constant 0 : i32
    %c0_i32_1 = arith.constant 0 : i32
    return %c3_i32, %c0_i32, %c0_i32_0 : i32, i32, i32
  }
  func.func @transform_6(%arg0: i32, %arg1: i32) -> (i32, i32, i32) {
    %c3_i32 = arith.constant 3 : i32
    %c0_i32 = arith.constant 0 : i32
    %c0_i32_0 = arith.constant 0 : i32
    %c0_i32_1 = arith.constant 0 : i32
    return %c3_i32, %c0_i32, %c0_i32_0 : i32, i32, i32
  }
  func.func @transform_7(%arg0: i32, %arg1: i32) -> (i32, i32, i32) {
    %c3_i32 = arith.constant 3 : i32
    %c0_i32 = arith.constant 0 : i32
    %c0_i32_0 = arith.constant 0 : i32
    %c0_i32_1 = arith.constant 0 : i32
    return %c3_i32, %c0_i32, %c0_i32_0 : i32, i32, i32
  }
  func.func @transform_8(%arg0: i32, %arg1: i32) -> (i32, i32, i32) {
    %c3_i32 = arith.constant 3 : i32
    %c0_i32 = arith.constant 0 : i32
    %c0_i32_0 = arith.constant 0 : i32
    %c0_i32_1 = arith.constant 0 : i32
    return %c3_i32, %c0_i32, %c0_i32_0 : i32, i32, i32
  }
  func.func @transform_9(%arg0: i32, %arg1: i32) -> (i32, i32, i32) {
    %c3_i32 = arith.constant 3 : i32
    %c0_i32 = arith.constant 0 : i32
    %c0_i32_0 = arith.constant 0 : i32
    %c0_i32_1 = arith.constant 0 : i32
    return %c3_i32, %c0_i32, %c0_i32_0 : i32, i32, i32
  }
  func.func @transform_10(%arg0: i32, %arg1: i32) -> (i32, i32) {
    %c0_i32 = arith.constant 0 : i32
    %c0_i32_0 = arith.constant 0 : i32
    %c0_i32_1 = arith.constant 0 : i32
    return %c0_i32, %c0_i32_0 : i32, i32
  }
  func.func @transform_11(%arg0: i32, %arg1: i32) -> (i32, i32) {
    %c0_i32 = arith.constant 0 : i32
    %c0_i32_0 = arith.constant 0 : i32
    %c0_i32_1 = arith.constant 0 : i32
    return %c0_i32, %c0_i32_0 : i32, i32
  }
  func.func @transform_12(%arg0: i32, %arg1: i32) -> (i32, i32) {
    %c0_i32 = arith.constant 0 : i32
    %c0_i32_0 = arith.constant 0 : i32
    %c0_i32_1 = arith.constant 0 : i32
    return %c0_i32, %c0_i32_0 : i32, i32
  }
  func.func @transform_13(%arg0: i32, %arg1: i32) -> (i32, i32) {
    %c0_i32 = arith.constant 0 : i32
    %c0_i32_0 = arith.constant 0 : i32
    %c0_i32_1 = arith.constant 0 : i32
    return %c0_i32, %c0_i32_0 : i32, i32
  }
  func.func @transform_14(%arg0: i32, %arg1: i32) -> (i32, i32, i32) {
    %c0_i32 = arith.constant 0 : i32
    %c0_i32_0 = arith.constant 0 : i32
    return %arg0, %arg1, %c0_i32 : i32, i32, i32
  }
  func.func @transform_15(%arg0: i32, %arg1: i32) -> (i32, i32, i32) {
    %c0_i32 = arith.constant 0 : i32
    %c0_i32_0 = arith.constant 0 : i32
    return %arg0, %arg1, %c0_i32 : i32, i32, i32
  }
}

</mosaic_0001>

<sc_bundles>
// kernel: gather_offload_async_start.1
scs
__scs_entry_jumppad:
0x0: {  	(pc) =	sbr.rel $0x88, $3  }
0x1: {  	(tag) =	ssettag $0x0;
	lr =	simm.s32 $0x1  }
0x2: {  	[smem:$0x3F8B] =	sst lr;
	_ =	strace $0xD0000000  }
0x3: {  	_ = 	snop  }
0x4: {  	_ = 	snop  }
0x5: {  	_ = 	snop  }
0x6: {  	_ = 	snop  }
0x7: {  	_ = 	snop  }
__scs_overlays_trampoline_lowered:
0x8: {  	[smem:$0x3F9A] =	sst s0  }
0x9: {  	[smem:$0x3F9B] =	sst s1  }
0xa: {  	[smem:$0x3F9C] =	sst s2  }
0xb: {  	[smem:$0x3F9D] =	sst s3  }
0xc: {  	[smem:$0x3F9E] =	sst s4  }
0xd: {  	[smem:$0x3F9F] =	sst s5  }
0xe: {  	[smem:$0x3FA0] =	sst s6  }
0xf: {  	[smem:$0x3FA1] =	sst s7  }
0x10: {  	[smem:$0x3FA2] =	sst s8  }
0x11: {  	[smem:$0x3FA3] =	sst s9;
	s0 =	simm.s32 @!p0 $0x0  }
0x12: {  	s1 =	sld [smem:$0x3F89];
	s0 =	simm.s32 @p0 $0x1  }
0x13: {  	[smem:$0x3FA4] =	sst s0;
	s0 =	simm.s32 @!p1 $0x0  }
0x14: {  	s2 =	sld [smem:$0x3F88];
	s0 =	simm.s32 @p1 $0x1  }
0x15: {  	[smem:$0x3FA5] =	sst s0;
	s0 =	simm.s32 @!p2 $0x0  }
0x16: {  	s3 =	sld [smem:$0x3FDB];
	s0 =	simm.s32 @p2 $0x1  }
0x17: {  	s4 =	simm.s32 $0x1BF5;
	[smem:$0x3FA7] =	sst s0  }
0x18: {  	s0 =	sld [smem:$0x3F8A];
	_ =	swait.ge [sflag:s4], $0x0  }
0x19: {  	s7 =	sld [smem:$0x3F8B]  }
0x1a: {  	s8 =	sadd.s32 $0xFFFFE003, lr  }
0x1b: {  	s9 =	sadd.s32 $0xFFFFFEF7, lr;
	s5 =	simm.s32 $0xFFFFFFFF;
	p2 =	slt.u32 s8, $0xFFFFF086  }
0x1c: {  	p1 =	slt.u32 s9, $0xF7A;
	s5 =	simm.s32 @!p2 $0x0  }
0x1d: {  	s5 =	simm.s32 @p1 $0x1;
	p0 =	seq.s32 s7, s2  }
0x1e: {  	s7 =	smul.u32 @!p0 $0xF7A, s2;
	p2 =	seq.s32 @!p0 s5, $0x0  }
0x1f: {  	s9 =	smul.u32 $0xF7A, s1;
	s8 =	simm.s32 @!p0 $0x1BF5;
	p2 =	por !p2, p0  }
0x20: {  	[sflag:s8] =	ssyncset.s32 @!p0 $0xFFFFF086;
	s6 =	sadd.s32 @!p0 s3, s7;
	s7 =	simm.s32 @!p0 $0x108  }
0x21: {  	s3 =	sadd.s32 s3, s9;
	s6 =	sadd.s32 @!p0 $0x88, s6;
	s7 =	simm.s32 @p2 $0x1082  }
0x22: {  	[simem:s7], [sflag:s8] =	dma.local @!p0 [hbm:s6], $0xF7A  }
0x23: {  	s9 =	sor.u32 $0xD0000000, s2;
	s6 =	simm.s32 $0x108;
	_ =	swait.ge @!p0 [sflag:s8], $0x0  }
0x24: {  	s3 =	sadd.s32 $0x88, s3;
	s6 =	simm.s32 @!p1 $0x1082;
	[sflag:s4] =	ssyncset.s32 $0xFFFFF086  }
0x25: {  	[simem:s6], [sflag:s4] =	dma.local [hbm:s3], $0xF7A  }
0x26: {  	[smem:$0x3F8B] =	sst s1;
	(tag) =	ssettag s2;
	_ =	strace s9  }
0x27: {  	s1 =	sld [smem:$0x3F9B]  }
0x28: {  	s2 =	sld [smem:$0x3F9C]  }
0x29: {  	s4 =	sld [smem:$0x3F9E]  }
0x2a: {  	p0 =	seq.s32 s5, $0x0;
	s5 =	sld [smem:$0x3F9F]  }
0x2b: {  	s6 =	sld [smem:$0x3FA0]  }
0x2c: {  	s7 =	sld [smem:$0x3FA1]  }
0x2d: {  	s3 =	simm.s32 $0x108;
	s8 =	sld [smem:$0x3FA2]  }
0x2e: {  	s3 =	simm.s32 @!p0 $0x1082;
	s9 =	sld [smem:$0x3FA3]  }
0x2f: {  	lr =	sadd.s32 s0, s3;
	s0 =	sld [smem:$0x3F9A]  }
0x30: {  	s3 =	sld [smem:$0x3F9D]  }
0x31: {  	[smem:$0x3FA6] =	sst s10  }
0x32: {  	s10 =	sld [smem:$0x3FA4];
	_ =	sdelay $0x3  }
0x33: {  	p0 =	seq.s32 s10, $0x1;
	s10 =	sld [smem:$0x3FA6];
	_ =	sdelay $0x3  }
0x34: {  	[smem:$0x3FA6] =	sst s10  }
0x35: {  	s10 =	sld [smem:$0x3FA5];
	_ =	sdelay $0x3  }
0x36: {  	p1 =	seq.s32 s10, $0x1;
	s10 =	sld [smem:$0x3FA6];
	_ =	sdelay $0x3  }
0x37: {  	[smem:$0x3FA6] =	sst s10  }
0x38: {  	s10 =	sld [smem:$0x3FA7]  }
0x39: {  	_ = 	snop;
	(pc) =	sbr.ind lr, $3  }
0x3a: {  	_ = 	snop  }
0x3b: {  	_ = 	snop  }
0x3c: {  	p2 =	seq.s32 s10, $0x1;
	s10 =	sld [smem:$0x3FA6]  }
0x3d: {  	_ =	shalt  }
0x3e: {  	_ =	shalt  }
0x3f: {  	_ =	shalt  }
0x40: {  	_ =	shalt  }
0x41: {  	_ =	shalt  }
0x42: {  	_ =	shalt  }
0x43: {  	_ =	shalt  }
0x44: {  	_ =	shalt  }
0x45: {  	_ =	shalt  }
0x46: {  	_ =	shalt  }
0x47: {  	_ =	shalt  }
0x48: {  	_ =	shalt  }
0x49: {  	_ =	shalt  }
0x4a: {  	_ =	shalt  }
0x4b: {  	_ =	shalt  }
0x4c: {  	_ =	shalt  }
0x4d: {  	_ =	shalt  }
0x4e: {  	_ =	shalt  }
0x4f: {  	_ =	shalt  }
0x50: {  	_ =	shalt  }
0x51: {  	_ =	shalt  }
0x52: {  	_ =	shalt  }
0x53: {  	_ =	shalt  }
0x54: {  	_ =	shalt  }
0x55: {  	_ =	shalt  }
0x56: {  	_ =	shalt  }
0x57: {  	_ =	shalt  }
0x58: {  	_ =	shalt  }
0x59: {  	_ =	shalt  }
0x5a: {  	_ =	shalt  }
0x5b: {  	_ =	shalt  }
0x5c: {  	_ =	shalt  }
0x5d: {  	_ =	shalt  }
0x5e: {  	_ =	shalt  }
0x5f: {  	_ =	shalt  }
0x60: {  	_ =	shalt  }
0x61: {  	_ =	shalt  }
0x62: {  	_ =	shalt  }
0x63: {  	_ =	shalt  }
0x64: {  	_ =	shalt  }
0x65: {  	_ =	shalt  }
0x66: {  	_ =	shalt  }
0x67: {  	_ =	shalt  }
0x68: {  	_ =	shalt  }
0x69: {  	_ =	shalt  }
0x6a: {  	_ =	shalt  }
0x6b: {  	_ =	shalt  }
0x6c: {  	_ =	shalt  }
0x6d: {  	_ =	shalt  }
0x6e: {  	_ =	shalt  }
0x6f: {  	_ =	shalt  }
0x70: {  	_ =	shalt  }
0x71: {  	_ =	shalt  }
0x72: {  	_ =	shalt  }
0x73: {  	_ =	shalt  }
0x74: {  	_ =	shalt  }
0x75: {  	_ =	shalt  }
0x76: {  	_ =	shalt  }
0x77: {  	_ =	shalt  }
0x78: {  	_ =	shalt  }
0x79: {  	_ =	shalt  }
0x7a: {  	_ =	shalt  }
0x7b: {  	_ =	shalt  }
0x7c: {  	_ =	shalt  }
0x7d: {  	_ =	shalt  }
0x7e: {  	_ =	shalt  }
0x7f: {  	_ =	shalt  }
0x80: {  	_ =	shalt  }
0x81: {  	_ =	shalt  }
0x82: {  	_ =	shalt  }
0x83: {  	_ =	shalt  }
0x84: {  	_ =	shalt  }
0x85: {  	_ =	shalt  }
0x86: {  	_ =	shalt  }
0x87: {  	_ =	shalt  }
.Lfunc_end0:
.L_simem_size_0:
called_computation.1_lowered:
.L_overlay_start_0:
0x88: {  	s2 =	sld [smem:$0x3FD9]  }
0x89: {  	s3 =	sld [smem:$0x3FFE];
	_ =	sdelay $0x1  }
0x8a: {  	s1 =	srdreg.scid  }
0x8b: {  	s0 =	sand.u32 $0x1, s1  }
0x8c: {  	s14 =	sshll.u32 s0, $0xA;
	s2 =	sadd.s32 s3, s2  }
0x8d: {  	s2 =	sadd.s32 s2, s14  }
0x8e: {  	[smem:$0x3FB2] =	sst s2  }
0x8f: {  	_ = 	snop  }
0x90: {  	s2 =	sld [smem:$0x3FD0];
	_ =	sdelay $0x2  }
0x91: {  	s15 =	simm.s32 $0xB;
	s4 =	simm.s32 $0x10  }
0x92: {  	[smem:s4], [sflag:s15] =	dma.local [hbm:s2], $0x1  }
0x93: {  	_ =	swait.eq [sflag:s15], $0x1  }
0x94: {  	[sflag:s15] =	ssyncset.done $0x0  }
0x95: {  	[sflag:s15] =	ssyncadd.s32 $0xFFFFFFFF  }
0x96: {  	s16 =	sld [smem:$0x11];
	(tm) =	ssettm $0x1  }
0x97: {  	s17 =	sld [smem:$0x3FFB];
	_ =	sdelay $0x3  }
0x98: {  	_ =	strace s17  }
0x99: {  	s3 =	sld [smem:$0x3FFC];
	_ =	sdelay $0x3  }
0x9a: {  	_ =	strace s3  }
0x9b: {  	s3 =	sld [smem:$0x3FFD];
	_ =	sdelay $0x3  }
0x9c: {  	_ =	strace s3  }
0x9d: {  	_ =	strace $0x8FFFFFFF  }
0x9e: {  	s18 =	sld [smem:$0x3FDB];
	_ =	sdelay $0x1  }
0x9f: {  	s19 =	simm.s32 $_scs_section_size  }
0xa0: {  	s5 =	simm.s32 $_size__tile_overlayer_lowered;
	s6 =	simm.s32 $_tile_overlayer_lowered  }
0xa1: {  	s22 =	simm.s32 $0x1BFF;
	s21 =	sshll.u32 s6, $0x1;
	s3 =	sadd.s32 s19, s18  }
0xa2: {  	s7 =	simm.s32 $0x0;
	s20 =	sshll.u32 s5, $0x1;
	s5 =	sadd.s32 s21, s3  }
0xa3: {  	[timem:s7], [sflag:s22] =	dma.local [hbm:s5], s20  }
0xa4: {  	_ =	swait.ge [sflag:s22], s20  }
0xa5: {  	s4 =	ssub.s32 $0x0, s20;
	[sflag:s22] =	ssyncset.done $0x0  }
0xa6: {  	[sflag:s22] =	ssyncadd.s32 s4;
	_ =	sdelay $0x1  }
0xa7: {  	s23 =	simm.s32 $0x1B8B  }
0xa8: {  	_ =	swait.ge [sflag:s23], $0x1  }
0xa9: {  	[sflag:s23] =	ssyncset.done $0x0  }
0xaa: {  	s25 =	simm.s32 $0x1B8E;
	s24 =	sld [smem:$0x3FFE];
	[sflag:s23] =	ssyncadd.s32 $0xFFFFFFFF  }
0xab: {  	s26 =	simm.s32 $execute0_lowered;
	[smem:$0x3FD2] =	sst s25  }
0xac: {  	s5 =	sshll.u32 s26, $0x1;
	_ =	strace $0x80000049;
	[dreg:$0x1] =	wrdreg $0xFFFFFFFF  }
0xad: {  	s28 =	simm.s32 $_size_execute0_lowered;
	s3 =	sadd.s32 s3, s5;
	[dreg:$0x0] =	wrdreg $0x0  }
0xae: {  	s5 =	sshll.u32 s28, $0x1;
	[dreg:$0x2] =	wrdreg s3  }
0xaf: {  	[dreg:$0x3] =	wrdreg s5  }
0xb0: {  	[dreg:$0x4] =	wrdreg $0xC0  }
0xb1: {  	_ =	task [dreg:s7], $0x5FFFF  }
0xb2: {  	[dreg:$0x1] =	wrdreg $0xFFFFFFFF  }
0xb3: {  	[dreg:$0x0] =	wrdreg $0x60  }
0xb4: {  	[dreg:$0x2] =	wrdreg s16  }
0xb5: {  	[dreg:$0x3] =	wrdreg s24  }
0xb6: {  	[dreg:$0x4] =	wrdreg $0x9  }
0xb7: {  	_ =	task.clear_ibuf [dreg:s7], $0x5FFFF;
	_ =	strace $0x90000049  }
0xb8: {  	s29 =	simm.s32 $0x9;
	_ =	strace $0x8000004B  }
0xb9: {  	_ =	swait.ge [sflag:s29], $0x1  }
0xba: {  	[sflag:s29] =	ssyncadd.s32 $0xFFFFFFFF  }
0xbb: {  	_ =	strace $0x9000004B  }
0xbc: {  	_ =	sfence  }
0xbd: {  	s30 =	sld [smem:$0x0];
	_ =	sdelay $0x2  }
0xbe: {  	s31 =	sshll.u32 s1, $0xD;
	s1 =	sshrl.u32 s1, $0x2  }
0xbf: {  	s3 =	sand.u32 $0x4000, s31;
	s1 =	sadd.s32 s1, s30  }
0xc0: {  	s0 =	sor.u32 s3, s0;
	s1 =	sshll.u32 s1, $0x11  }
0xc1: {  	s0 =	sor.u32 s1, s0  }
0xc2: {  	s0 =	sadd.s32 $0x8F2B, s0  }
0xc3: {  	[sflag:s0] =	ssyncadd.remote.s32 $0x1  }
0xc4: {  	_ =	sfence.sel $0xFFFF  }
0xc5: {  	[dreg:$0x0] =	wrdreg $0xFFFFFFFF;
	(pc) =	sbr.abs _section_cstart, $3  }
0xc6: {  	[dreg:$0x1] =	wrdreg $0xFFFFFFFF  }
0xc7: {  	_ =	task.clear_ibuf [dreg:s7], $0x2FFFF;
	_ =	strace $0x9FFFFFFF  }
0xc8: {  	(tm) =	ssettm $0x7FFFFFFF  }
0xc9: {  	_ =	shalt  }
tec
execute0_lowered:
.L_overlay_start_1:
0x0: {  	(tag) =	ssettag $0x1  }
0x1: {  	s2 =	rddreg [dreg:$0x0]  }
0x2: {  	s7 =	rddreg [dreg:$0x1]  }
0x3: {  	s0 =	rddreg [dreg:$0x2]  }
0x4: {  	s1 =	srdreg.scid;
	_ =	strace $0x8000004A;
	s4 =	simm.s32 $0x1  }
0x5: {  	s9 =	simm.s32 $0x3;
	s11 =	simm.s32 $0x0;
	s5 =	sshll.u32 s1, $0x4  }
.Ltmp0:
0x6: {  	s1 =	stileid.u32;
	s5 =	sand.u32 $0x10, s5;
	(pc) =	sbr.rel .LBB2_1-.Ltmp0, $4  }
0x7: {  	p0 =	por $0x0, $0x0;
	s3 =	sadd.s32 $0x3E00, s7;
	s6 =	sor.u32 s1, s5  }
0x8: {  	[sflag:s4] =	ssyncpa.u1 $0x0;
	s5 =	simm.s32 $0x2;
	s6 =	sshll.u32 s6, $0x6  }
0x9: {  	s7 =	sadd.s32 $0x44000, s7;
	[sflag:s5] =	ssyncpa.u1 $0x0;
	s8 =	sadd.s32 $0x40, s6  }
0xa: {  	vm0 =	vmmov $0xffff;
	[sflag:s9] =	ssyncpa.u1 $0x0;
	s10 =	smov.u32 s6;
	s9 =	simm.s32 $0x0  }
.LBB2_8:
0xb: {  	p1 =	slt.u32 s9, $0x2;
	s11 =	sadd.s32 $0x20, s10  }
0xc: {  	s13 =	smov.u32 s6;
	s9 =	sadd.s32 $0x1, s9;
	p2 =	slt.s32 s11, s8  }
0xd: {  	s13 =	smov.u32 @p2 s11;
	p2 =	sne.s32 s9, $0x4  }
.Ltmp1:
0xe: {  	_ = 	snop;
	(pc) =	sbr.rel @!p2 .LBB2_9-.Ltmp1, $4  }
0xf: {  	s12 =	simm.s32 @!p1 $0x3  }
0x10: {  	_ =	swait.ge @!p1 [sflag:s12], $0x8000  }
0x11: {  	p0 =	por !p0, !p0;
	[sflag:s12] =	ssyncset.done @!p1 $0x0  }
0x12: {  	s11 =	smov.u32 s10;
	s10 =	smov.u32 s13;
	[sflag:s12] =	ssyncadd.s32 @!p1 $0xFFFF8000  }
.LBB2_1:
0x13: {  	p1 =	sgt.u32 s9, $0x1  }
0x14: {  	s12 =	sshll.u32 @!p1 s9, $0x5;
	s13 =	sshrl.u32 @!p1 s10, $0x3  }
0x15: {  	s14 =	sand.u32 @!p1 $0x7, s10;
	s12 =	sxor.u32 @!p1 $0x20, s12;
	s13 =	sadd.s32 @!p1 s3, s13  }
0x16: {  	[tilespmem:s12], [sflag:$0x2] =	stream.linear.gather @!p1 [hbm4b:s13+s14], $0x20, $0x38;
	[tilespmem:$0x10040] =	vst v63  }
0x17: {  	p1 =	seq.s32 s9, $0x0  }
0x18: {  	p2 =	seq.s32 @!p1 s9, $0x3  }
0x19: {  	p1 =	por p1, p2  }
.Ltmp2:
0x1a: {  	_ = 	snop;
	(pc) =	sbr.rel @p1 .LBB2_8-.Ltmp2, $1  }
0x1b: {  	_ =	sdelay $0x3  }
0x1c: {  	s12 =	simm.s32 $0x1;
	_ =	swait.ge [sflag:s5], $0x20;
	s14 =	sand.u32 $0x1, s9  }
0x1d: {  	s15 =	simm.s32 $0x0;
	p1 =	por $0x1, $0x1;
	s12 =	simm.s32 @!p0 $0x0  }
0x1e: {  	[sflag:s5] =	ssyncset.done $0x0;
	s13 =	sshll.u32 s14, $0x5;
	s14 =	sshll.u32 s14, $0xF  }
0x1f: {  	s12 =	sshll.u32 s12, $0x11;
	[sflag:s5] =	ssyncadd.s32 $0xFFFFFFE0;
	s14 =	sor.u32 $0x40, s14  }
.LBB2_3:
0x20: {  	s16 =	sshll.u32 s15, $0x4  }
0x21: {  	s16 =	sand.u32 $0x3FFFFFF0, s16  }
0x22: {  	s16 =	sadd.s32 s16, s13  }
0x23: {  	v0 =	vld.msk [tilespmem:s16+$0x0 ss:$0x1], $0xffff;
	_ =	sdelay $0x4  }
0x24: {  	vm1 =	vgt.s32 v0, $0x0  }
0x25: {  	v0 =	vnsel vm1, $0x0, v0  }
0x26: {  	v0 =	vmin.u32 v0, $0x7FF  }
0x27: {  	v0 =	vshll.u32 v0, $0x7;
	_ =	sdelay $0x1  }
0x28: {  	s31 =	sshll.u32 s15, $0xD;
	v1 =	vor.u32 $0x40, v0  }
0x29: {  	p2 =	por p1, p1;
	s15 =	sand.u32 $0x3FFFE000, s31  }
.Ltmp3:
0x2a: {  	s15 =	sadd.s32 s15, s14;
	(pc) =	sbr.rel @p2 .LBB2_3-.Ltmp3, $4  }
0x2b: {  	[tilespmem:s15], [sflag:$0x1] =	stream.indirect_vreg.gather [hbm:s2], $0x200, v0, vm0, $0x38;
	[tilespmem:$0x10040] =	vst v63  }
0x2c: {  	s15 =	sadd.s32 $0x4000, s15  }
0x2d: {  	[tilespmem:s15], [sflag:$0x1] =	stream.indirect_vreg.gather [hbm:s2], $0x200, v1, vm0, $0x38;
	[tilespmem:$0x10040] =	vst v63  }
0x2e: {  	p1 =	por $0x0, $0x0;
	s15 =	simm.s32 $0x1  }
0x2f: {  	_ =	swait.ge [sflag:s4], $0x8000;
	s12 =	sshrl.u32 s12, $0x2;
	s11 =	sshll.u32 s11, $0x7  }
0x30: {  	s13 =	simm.s32 $0x0;
	p2 =	por $0x1, $0x1;
	[sflag:s4] =	ssyncset.done $0x0  }
0x31: {  	s12 =	sadd.s32 $0x40, s12;
	s11 =	sadd.s32 s11, s7;
	[sflag:s4] =	ssyncadd.s32 $0xFFFF8000  }
.LBB2_5:
0x32: {  	s14 =	sshll.u32 s13, $0x10  }
0x33: {  	s15 =	sshll.u32 s13, $0x6;
	s31 =	sshra.s32 s14, $0x2  }
0x34: {  	p1 =	por p2, p2;
	s14 =	sadd.s32 s15, s11;
	s13 =	sadd.s32 s31, s12  }
0x35: {  	s15 =	simm.s32 $0x80;
	s17 =	sadd.s32 $0x0, s14;
	s16 =	sadd.s32 $0x200, s13  }
.LBB2_6:
0x36: {  	[hbm:s17] =	stream.linear.scatter [tilespmem:s13], [sflag:$0x3], $0x200, $0x38;
	[tilespmem:$0x10040] =	vst v63  }
0x37: {  	s17 =	smov.u32 s15;
	s13 =	smov.u32 s16;
	p2 =	sne.s32 s15, $0xF80  }
.Ltmp4:
0x38: {  	s15 =	sadd.s32 $0x80, s15;
	(pc) =	sbr.rel @p2 .LBB2_6-.Ltmp4, $2  }
0x39: {  	_ =	sdelay $0x2  }
0x3a: {  	s16 =	sadd.s32 $0x200, s16;
	s17 =	sadd.s32 s17, s14  }
.Ltmp5:
0x3b: {  	(pc) =	sbr.rel @p1 .LBB2_5-.Ltmp5, $4  }
.Ltmp6:
0x3c: {  	(pc) =	sbr.rel @!p1 .LBB2_8-.Ltmp6, $4  }
0x3d: {  	_ = 	snop  }
0x3e: {  	[hbm:s17] =	stream.linear.scatter [tilespmem:s13], [sflag:$0x3], $0x200, $0x38;
	[tilespmem:$0x10040] =	vst v63  }
0x3f: {  	s13 =	simm.s32 $0x1;
	p2 =	por $0x0, $0x0  }
0x40: {  	_ = 	snop  }
.LBB2_9:
0x41: {  	_ =	sfence.sel $0x180000  }
0x42: {  	s2 =	simm.s32 $0x2;
	[bflag:$0x0] =	sbarrier.arrive $0xFFFF  }
0x43: {  	s30 =	simm.s32 $0x3;
	[sflag:s2] =	ssyncpa.u1 $0x1  }
0x44: {  	s31 =	simm.s32 $0x1;
	[sflag:s30] =	ssyncpa.u1 $0x1  }
0x45: {  	[sflag:s31] =	ssyncpa.u1 $0x1  }
0x46: {  	p0 =	sne.s32 s1, $0x0;
	_ =	strace $0x9000004A  }
0x47: {  	s0 =	sadd.s32 @!p0 $0x100000, s0;
	[bflag:$0x2] =	sbarrier.arrive $0xFFFF  }
0x48: {  	[sflag:s0] =	ssyncadd.tile.s32 @!p0 $0x1;
	_ =	shalt  }
.Lfunc_end2:
_tile_overlayer_lowered:
.L_overlay_start_2:
0x49: {  	(tag) =	ssettag $0x2  }
0x4a: {  	s0 =	rddreg [dreg:$0x0];
	s2 =	stileid.u32  }
0x4b: {  	s1 =	rddreg [dreg:$0x1];
	p0 =	sne.s32 s2, $0x0  }
0x4c: {  	s3 =	rddreg [dreg:$0x2];
	[bflag:$0x3] =	sbarrier.arrive $0xFFFF;
	s2 =	simm.s32 @!p0 $0x1C01  }
0x4d: {  	[timem:s3], [sflag:s2] =	dma.local @!p0 [hbm:s0], s1  }
0x4e: {  	s0 =	simm.s32 @!p0 $0x1  }
0x4f: {  	_ =	swait.ge @!p0 [sflag:s0], s1  }
0x50: {  	s1 =	ssub.s32 @!p0 $0x0, s1;
	[sflag:s0] =	ssyncset.done @!p0 $0x0  }
0x51: {  	[sflag:s0] =	ssyncadd.s32 @!p0 s1  }
0x52: {  	[bflag:$0x3] =	sbarrier.arrive $0xFFFF  }
0x53: {  	_ =	shalt  }

// kernel: gather_offload_async_start.2
scs
__scs_entry_jumppad:
0x0: {  	(pc) =	sbr.rel $0x88, $3  }
0x1: {  	(tag) =	ssettag $0x0;
	lr =	simm.s32 $0x1  }
0x2: {  	[smem:$0x3F8B] =	sst lr;
	_ =	strace $0xD0000000  }
0x3: {  	_ = 	snop  }
0x4: {  	_ = 	snop  }
0x5: {  	_ = 	snop  }
0x6: {  	_ = 	snop  }
0x7: {  	_ = 	snop  }
__scs_overlays_trampoline_lowered:
0x8: {  	[smem:$0x3F9A] =	sst s0  }
0x9: {  	[smem:$0x3F9B] =	sst s1  }
0xa: {  	[smem:$0x3F9C] =	sst s2  }
0xb: {  	[smem:$0x3F9D] =	sst s3  }
0xc: {  	[smem:$0x3F9E] =	sst s4  }
0xd: {  	[smem:$0x3F9F] =	sst s5  }
0xe: {  	[smem:$0x3FA0] =	sst s6  }
0xf: {  	[smem:$0x3FA1] =	sst s7  }
0x10: {  	[smem:$0x3FA2] =	sst s8  }
0x11: {  	[smem:$0x3FA3] =	sst s9;
	s0 =	simm.s32 @!p0 $0x0  }
0x12: {  	s1 =	sld [smem:$0x3F89];
	s0 =	simm.s32 @p0 $0x1  }
0x13: {  	[smem:$0x3FA4] =	sst s0;
	s0 =	simm.s32 @!p1 $0x0  }
0x14: {  	s2 =	sld [smem:$0x3F88];
	s0 =	simm.s32 @p1 $0x1  }
0x15: {  	[smem:$0x3FA5] =	sst s0;
	s0 =	simm.s32 @!p2 $0x0  }
0x16: {  	s3 =	sld [smem:$0x3FDB];
	s0 =	simm.s32 @p2 $0x1  }
0x17: {  	s4 =	simm.s32 $0x1BF5;
	[smem:$0x3FA7] =	sst s0  }
0x18: {  	s0 =	sld [smem:$0x3F8A];
	_ =	swait.ge [sflag:s4], $0x0  }
0x19: {  	s7 =	sld [smem:$0x3F8B]  }
0x1a: {  	s8 =	sadd.s32 $0xFFFFE003, lr  }
0x1b: {  	s9 =	sadd.s32 $0xFFFFFEF7, lr;
	s5 =	simm.s32 $0xFFFFFFFF;
	p2 =	slt.u32 s8, $0xFFFFF086  }
0x1c: {  	p1 =	slt.u32 s9, $0xF7A;
	s5 =	simm.s32 @!p2 $0x0  }
0x1d: {  	s5 =	simm.s32 @p1 $0x1;
	p0 =	seq.s32 s7, s2  }
0x1e: {  	s7 =	smul.u32 @!p0 $0xF7A, s2;
	p2 =	seq.s32 @!p0 s5, $0x0  }
0x1f: {  	s9 =	smul.u32 $0xF7A, s1;
	s8 =	simm.s32 @!p0 $0x1BF5;
	p2 =	por !p2, p0  }
0x20: {  	[sflag:s8] =	ssyncset.s32 @!p0 $0xFFFFF086;
	s6 =	sadd.s32 @!p0 s3, s7;
	s7 =	simm.s32 @!p0 $0x108  }
0x21: {  	s3 =	sadd.s32 s3, s9;
	s6 =	sadd.s32 @!p0 $0x88, s6;
	s7 =	simm.s32 @p2 $0x1082  }
0x22: {  	[simem:s7], [sflag:s8] =	dma.local @!p0 [hbm:s6], $0xF7A  }
0x23: {  	s9 =	sor.u32 $0xD0000000, s2;
	s6 =	simm.s32 $0x108;
	_ =	swait.ge @!p0 [sflag:s8], $0x0  }
0x24: {  	s3 =	sadd.s32 $0x88, s3;
	s6 =	simm.s32 @!p1 $0x1082;
	[sflag:s4] =	ssyncset.s32 $0xFFFFF086  }
0x25: {  	[simem:s6], [sflag:s4] =	dma.local [hbm:s3], $0xF7A  }
0x26: {  	[smem:$0x3F8B] =	sst s1;
	(tag) =	ssettag s2;
	_ =	strace s9  }
0x27: {  	s1 =	sld [smem:$0x3F9B]  }
0x28: {  	s2 =	sld [smem:$0x3F9C]  }
0x29: {  	s4 =	sld [smem:$0x3F9E]  }
0x2a: {  	p0 =	seq.s32 s5, $0x0;
	s5 =	sld [smem:$0x3F9F]  }
0x2b: {  	s6 =	sld [smem:$0x3FA0]  }
0x2c: {  	s7 =	sld [smem:$0x3FA1]  }
0x2d: {  	s3 =	simm.s32 $0x108;
	s8 =	sld [smem:$0x3FA2]  }
0x2e: {  	s3 =	simm.s32 @!p0 $0x1082;
	s9 =	sld [smem:$0x3FA3]  }
0x2f: {  	lr =	sadd.s32 s0, s3;
	s0 =	sld [smem:$0x3F9A]  }
0x30: {  	s3 =	sld [smem:$0x3F9D]  }
0x31: {  	[smem:$0x3FA6] =	sst s10  }
0x32: {  	s10 =	sld [smem:$0x3FA4];
	_ =	sdelay $0x3  }
0x33: {  	p0 =	seq.s32 s10, $0x1;
	s10 =	sld [smem:$0x3FA6];
	_ =	sdelay $0x3  }
0x34: {  	[smem:$0x3FA6] =	sst s10  }
0x35: {  	s10 =	sld [smem:$0x3FA5];
	_ =	sdelay $0x3  }
0x36: {  	p1 =	seq.s32 s10, $0x1;
	s10 =	sld [smem:$0x3FA6];
	_ =	sdelay $0x3  }
0x37: {  	[smem:$0x3FA6] =	sst s10  }
0x38: {  	s10 =	sld [smem:$0x3FA7]  }
0x39: {  	_ = 	snop;
	(pc) =	sbr.ind lr, $3  }
0x3a: {  	_ = 	snop  }
0x3b: {  	_ = 	snop  }
0x3c: {  	p2 =	seq.s32 s10, $0x1;
	s10 =	sld [smem:$0x3FA6]  }
0x3d: {  	_ =	shalt  }
0x3e: {  	_ =	shalt  }
0x3f: {  	_ =	shalt  }
0x40: {  	_ =	shalt  }
0x41: {  	_ =	shalt  }
0x42: {  	_ =	shalt  }
0x43: {  	_ =	shalt  }
0x44: {  	_ =	shalt  }
0x45: {  	_ =	shalt  }
0x46: {  	_ =	shalt  }
0x47: {  	_ =	shalt  }
0x48: {  	_ =	shalt  }
0x49: {  	_ =	shalt  }
0x4a: {  	_ =	shalt  }
0x4b: {  	_ =	shalt  }
0x4c: {  	_ =	shalt  }
0x4d: {  	_ =	shalt  }
0x4e: {  	_ =	shalt  }
0x4f: {  	_ =	shalt  }
0x50: {  	_ =	shalt  }
0x51: {  	_ =	shalt  }
0x52: {  	_ =	shalt  }
0x53: {  	_ =	shalt  }
0x54: {  	_ =	shalt  }
0x55: {  	_ =	shalt  }
0x56: {  	_ =	shalt  }
0x57: {  	_ =	shalt  }
0x58: {  	_ =	shalt  }
0x59: {  	_ =	shalt  }
0x5a: {  	_ =	shalt  }
0x5b: {  	_ =	shalt  }
0x5c: {  	_ =	shalt  }
0x5d: {  	_ =	shalt  }
0x5e: {  	_ =	shalt  }
0x5f: {  	_ =	shalt  }
0x60: {  	_ =	shalt  }
0x61: {  	_ =	shalt  }
0x62: {  	_ =	shalt  }
0x63: {  	_ =	shalt  }
0x64: {  	_ =	shalt  }
0x65: {  	_ =	shalt  }
0x66: {  	_ =	shalt  }
0x67: {  	_ =	shalt  }
0x68: {  	_ =	shalt  }
0x69: {  	_ =	shalt  }
0x6a: {  	_ =	shalt  }
0x6b: {  	_ =	shalt  }
0x6c: {  	_ =	shalt  }
0x6d: {  	_ =	shalt  }
0x6e: {  	_ =	shalt  }
0x6f: {  	_ =	shalt  }
0x70: {  	_ =	shalt  }
0x71: {  	_ =	shalt  }
0x72: {  	_ =	shalt  }
0x73: {  	_ =	shalt  }
0x74: {  	_ =	shalt  }
0x75: {  	_ =	shalt  }
0x76: {  	_ =	shalt  }
0x77: {  	_ =	shalt  }
0x78: {  	_ =	shalt  }
0x79: {  	_ =	shalt  }
0x7a: {  	_ =	shalt  }
0x7b: {  	_ =	shalt  }
0x7c: {  	_ =	shalt  }
0x7d: {  	_ =	shalt  }
0x7e: {  	_ =	shalt  }
0x7f: {  	_ =	shalt  }
0x80: {  	_ =	shalt  }
0x81: {  	_ =	shalt  }
0x82: {  	_ =	shalt  }
0x83: {  	_ =	shalt  }
0x84: {  	_ =	shalt  }
0x85: {  	_ =	shalt  }
0x86: {  	_ =	shalt  }
0x87: {  	_ =	shalt  }
.Lfunc_end0:
.L_simem_size_0:
called_computation.2_lowered:
.L_overlay_start_0:
0x88: {  	s2 =	sld [smem:$0x3FD9]  }
0x89: {  	s3 =	sld [smem:$0x3FFE];
	_ =	sdelay $0x1  }
0x8a: {  	s1 =	srdreg.scid  }
0x8b: {  	s0 =	sand.u32 $0x1, s1  }
0x8c: {  	s17 =	sshll.u32 s0, $0xA;
	s2 =	sadd.s32 s3, s2  }
0x8d: {  	s2 =	sadd.s32 s2, s17  }
0x8e: {  	[smem:$0x3FB2] =	sst s2  }
0x8f: {  	_ = 	snop  }
0x90: {  	(tm) =	ssettm $0x1  }
0x91: {  	s18 =	sld [smem:$0x3FFB];
	_ =	sdelay $0x3  }
0x92: {  	_ =	strace s18  }
0x93: {  	s2 =	sld [smem:$0x3FFC];
	_ =	sdelay $0x3  }
0x94: {  	_ =	strace s2  }
0x95: {  	s2 =	sld [smem:$0x3FFD];
	_ =	sdelay $0x3  }
0x96: {  	_ =	strace s2  }
0x97: {  	_ =	strace $0x8FFFFFFF  }
0x98: {  	s19 =	sld [smem:$0x3FDB];
	_ =	sdelay $0x1  }
0x99: {  	s20 =	simm.s32 $_scs_section_size  }
0x9a: {  	s4 =	simm.s32 $_size__tile_overlayer_lowered;
	s5 =	simm.s32 $_tile_overlayer_lowered  }
0x9b: {  	s6 =	simm.s32 $0x1BFF;
	s21 =	sshll.u32 s5, $0x1;
	s3 =	sadd.s32 s20, s19  }
0x9c: {  	s22 =	simm.s32 $0x0;
	s4 =	sshll.u32 s4, $0x1;
	s5 =	sadd.s32 s21, s3  }
0x9d: {  	[timem:s22], [sflag:s6] =	dma.local [hbm:s5], s4  }
0x9e: {  	_ =	swait.ge [sflag:s6], s4  }
0x9f: {  	s4 =	ssub.s32 $0x0, s4;
	[sflag:s6] =	ssyncset.done $0x0  }
0xa0: {  	[sflag:s6] =	ssyncadd.s32 s4;
	_ =	sdelay $0x1  }
0xa1: {  	s23 =	simm.s32 $0x1B8B  }
0xa2: {  	_ =	swait.ge [sflag:s23], $0x1  }
0xa3: {  	[sflag:s23] =	ssyncset.done $0x0  }
0xa4: {  	[sflag:s23] =	ssyncadd.s32 $0xFFFFFFFF  }
0xa5: {  	s4 =	sld [smem:$0x0]  }
0xa6: {  	s5 =	sand.u32 $0xFFFFFFFE, s1  }
0xa7: {  	p0 =	sne.s32 s1, s5  }
0xa8: {  	s5 =	sshll.u32 @p0 s5, $0xE  }
0xa9: {  	s5 =	sadd.s32 @p0 $0x11B8D, s5;
	s6 =	sshll.u32 @p0 s4, $0x11  }
0xaa: {  	s5 =	sor.u32 @p0 s6, s5  }
0xab: {  	[sflag:s5] =	ssyncadd.remote.s32 @p0 $0x1;
	_ =	sdelay $0x1  }
0xac: {  	s5 =	simm.s32 @p0 $0x1B8D  }
0xad: {  	_ =	swait.eq @p0 [sflag:s5], $0x1  }
0xae: {  	[sflag:s5] =	ssyncadd.s32 @p0 $0xFFFFFFFF  }
0xaf: {  	s6 =	sshll.u32 @!p0 s1, $0xE  }
0xb0: {  	s6 =	sor.u32 @!p0 $0x4000, s6;
	s5 =	simm.s32 @!p0 $0x1B8D  }
0xb1: {  	s4 =	sshll.u32 @!p0 s4, $0x11;
	s6 =	sadd.s32 @!p0 $0x11B8D, s6;
	_ =	swait.eq @!p0 [sflag:s5], $0x1  }
0xb2: {  	s4 =	sor.u32 @!p0 s4, s6;
	[sflag:s5] =	ssyncadd.s32 @!p0 $0xFFFFFFFF  }
0xb3: {  	s25 =	simm.s32 $0x1B8E;
	s24 =	sld [smem:$0x3FFE];
	[sflag:s4] =	ssyncadd.remote.s32 @!p0 $0x1  }
0xb4: {  	s26 =	simm.s32 $execute0_lowered;
	[smem:$0x3FD2] =	sst s25  }
0xb5: {  	s5 =	sshll.u32 s26, $0x1;
	_ =	strace $0x8000004C;
	[dreg:$0x1] =	wrdreg $0xFFFFFFFF  }
0xb6: {  	s28 =	simm.s32 $_size_execute0_lowered;
	s3 =	sadd.s32 s3, s5;
	[dreg:$0x0] =	wrdreg $0x0  }
0xb7: {  	s5 =	sshll.u32 s28, $0x1;
	[dreg:$0x2] =	wrdreg s3  }
0xb8: {  	[dreg:$0x3] =	wrdreg s5  }
0xb9: {  	[dreg:$0x4] =	wrdreg $0xC0  }
0xba: {  	_ =	task [dreg:s22], $0x5FFFF  }
0xbb: {  	[dreg:$0x1] =	wrdreg $0xFFFFFFFF  }
0xbc: {  	[dreg:$0x0] =	wrdreg $0x60  }
0xbd: {  	[dreg:$0x2] =	wrdreg s24  }
0xbe: {  	[dreg:$0x3] =	wrdreg $0xA  }
0xbf: {  	_ =	task.clear_ibuf [dreg:s22], $0x4FFFF;
	_ =	strace $0x9000004C  }
0xc0: {  	s29 =	simm.s32 $0xA;
	_ =	strace $0x8000004E  }
0xc1: {  	_ =	swait.ge [sflag:s29], $0x1  }
0xc2: {  	[sflag:s29] =	ssyncadd.s32 $0xFFFFFFFF  }
0xc3: {  	_ =	strace $0x9000004E  }
0xc4: {  	_ =	sfence  }
0xc5: {  	s30 =	sld [smem:$0x0];
	_ =	sdelay $0x2  }
0xc6: {  	s31 =	sshll.u32 s1, $0xD;
	s1 =	sshrl.u32 s1, $0x2  }
0xc7: {  	s4 =	sand.u32 $0x4000, s31;
	s1 =	sadd.s32 s1, s30  }
0xc8: {  	s0 =	sor.u32 s4, s0;
	s1 =	sshll.u32 s1, $0x11  }
0xc9: {  	s0 =	sor.u32 s1, s0  }
0xca: {  	s0 =	sadd.s32 $0x8F2B, s0  }
0xcb: {  	[sflag:s0] =	ssyncadd.remote.s32 $0x1  }
0xcc: {  	_ =	sfence.sel $0xFFFF  }
0xcd: {  	[dreg:$0x0] =	wrdreg $0xFFFFFFFF;
	(pc) =	sbr.abs _section_cstart, $3  }
0xce: {  	[dreg:$0x1] =	wrdreg $0xFFFFFFFF  }
0xcf: {  	_ =	task.clear_ibuf [dreg:s22], $0x2FFFF;
	_ =	strace $0x9FFFFFFF  }
0xd0: {  	(tm) =	ssettm $0x7FFFFFFF  }
0xd1: {  	_ =	shalt  }
tec
execute0_lowered:
.L_overlay_start_1:
0x0: {  	(tag) =	ssettag $0x1  }
0x1: {  	s7 =	rddreg [dreg:$0x0]  }
0x2: {  	s0 =	rddreg [dreg:$0x1];
	_ =	strace $0x8000004D  }
0x3: {  	s1 =	srdreg.scid;
	s4 =	simm.s32 $0x1;
	s9 =	simm.s32 $0x3  }
0x4: {  	s11 =	simm.s32 $0x0;
	p0 =	por $0x0, $0x0;
	s5 =	sshll.u32 s1, $0x4  }
.Ltmp0:
0x5: {  	s1 =	stileid.u32;
	s5 =	sand.u32 $0x10, s5;
	(pc) =	sbr.rel .LBB2_1-.Ltmp0, $4  }
0x6: {  	s2 =	sadd.s32 $0x4000, s7;
	s3 =	sadd.s32 $0x3E00, s7;
	s6 =	sor.u32 s1, s5  }
0x7: {  	[sflag:s4] =	ssyncpa.u1 $0x0;
	s5 =	simm.s32 $0x2;
	s6 =	sshll.u32 s6, $0x6  }
0x8: {  	s7 =	sadd.s32 $0x84000, s7;
	[sflag:s5] =	ssyncpa.u1 $0x0;
	s8 =	sadd.s32 $0x40, s6  }
0x9: {  	vm0 =	vmmov $0xffff;
	[sflag:s9] =	ssyncpa.u1 $0x0;
	s10 =	smov.u32 s6;
	s9 =	simm.s32 $0x0  }
.LBB2_8:
0xa: {  	p1 =	slt.u32 s9, $0x2;
	s11 =	sadd.s32 $0x20, s10  }
0xb: {  	s13 =	smov.u32 s6;
	s9 =	sadd.s32 $0x1, s9;
	p2 =	slt.s32 s11, s8  }
0xc: {  	s13 =	smov.u32 @p2 s11;
	p2 =	sne.s32 s9, $0x4  }
.Ltmp1:
0xd: {  	_ = 	snop;
	(pc) =	sbr.rel @!p2 .LBB2_9-.Ltmp1, $4  }
0xe: {  	s12 =	simm.s32 @!p1 $0x3  }
0xf: {  	_ =	swait.ge @!p1 [sflag:s12], $0x8000  }
0x10: {  	p0 =	por !p0, !p0;
	[sflag:s12] =	ssyncset.done @!p1 $0x0  }
0x11: {  	s11 =	smov.u32 s10;
	s10 =	smov.u32 s13;
	[sflag:s12] =	ssyncadd.s32 @!p1 $0xFFFF8000  }
.LBB2_1:
0x12: {  	p1 =	sgt.u32 s9, $0x1  }
0x13: {  	s12 =	sshll.u32 @!p1 s9, $0x5;
	s13 =	sshrl.u32 @!p1 s10, $0x3  }
0x14: {  	s14 =	sand.u32 @!p1 $0x7, s10;
	s12 =	sxor.u32 @!p1 $0x20, s12;
	s13 =	sadd.s32 @!p1 s3, s13  }
0x15: {  	[tilespmem:s12], [sflag:$0x2] =	stream.linear.gather @!p1 [hbm4b:s13+s14], $0x20, $0x38;
	[tilespmem:$0x10040] =	vst v63  }
0x16: {  	p1 =	seq.s32 s9, $0x0  }
0x17: {  	p2 =	seq.s32 @!p1 s9, $0x3  }
0x18: {  	p1 =	por p1, p2  }
.Ltmp2:
0x19: {  	_ = 	snop;
	(pc) =	sbr.rel @p1 .LBB2_8-.Ltmp2, $1  }
0x1a: {  	_ =	sdelay $0x3  }
0x1b: {  	s12 =	simm.s32 $0x1;
	_ =	swait.ge [sflag:s5], $0x20;
	s14 =	sand.u32 $0x1, s9  }
0x1c: {  	s15 =	simm.s32 $0x0;
	p1 =	por $0x1, $0x1;
	s12 =	simm.s32 @!p0 $0x0  }
0x1d: {  	[sflag:s5] =	ssyncset.done $0x0;
	s13 =	sshll.u32 s14, $0x5;
	s14 =	sshll.u32 s14, $0xF  }
0x1e: {  	s12 =	sshll.u32 s12, $0x11;
	[sflag:s5] =	ssyncadd.s32 $0xFFFFFFE0;
	s14 =	sor.u32 $0x40, s14  }
.LBB2_3:
0x1f: {  	s16 =	sshll.u32 s15, $0x4  }
0x20: {  	s16 =	sand.u32 $0x3FFFFFF0, s16  }
0x21: {  	s16 =	sadd.s32 s16, s13  }
0x22: {  	v0 =	vld.msk [tilespmem:s16+$0x0 ss:$0x1], $0xffff;
	_ =	sdelay $0x4  }
0x23: {  	vm1 =	vgt.s32 v0, $0x0  }
0x24: {  	v0 =	vnsel vm1, $0x0, v0  }
0x25: {  	v0 =	vmin.u32 v0, $0x7FF  }
0x26: {  	v0 =	vshll.u32 v0, $0x7;
	_ =	sdelay $0x1  }
0x27: {  	s31 =	sshll.u32 s15, $0xD;
	v1 =	vor.u32 $0x40, v0  }
0x28: {  	p2 =	por p1, p1;
	s15 =	sand.u32 $0x3FFFE000, s31  }
.Ltmp3:
0x29: {  	s15 =	sadd.s32 s15, s14;
	(pc) =	sbr.rel @p2 .LBB2_3-.Ltmp3, $4  }
0x2a: {  	[tilespmem:s15], [sflag:$0x1] =	stream.indirect_vreg.gather [hbm:s2], $0x200, v0, vm0, $0x38;
	[tilespmem:$0x10040] =	vst v63  }
0x2b: {  	s15 =	sadd.s32 $0x4000, s15  }
0x2c: {  	[tilespmem:s15], [sflag:$0x1] =	stream.indirect_vreg.gather [hbm:s2], $0x200, v1, vm0, $0x38;
	[tilespmem:$0x10040] =	vst v63  }
0x2d: {  	p1 =	por $0x0, $0x0;
	s15 =	simm.s32 $0x1  }
0x2e: {  	_ =	swait.ge [sflag:s4], $0x8000;
	s12 =	sshrl.u32 s12, $0x2;
	s11 =	sshll.u32 s11, $0x7  }
0x2f: {  	s13 =	simm.s32 $0x0;
	p2 =	por $0x1, $0x1;
	[sflag:s4] =	ssyncset.done $0x0  }
0x30: {  	s12 =	sadd.s32 $0x40, s12;
	s11 =	sadd.s32 s11, s7;
	[sflag:s4] =	ssyncadd.s32 $0xFFFF8000  }
.LBB2_5:
0x31: {  	s14 =	sshll.u32 s13, $0x10  }
0x32: {  	s15 =	sshll.u32 s13, $0x6;
	s31 =	sshra.s32 s14, $0x2  }
0x33: {  	p1 =	por p2, p2;
	s14 =	sadd.s32 s15, s11;
	s13 =	sadd.s32 s31, s12  }
0x34: {  	s15 =	simm.s32 $0x80;
	s17 =	sadd.s32 $0x0, s14;
	s16 =	sadd.s32 $0x200, s13  }
.LBB2_6:
0x35: {  	[hbm:s17] =	stream.linear.scatter [tilespmem:s13], [sflag:$0x3], $0x200, $0x38;
	[tilespmem:$0x10040] =	vst v63  }
0x36: {  	s17 =	smov.u32 s15;
	s13 =	smov.u32 s16;
	p2 =	sne.s32 s15, $0xF80  }
.Ltmp4:
0x37: {  	s15 =	sadd.s32 $0x80, s15;
	(pc) =	sbr.rel @p2 .LBB2_6-.Ltmp4, $2  }
0x38: {  	_ =	sdelay $0x2  }
0x39: {  	s16 =	sadd.s32 $0x200, s16;
	s17 =	sadd.s32 s17, s14  }
.Ltmp5:
0x3a: {  	(pc) =	sbr.rel @p1 .LBB2_5-.Ltmp5, $4  }
.Ltmp6:
0x3b: {  	(pc) =	sbr.rel @!p1 .LBB2_8-.Ltmp6, $4  }
0x3c: {  	_ = 	snop  }
0x3d: {  	[hbm:s17] =	stream.linear.scatter [tilespmem:s13], [sflag:$0x3], $0x200, $0x38;
	[tilespmem:$0x10040] =	vst v63  }
0x3e: {  	s13 =	simm.s32 $0x1;
	p2 =	por $0x0, $0x0  }
0x3f: {  	_ = 	snop  }
.LBB2_9:
0x40: {  	_ =	sfence.sel $0x180000  }
0x41: {  	s2 =	simm.s32 $0x2;
	[bflag:$0x0] =	sbarrier.arrive $0xFFFF  }
0x42: {  	s30 =	simm.s32 $0x3;
	[sflag:s2] =	ssyncpa.u1 $0x1  }
0x43: {  	s31 =	simm.s32 $0x1;
	[sflag:s30] =	ssyncpa.u1 $0x1  }
0x44: {  	[sflag:s31] =	ssyncpa.u1 $0x1  }
0x45: {  	p0 =	sne.s32 s1, $0x0;
	_ =	strace $0x9000004D  }
0x46: {  	s0 =	sadd.s32 @!p0 $0x100000, s0;
	[bflag:$0x2] =	sbarrier.arrive $0xFFFF  }
0x47: {  	[sflag:s0] =	ssyncadd.tile.s32 @!p0 $0x1;
	_ =	shalt  }
.Lfunc_end2:
_tile_overlayer_lowered:
.L_overlay_start_2:
0x48: {  	(tag) =	ssettag $0x2  }
0x49: {  	s0 =	rddreg [dreg:$0x0];
	s2 =	stileid.u32  }
0x4a: {  	s1 =	rddreg [dreg:$0x1];
	p0 =	sne.s32 s2, $0x0  }
0x4b: {  	s3 =	rddreg [dreg:$0x2];
	[bflag:$0x3] =	sbarrier.arrive $0xFFFF;
	s2 =	simm.s32 @!p0 $0x1C01  }
0x4c: {  	[timem:s3], [sflag:s2] =	dma.local @!p0 [hbm:s0], s1  }
0x4d: {  	s0 =	simm.s32 @!p0 $0x1  }
0x4e: {  	_ =	swait.ge @!p0 [sflag:s0], s1  }
0x4f: {  	s1 =	ssub.s32 @!p0 $0x0, s1;
	[sflag:s0] =	ssyncset.done @!p0 $0x0  }
0x50: {  	[sflag:s0] =	ssyncadd.s32 @!p0 s1  }
0x51: {  	[bflag:$0x3] =	sbarrier.arrive $0xFFFF  }
0x52: {  	_ =	shalt  }

// kernel: gather_offload_async_start
scs
__scs_entry_jumppad:
0x0: {  	(pc) =	sbr.rel $0x88, $3  }
0x1: {  	(tag) =	ssettag $0x0;
	lr =	simm.s32 $0x1  }
0x2: {  	[smem:$0x3F8B] =	sst lr;
	_ =	strace $0xD0000000  }
0x3: {  	_ = 	snop  }
0x4: {  	_ = 	snop  }
0x5: {  	_ = 	snop  }
0x6: {  	_ = 	snop  }
0x7: {  	_ = 	snop  }
__scs_overlays_trampoline_lowered:
0x8: {  	[smem:$0x3F9A] =	sst s0  }
0x9: {  	[smem:$0x3F9B] =	sst s1  }
0xa: {  	[smem:$0x3F9C] =	sst s2  }
0xb: {  	[smem:$0x3F9D] =	sst s3  }
0xc: {  	[smem:$0x3F9E] =	sst s4  }
0xd: {  	[smem:$0x3F9F] =	sst s5  }
0xe: {  	[smem:$0x3FA0] =	sst s6  }
0xf: {  	[smem:$0x3FA1] =	sst s7  }
0x10: {  	[smem:$0x3FA2] =	sst s8  }
0x11: {  	[smem:$0x3FA3] =	sst s9;
	s0 =	simm.s32 @!p0 $0x0  }
0x12: {  	s1 =	sld [smem:$0x3F89];
	s0 =	simm.s32 @p0 $0x1  }
0x13: {  	[smem:$0x3FA4] =	sst s0;
	s0 =	simm.s32 @!p1 $0x0  }
0x14: {  	s2 =	sld [smem:$0x3F88];
	s0 =	simm.s32 @p1 $0x1  }
0x15: {  	[smem:$0x3FA5] =	sst s0;
	s0 =	simm.s32 @!p2 $0x0  }
0x16: {  	s3 =	sld [smem:$0x3FDB];
	s0 =	simm.s32 @p2 $0x1  }
0x17: {  	s4 =	simm.s32 $0x1BF5;
	[smem:$0x3FA7] =	sst s0  }
0x18: {  	s0 =	sld [smem:$0x3F8A];
	_ =	swait.ge [sflag:s4], $0x0  }
0x19: {  	s7 =	sld [smem:$0x3F8B]  }
0x1a: {  	s8 =	sadd.s32 $0xFFFFE003, lr  }
0x1b: {  	s9 =	sadd.s32 $0xFFFFFEF7, lr;
	s5 =	simm.s32 $0xFFFFFFFF;
	p2 =	slt.u32 s8, $0xFFFFF086  }
0x1c: {  	p1 =	slt.u32 s9, $0xF7A;
	s5 =	simm.s32 @!p2 $0x0  }
0x1d: {  	s5 =	simm.s32 @p1 $0x1;
	p0 =	seq.s32 s7, s2  }
0x1e: {  	s7 =	smul.u32 @!p0 $0xF7A, s2;
	p2 =	seq.s32 @!p0 s5, $0x0  }
0x1f: {  	s9 =	smul.u32 $0xF7A, s1;
	s8 =	simm.s32 @!p0 $0x1BF5;
	p2 =	por !p2, p0  }
0x20: {  	[sflag:s8] =	ssyncset.s32 @!p0 $0xFFFFF086;
	s6 =	sadd.s32 @!p0 s3, s7;
	s7 =	simm.s32 @!p0 $0x108  }
0x21: {  	s3 =	sadd.s32 s3, s9;
	s6 =	sadd.s32 @!p0 $0x88, s6;
	s7 =	simm.s32 @p2 $0x1082  }
0x22: {  	[simem:s7], [sflag:s8] =	dma.local @!p0 [hbm:s6], $0xF7A  }
0x23: {  	s9 =	sor.u32 $0xD0000000, s2;
	s6 =	simm.s32 $0x108;
	_ =	swait.ge @!p0 [sflag:s8], $0x0  }
0x24: {  	s3 =	sadd.s32 $0x88, s3;
	s6 =	simm.s32 @!p1 $0x1082;
	[sflag:s4] =	ssyncset.s32 $0xFFFFF086  }
0x25: {  	[simem:s6], [sflag:s4] =	dma.local [hbm:s3], $0xF7A  }
0x26: {  	[smem:$0x3F8B] =	sst s1;
	(tag) =	ssettag s2;
	_ =	strace s9  }
0x27: {  	s1 =	sld [smem:$0x3F9B]  }
0x28: {  	s2 =	sld [smem:$0x3F9C]  }
0x29: {  	s4 =	sld [smem:$0x3F9E]  }
0x2a: {  	p0 =	seq.s32 s5, $0x0;
	s5 =	sld [smem:$0x3F9F]  }
0x2b: {  	s6 =	sld [smem:$0x3FA0]  }
0x2c: {  	s7 =	sld [smem:$0x3FA1]  }
0x2d: {  	s3 =	simm.s32 $0x108;
	s8 =	sld [smem:$0x3FA2]  }
0x2e: {  	s3 =	simm.s32 @!p0 $0x1082;
	s9 =	sld [smem:$0x3FA3]  }
0x2f: {  	lr =	sadd.s32 s0, s3;
	s0 =	sld [smem:$0x3F9A]  }
0x30: {  	s3 =	sld [smem:$0x3F9D]  }
0x31: {  	[smem:$0x3FA6] =	sst s10  }
0x32: {  	s10 =	sld [smem:$0x3FA4];
	_ =	sdelay $0x3  }
0x33: {  	p0 =	seq.s32 s10, $0x1;
	s10 =	sld [smem:$0x3FA6];
	_ =	sdelay $0x3  }
0x34: {  	[smem:$0x3FA6] =	sst s10  }
0x35: {  	s10 =	sld [smem:$0x3FA5];
	_ =	sdelay $0x3  }
0x36: {  	p1 =	seq.s32 s10, $0x1;
	s10 =	sld [smem:$0x3FA6];
	_ =	sdelay $0x3  }
0x37: {  	[smem:$0x3FA6] =	sst s10  }
0x38: {  	s10 =	sld [smem:$0x3FA7]  }
0x39: {  	_ = 	snop;
	(pc) =	sbr.ind lr, $3  }
0x3a: {  	_ = 	snop  }
0x3b: {  	_ = 	snop  }
0x3c: {  	p2 =	seq.s32 s10, $0x1;
	s10 =	sld [smem:$0x3FA6]  }
0x3d: {  	_ =	shalt  }
0x3e: {  	_ =	shalt  }
0x3f: {  	_ =	shalt  }
0x40: {  	_ =	shalt  }
0x41: {  	_ =	shalt  }
0x42: {  	_ =	shalt  }
0x43: {  	_ =	shalt  }
0x44: {  	_ =	shalt  }
0x45: {  	_ =	shalt  }
0x46: {  	_ =	shalt  }
0x47: {  	_ =	shalt  }
0x48: {  	_ =	shalt  }
0x49: {  	_ =	shalt  }
0x4a: {  	_ =	shalt  }
0x4b: {  	_ =	shalt  }
0x4c: {  	_ =	shalt  }
0x4d: {  	_ =	shalt  }
0x4e: {  	_ =	shalt  }
0x4f: {  	_ =	shalt  }
0x50: {  	_ =	shalt  }
0x51: {  	_ =	shalt  }
0x52: {  	_ =	shalt  }
0x53: {  	_ =	shalt  }
0x54: {  	_ =	shalt  }
0x55: {  	_ =	shalt  }
0x56: {  	_ =	shalt  }
0x57: {  	_ =	shalt  }
0x58: {  	_ =	shalt  }
0x59: {  	_ =	shalt  }
0x5a: {  	_ =	shalt  }
0x5b: {  	_ =	shalt  }
0x5c: {  	_ =	shalt  }
0x5d: {  	_ =	shalt  }
0x5e: {  	_ =	shalt  }
0x5f: {  	_ =	shalt  }
0x60: {  	_ =	shalt  }
0x61: {  	_ =	shalt  }
0x62: {  	_ =	shalt  }
0x63: {  	_ =	shalt  }
0x64: {  	_ =	shalt  }
0x65: {  	_ =	shalt  }
0x66: {  	_ =	shalt  }
0x67: {  	_ =	shalt  }
0x68: {  	_ =	shalt  }
0x69: {  	_ =	shalt  }
0x6a: {  	_ =	shalt  }
0x6b: {  	_ =	shalt  }
0x6c: {  	_ =	shalt  }
0x6d: {  	_ =	shalt  }
0x6e: {  	_ =	shalt  }
0x6f: {  	_ =	shalt  }
0x70: {  	_ =	shalt  }
0x71: {  	_ =	shalt  }
0x72: {  	_ =	shalt  }
0x73: {  	_ =	shalt  }
0x74: {  	_ =	shalt  }
0x75: {  	_ =	shalt  }
0x76: {  	_ =	shalt  }
0x77: {  	_ =	shalt  }
0x78: {  	_ =	shalt  }
0x79: {  	_ =	shalt  }
0x7a: {  	_ =	shalt  }
0x7b: {  	_ =	shalt  }
0x7c: {  	_ =	shalt  }
0x7d: {  	_ =	shalt  }
0x7e: {  	_ =	shalt  }
0x7f: {  	_ =	shalt  }
0x80: {  	_ =	shalt  }
0x81: {  	_ =	shalt  }
0x82: {  	_ =	shalt  }
0x83: {  	_ =	shalt  }
0x84: {  	_ =	shalt  }
0x85: {  	_ =	shalt  }
0x86: {  	_ =	shalt  }
0x87: {  	_ =	shalt  }
.Lfunc_end0:
.L_simem_size_0:
called_computation_lowered:
.L_overlay_start_0:
0x88: {  	s2 =	sld [smem:$0x3FD9]  }
0x89: {  	s3 =	sld [smem:$0x3FFE];
	_ =	sdelay $0x1  }
0x8a: {  	s1 =	srdreg.scid  }
0x8b: {  	s0 =	sand.u32 $0x1, s1  }
0x8c: {  	s14 =	sshll.u32 s0, $0xA;
	s2 =	sadd.s32 s3, s2  }
0x8d: {  	s2 =	sadd.s32 s2, s14  }
0x8e: {  	[smem:$0x3FB2] =	sst s2  }
0x8f: {  	_ = 	snop  }
0x90: {  	s2 =	sld [smem:$0x3FD0];
	_ =	sdelay $0x2  }
0x91: {  	s15 =	simm.s32 $0xB;
	s4 =	simm.s32 $0x10  }
0x92: {  	[smem:s4], [sflag:s15] =	dma.local [hbm:s2], $0x1  }
0x93: {  	_ =	swait.eq [sflag:s15], $0x1  }
0x94: {  	[sflag:s15] =	ssyncset.done $0x0  }
0x95: {  	s16 =	sld [smem:$0x10];
	[sflag:s15] =	ssyncadd.s32 $0xFFFFFFFF  }
0x96: {  	s17 =	sld [smem:$0x11];
	(tm) =	ssettm $0x1  }
0x97: {  	s18 =	sld [smem:$0x3FFB];
	_ =	sdelay $0x3  }
0x98: {  	_ =	strace s18  }
0x99: {  	s4 =	sld [smem:$0x3FFC];
	_ =	sdelay $0x3  }
0x9a: {  	_ =	strace s4  }
0x9b: {  	s4 =	sld [smem:$0x3FFD];
	_ =	sdelay $0x3  }
0x9c: {  	_ =	strace s4  }
0x9d: {  	_ =	strace $0x8FFFFFFF  }
0x9e: {  	s19 =	sld [smem:$0x3FDB];
	_ =	sdelay $0x1  }
0x9f: {  	s5 =	simm.s32 $_scs_section_size  }
0xa0: {  	s6 =	simm.s32 $_size__tile_overlayer_lowered;
	s7 =	simm.s32 $_tile_overlayer_lowered  }
0xa1: {  	s22 =	simm.s32 $0x1BFF;
	s21 =	sshll.u32 s7, $0x1;
	s4 =	sadd.s32 s5, s19  }
0xa2: {  	s8 =	simm.s32 $0x0;
	s20 =	sshll.u32 s6, $0x1;
	s6 =	sadd.s32 s21, s4  }
0xa3: {  	[timem:s8], [sflag:s22] =	dma.local [hbm:s6], s20  }
0xa4: {  	_ =	swait.ge [sflag:s22], s20  }
0xa5: {  	s5 =	ssub.s32 $0x0, s20;
	[sflag:s22] =	ssyncset.done $0x0  }
0xa6: {  	[sflag:s22] =	ssyncadd.s32 s5;
	_ =	sdelay $0x1  }
0xa7: {  	s23 =	simm.s32 $0x1B8B  }
0xa8: {  	_ =	swait.ge [sflag:s23], $0x1  }
0xa9: {  	[sflag:s23] =	ssyncset.done $0x0  }
0xaa: {  	s25 =	simm.s32 $0x1B8E;
	s24 =	sld [smem:$0x3FFE];
	[sflag:s23] =	ssyncadd.s32 $0xFFFFFFFF  }
0xab: {  	s26 =	simm.s32 $execute0_lowered;
	[smem:$0x3FD2] =	sst s25  }
0xac: {  	s6 =	sshll.u32 s26, $0x1;
	_ =	strace $0x80000046;
	[dreg:$0x1] =	wrdreg $0xFFFFFFFF  }
0xad: {  	s28 =	simm.s32 $_size_execute0_lowered;
	s4 =	sadd.s32 s4, s6;
	[dreg:$0x0] =	wrdreg $0x0  }
0xae: {  	s6 =	sshll.u32 s28, $0x1;
	[dreg:$0x2] =	wrdreg s4  }
0xaf: {  	[dreg:$0x3] =	wrdreg s6  }
0xb0: {  	[dreg:$0x4] =	wrdreg $0xC0  }
0xb1: {  	_ =	task [dreg:s8], $0x5FFFF  }
0xb2: {  	[dreg:$0x1] =	wrdreg $0xFFFFFFFF  }
0xb3: {  	[dreg:$0x0] =	wrdreg $0x60  }
0xb4: {  	[dreg:$0x2] =	wrdreg s17  }
0xb5: {  	[dreg:$0x3] =	wrdreg s24  }
0xb6: {  	[dreg:$0x4] =	wrdreg s16  }
0xb7: {  	[dreg:$0x5] =	wrdreg $0x9  }
0xb8: {  	_ =	task.clear_ibuf [dreg:s8], $0x6FFFF;
	_ =	strace $0x90000046  }
0xb9: {  	s29 =	simm.s32 $0x9;
	_ =	strace $0x80000048  }
0xba: {  	_ =	swait.ge [sflag:s29], $0x1  }
0xbb: {  	[sflag:s29] =	ssyncadd.s32 $0xFFFFFFFF  }
0xbc: {  	_ =	strace $0x90000048  }
0xbd: {  	_ =	sfence  }
0xbe: {  	s30 =	sld [smem:$0x0];
	_ =	sdelay $0x2  }
0xbf: {  	s31 =	sshll.u32 s1, $0xD;
	s1 =	sshrl.u32 s1, $0x2  }
0xc0: {  	s3 =	sand.u32 $0x4000, s31;
	s1 =	sadd.s32 s1, s30  }
0xc1: {  	s0 =	sor.u32 s3, s0;
	s1 =	sshll.u32 s1, $0x11  }
0xc2: {  	s0 =	sor.u32 s1, s0  }
0xc3: {  	s0 =	sadd.s32 $0x8F2B, s0  }
0xc4: {  	[sflag:s0] =	ssyncadd.remote.s32 $0x1  }
0xc5: {  	_ =	sfence.sel $0xFFFF  }
0xc6: {  	[dreg:$0x0] =	wrdreg $0xFFFFFFFF;
	(pc) =	sbr.abs _section_cstart, $3  }
0xc7: {  	[dreg:$0x1] =	wrdreg $0xFFFFFFFF  }
0xc8: {  	_ =	task.clear_ibuf [dreg:s8], $0x2FFFF;
	_ =	strace $0x9FFFFFFF  }
0xc9: {  	(tm) =	ssettm $0x7FFFFFFF  }
tec
execute0_lowered:
.L_overlay_start_1:
0x0: {  	(tag) =	ssettag $0x1  }
0x1: {  	s2 =	rddreg [dreg:$0x0]  }
0x2: {  	s7 =	rddreg [dreg:$0x1]  }
0x3: {  	s3 =	rddreg [dreg:$0x2]  }
0x4: {  	s0 =	rddreg [dreg:$0x3];
	s1 =	srdreg.scid;
	_ =	strace $0x80000047  }
0x5: {  	s4 =	simm.s32 $0x1;
	s9 =	simm.s32 $0x3;
	s5 =	sshll.u32 s1, $0x4  }
.Ltmp0:
0x6: {  	s1 =	stileid.u32;
	s5 =	sand.u32 $0x10, s5;
	(pc) =	sbr.rel .LBB2_1-.Ltmp0, $4  }
0x7: {  	s12 =	simm.s32 $0x0;
	s10 =	simm.s32 $0x0;
	s6 =	sor.u32 s1, s5  }
0x8: {  	[sflag:s4] =	ssyncpa.u1 $0x0;
	s5 =	simm.s32 $0x2;
	s6 =	sshll.u32 s6, $0x6  }
0x9: {  	s7 =	sadd.s32 $0x3C00, s7;
	[sflag:s5] =	ssyncpa.u1 $0x0;
	s8 =	sadd.s32 $0x40, s6  }
0xa: {  	vm0 =	vmmov $0xffff;
	[sflag:s9] =	ssyncpa.u1 $0x0;
	s9 =	simm.s32 $0x40;
	s11 =	smov.u32 s6  }
.LBB2_9:
0xb: {  	p0 =	seq.s32 s10, $0x2  }
.Ltmp1:
0xc: {  	_ = 	snop;
	(pc) =	sbr.rel @p0 .LBB2_11-.Ltmp1, $1  }
0xd: {  	_ =	sdelay $0x3  }
.LBB2_10:
0xe: {  	s12 =	sadd.s32 $0x40, s11  }
0xf: {  	s13 =	smov.u32 s6;
	p0 =	slt.s32 s12, s8  }
0x10: {  	s13 =	smov.u32 @p0 s12  }
0x11: {  	s10 =	sadd.s32 $0x1, s10;
	s12 =	smov.u32 s11;
	s11 =	smov.u32 s13  }
.LBB2_1:
0x12: {  	p0 =	sne.s32 s10, $0x0  }
.Ltmp2:
0x13: {  	_ = 	snop;
	(pc) =	sbr.rel @!p0 .LBB2_2-.Ltmp2, $1  }
0x14: {  	_ =	sdelay $0x3  }
0x15: {  	s13 =	sand.u32 $0x1, s10  }
0x16: {  	p0 =	seq.s32 s13, $0x0  }
.Ltmp3:
0x17: {  	_ = 	snop;
	(pc) =	sbr.rel @p0 .LBB2_9-.Ltmp3, $1  }
0x18: {  	_ =	sdelay $0x3  }
0x19: {  	_ =	swait.ge [sflag:s5], $0x40  }
0x1a: {  	[sflag:s5] =	ssyncset.done $0x0  }
0x1b: {  	s13 =	simm.s32 $0x0;
	[sflag:s5] =	ssyncadd.s32 $0xFFFFFFC0  }
0x1c: {  	v0 =	vld.msk [tilespmem:s13+$0x40 ss:$0x1], $0xffff;
	_ =	sdelay $0x4  }
0x1d: {  	vm1 =	vgt.s32 v0, $0x0  }
0x1e: {  	v0 =	vnsel vm1, $0x0, v0  }
0x1f: {  	v0 =	vmin.u32 v0, $0x7FF  }
0x20: {  	v0 =	vshll.u32 v0, $0x6;
	_ =	sdelay $0x3  }
0x21: {  	s14 =	simm.s32 $0x10;
	s13 =	simm.s32 $0x8080  }
0x22: {  	[tilespmem:s13], [sflag:$0x1] =	stream.indirect_vreg.gather [hbm:s2], $0x200, v0, vm0, $0x38;
	[tilespmem:$0x10080] =	vst v63  }
0x23: {  	v0 =	vld.msk [tilespmem:s14+$0x40 ss:$0x1], $0xffff;
	s14 =	simm.s32 $0x80  }
.LBB2_5:
0x24: {  	p0 =	sne.s32 s14, $0xC0;
	_ =	sdelay $0x4  }
0x25: {  	vm1 =	vgt.s32 v0, $0x0  }
0x26: {  	v0 =	vnsel vm1, $0x0, v0  }
0x27: {  	v0 =	vmin.u32 v0, $0x7FF  }
0x28: {  	v0 =	vshll.u32 v0, $0x6;
	_ =	sdelay $0x1  }
.Ltmp4:
0x29: {  	(pc) =	sbr.rel @p0 .LBB2_5-.Ltmp4, $4  }
0x2a: {  	_ = 	snop  }
0x2b: {  	s15 =	sshra.s32 s14, $0x2;
	s13 =	sadd.s32 $0x2000, s13  }
0x2c: {  	[tilespmem:s13], [sflag:$0x1] =	stream.indirect_vreg.gather [hbm:s2], $0x200, v0, vm0, $0x38;
	[tilespmem:$0x10080] =	vst v63  }
0x2d: {  	s14 =	sadd.s32 $0x40, s14;
	v0 =	vld.msk [tilespmem:s15+$0x40 ss:$0x1], $0xffff  }
0x2e: {  	_ =	sdelay $0x3  }
0x2f: {  	vm1 =	vgt.s32 v0, $0x0  }
0x30: {  	v0 =	vnsel vm1, $0x0, v0  }
0x31: {  	v0 =	vmin.u32 v0, $0x7FF  }
0x32: {  	v0 =	vshll.u32 v0, $0x6;
	_ =	sdelay $0x3  }
0x33: {  	s13 =	sadd.s32 $0x2000, s13  }
0x34: {  	[tilespmem:s13], [sflag:$0x1] =	stream.indirect_vreg.gather [hbm:s2], $0x200, v0, vm0, $0x38;
	[tilespmem:$0x10080] =	vst v63  }
0x35: {  	s12 =	sshll.u32 s12, $0x6;
	s14 =	simm.s32 $0x40;
	_ =	swait.ge [sflag:s4], $0x8000  }
0x36: {  	s15 =	simm.s32 $0x8280;
	s12 =	sadd.s32 s12, s3;
	[sflag:s4] =	ssyncset.done $0x0  }
0x37: {  	s16 =	sadd.s32 $0x0, s12;
	s13 =	simm.s32 $0x8080;
	[sflag:s4] =	ssyncadd.s32 $0xFFFF8000  }
.LBB2_7:
0x38: {  	[hbm:s16] =	stream.linear.scatter [tilespmem:s13], [sflag:$0x3], $0x200, $0x38;
	[tilespmem:$0x10080] =	vst v63  }
0x39: {  	s16 =	smov.u32 s14;
	s13 =	smov.u32 s15;
	p0 =	sne.s32 s14, $0xFC0  }
.Ltmp5:
0x3a: {  	s14 =	sadd.s32 $0x40, s14;
	(pc) =	sbr.rel @p0 .LBB2_7-.Ltmp5, $2  }
0x3b: {  	_ =	sdelay $0x2  }
0x3c: {  	s15 =	sadd.s32 $0x200, s15;
	s16 =	sadd.s32 s16, s12  }
.Ltmp6:
0x3d: {  	(pc) =	sbr.rel .LBB2_9-.Ltmp6, $2  }
0x3e: {  	_ =	sdelay $0x2  }
0x3f: {  	[hbm:s16] =	stream.linear.scatter [tilespmem:s13], [sflag:$0x3], $0x200, $0x38;
	[tilespmem:$0x10080] =	vst v63  }
.LBB2_2:
.Ltmp7:
0x40: {  	(pc) =	sbr.rel .LBB2_10-.Ltmp7, $4  }
0x41: {  	_ = 	snop  }
0x42: {  	s12 =	sshrl.u32 s11, $0x3  }
0x43: {  	s13 =	sand.u32 $0x7, s11;
	s12 =	sadd.s32 s7, s12  }
0x44: {  	[tilespmem:s9], [sflag:$0x2] =	stream.linear.gather [hbm4b:s12+s13], $0x40, $0x38;
	[tilespmem:$0x10080] =	vst v63  }
.LBB2_11:
0x45: {  	s2 =	simm.s32 $0x3  }
0x46: {  	_ =	swait.ge [sflag:s2], $0x8000  }
0x47: {  	[sflag:s2] =	ssyncset.done $0x0  }
0x48: {  	[sflag:s2] =	ssyncadd.s32 $0xFFFF8000  }
0x49: {  	_ =	sfence.sel $0x180000  }
0x4a: {  	s3 =	simm.s32 $0x2;
	[bflag:$0x0] =	sbarrier.arrive $0xFFFF  }
0x4b: {  	[sflag:s3] =	ssyncpa.u1 $0x1  }
0x4c: {  	s31 =	simm.s32 $0x1;
	[sflag:s2] =	ssyncpa.u1 $0x1  }
0x4d: {  	[sflag:s31] =	ssyncpa.u1 $0x1  }
0x4e: {  	p0 =	sne.s32 s1, $0x0;
	_ =	strace $0x90000047  }
0x4f: {  	s0 =	sadd.s32 @!p0 $0x100000, s0;
	[bflag:$0x2] =	sbarrier.arrive $0xFFFF  }
0x50: {  	[sflag:s0] =	ssyncadd.tile.s32 @!p0 $0x1;
	_ =	shalt  }
.Lfunc_end2:
_tile_overlayer_lowered:
.L_overlay_start_2:
0x51: {  	(tag) =	ssettag $0x2  }
0x52: {  	s0 =	rddreg [dreg:$0x0];
	s2 =	stileid.u32  }
0x53: {  	s1 =	rddreg [dreg:$0x1];
	p0 =	sne.s32 s2, $0x0  }
0x54: {  	s3 =	rddreg [dreg:$0x2];
	[bflag:$0x3] =	sbarrier.arrive $0xFFFF;
	s2 =	simm.s32 @!p0 $0x1C01  }
0x55: {  	[timem:s3], [sflag:s2] =	dma.local @!p0 [hbm:s0], s1  }
0x56: {  	s0 =	simm.s32 @!p0 $0x1  }
0x57: {  	_ =	swait.ge @!p0 [sflag:s0], s1  }
0x58: {  	s1 =	ssub.s32 @!p0 $0x0, s1;
	[sflag:s0] =	ssyncset.done @!p0 $0x0  }
0x59: {  	[sflag:s0] =	ssyncadd.s32 @!p0 s1  }
0x5a: {  	[bflag:$0x3] =	sbarrier.arrive $0xFFFF  }
0x5b: {  	_ =	shalt  }

</sc_bundles>
